<compile_context>
chip_gen: v7x
topology: tpu7x:2x2x1
jax: 0.10.2.dev20260603
libtpu: 0.0.44.dev20260713+nightly
codegen_flags: <defaults>
</compile_context>

<pallas_src>
import functools

import jax
import jax.numpy as jnp
from jax import lax
from jax.experimental import pallas as pl
from jax.experimental.pallas import tpu as pltpu
from jax.experimental.pallas import tpu_sc as plsc

N = 10000
D = 256
H = D // 2
E = 160000
NT = 16
EPT = E // NT
C = 80
RPT = E // NT // C
NB = 5
NPT = 640
SUB = 80
BN = 1024
NP = 10240


def _sc_body(xh, eidx, acc_out, deg_out, sidx, sidx2, didx, dld, bufs, ones_v,
             zbuf, zdeg, accum, deg, gsems, semd, semz):
    c = lax.axis_index("c")
    s = lax.axis_index("s")

    z32 = jnp.zeros((32,), jnp.bfloat16)
    z16 = jnp.zeros((16,), jnp.float32)
    o16 = jnp.ones((16,), jnp.float32)

    def zrow(i, _):
        for j in range(H // 32):
            zbuf[i, pl.ds(j * 32, 32)] = z32
        return _
    lax.fori_loop(0, 16, zrow, 0)
    for g in range(112 // 16):
        ones_v[pl.ds(g * 16, 16)] = o16
    for g in range(SUB // 16):
        zdeg[pl.ds(g * 16, 16)] = z16

    for k in range(NPT // SUB):
        nb = s * NPT + k * SUB

        @pl.when(nb < N)
        def _():
            for m in range(SUB // 16):
                pltpu.async_copy(zbuf, accum.at[pl.ds(nb + m * 16, 16), :],
                                 semz)
            pltpu.async_copy(zdeg, deg.at[pl.ds(nb, SUB)], semz)
    for k in range(NPT // SUB):
        nb = s * NPT + k * SUB

        @pl.when(nb < N)
        def _():
            for m in range(SUB // 16):
                pltpu.make_async_copy(
                    zbuf, accum.at[pl.ds(nb + m * 16, 16), :], semz).wait()
            pltpu.make_async_copy(zdeg, deg.at[pl.ds(nb, SUB)], semz).wait()

    plsc.subcore_barrier()

    pltpu.sync_copy(eidx.at[0, pl.ds(s * EPT, EPT)], sidx)
    pltpu.sync_copy(eidx.at[1, pl.ds(s * EPT, EPT)], dld)

    def sbody(g, carry):
        for k in range(C // 16):
            sl = pl.ds(g * C + k * 16, 16)
            sidx2[g, pl.ds(k * 16, 16)] = sidx[sl] * 2 + c
            didx[g, pl.ds(k * 16, 16)] = dld[sl]
        return carry
    lax.fori_loop(0, RPT, sbody, 0)

    half = RPT // 2

    def deg_scatter(j):
        mine = lax.select(c == 0, j < half, j >= half)

        @pl.when(mine)
        def _():
            pltpu.async_copy(ones_v.at[pl.ds(0, C)], deg.at[didx.at[j]],
                             semd, add=True)

    for r in range(NB):
        pltpu.async_copy(xh.at[sidx2.at[r]], bufs.at[r], gsems[r])

    def chunk(i, carry):
        for r in range(NB):
            j = NB * i + r
            pltpu.make_async_copy(xh.at[sidx2.at[j]],
                                  bufs.at[r], gsems[r]).wait()
            pltpu.sync_copy(bufs.at[r], accum.at[didx.at[j]], add=True)
            deg_scatter(j)

            @pl.when(j + NB < RPT)
            def _():
                pltpu.async_copy(xh.at[sidx2.at[j + NB]], bufs.at[r],
                                 gsems[r])
        return carry
    lax.fori_loop(0, RPT // NB, chunk, 0)

    ndeg = lax.select(c == 0, half, RPT - half)

    def deg_drain(i, carry):
        @pl.when(i < ndeg)
        def _():
            pltpu.make_async_copy(ones_v.at[pl.ds(0, C)], deg.at[didx.at[0]],
                                  semd).wait()
        return carry
    lax.fori_loop(0, RPT - half, deg_drain, 0)

    plsc.subcore_barrier()

    for k in range(NPT // SUB):
        nb = s * NPT + k * SUB

        @pl.when(nb < N)
        def _():
            pltpu.sync_copy(accum.at[pl.ds(nb, SUB), :],
                            acc_out.at[c, pl.ds(nb, SUB), :])
            pltpu.sync_copy(deg.at[pl.ds(nb, SUB)],
                            deg_out.at[c, pl.ds(nb, SUB)])


@jax.jit
def _sc_aggregate(xh, eidx):
    mesh = plsc.VectorSubcoreMesh(core_axis_name="c", subcore_axis_name="s")
    f = functools.partial(
        pl.kernel,
        mesh=mesh,
        compiler_params=pltpu.CompilerParams(use_tc_tiling_on_sc=False),
        out_type=(
            jax.ShapeDtypeStruct((2, N, H), jnp.bfloat16),
            jax.ShapeDtypeStruct((2, NP), jnp.float32),
        ),
        scratch_types=[
            pltpu.VMEM((EPT,), jnp.int32),
            pltpu.VMEM((RPT, C), jnp.int32),
            pltpu.VMEM((RPT, C), jnp.int32),
            pltpu.VMEM((EPT,), jnp.int32),
            pltpu.VMEM((NB, C, H), jnp.bfloat16),
            pltpu.VMEM((112,), jnp.float32),
            pltpu.VMEM((16, H), jnp.bfloat16),
            pltpu.VMEM((SUB,), jnp.float32),
            pltpu.VMEM_SHARED((N, H), jnp.bfloat16),
            pltpu.VMEM_SHARED((N,), jnp.float32),
            [pltpu.SemaphoreType.DMA] * NB,
            pltpu.SemaphoreType.DMA,
            pltpu.SemaphoreType.DMA,
        ],
    )(_sc_body)
    return f(xh, eidx)


def _tc_body(x_ref, a_ref, deg_ref, out_ref):
    i = pl.program_id(0)
    x = x_ref[...]
    acc = jnp.concatenate([a_ref[0], a_ref[1]], axis=1).astype(jnp.float32)
    off = pl.multiple_of(i * BN, 128)
    d0 = deg_ref[0, pl.ds(off, BN)]
    d1 = deg_ref[1, pl.ds(off, BN)]
    inv = 1.0 / (d0 + d1 + 1.0)
    red = (acc + x) * inv[:, None]
    out_ref[:, :D] = x
    out_ref[:, D:] = red


@jax.jit
def _tc_epilogue(x, acc, deg):
    return pl.pallas_call(
        _tc_body,
        grid=(NP // BN,),
        in_specs=[
            pl.BlockSpec((BN, D), lambda i: (i, 0)),
            pl.BlockSpec((2, BN, H), lambda i: (0, i, 0)),
            pl.BlockSpec((2, NP), lambda i: (0, 0)),
        ],
        out_specs=pl.BlockSpec((BN, 2 * D), lambda i: (i, 0)),
        out_shape=jax.ShapeDtypeStruct((N, 2 * D), jnp.float32),
    )(x, acc, deg)


def kernel(x, edge_index):
    xh = x.astype(jnp.bfloat16).reshape(2 * N, H)
    acc, deg = _sc_aggregate(xh, edge_index)
    return _tc_epilogue(x, acc, deg)

# --- scband reference (transcript-rebuilt; emitter-appended) ---
"""Pipeline reference for scband-node-graph-neighbourhood-55843164783209 (READ-ONLY COPY).

The authoritative reference and input builder live on the scoring server;
editing this copy changes nothing except your own understanding.
"""

import jax, jax.numpy as jnp
import numpy as np

N = 10000   # n_nodes
E = 160000  # n_edges = n_nodes * avg_degree(16)
D = 256     # d_feat


def setup_inputs(seed: int = 0) -> dict:
    key = jax.random.key(seed)
    k1, k2 = jax.random.split(key)
    x = jax.random.normal(k1, (N, D), dtype=jnp.float32)
    edge_index = jax.random.randint(k2, (2, E), 0, N, dtype=jnp.int32)
    return {"x": x, "edge_index": edge_index}


def reference(x, edge_index):
    """Faithful jax translation of NodeGraphNeighbourhood.forward with
    depth-1 traversal (node + its neighbors, include_self=True) and a
    mean reducer. The original iterates every node, collects its
    1-hop neighbourhood via graph.adjacency, reduces neighbour features,
    and concatenates the reduced tensor onto node_tensor along dim 1.
    Vectorised here: gather source features per edge, segment-sum into
    destination nodes, add the self feature, divide by (degree + 1),
    then concatenate along the feature axis.
    """
    src = edge_index[0]
    dst = edge_index[1]
    msgs = jnp.take(x, src, axis=0)                                  # gather [E, D]
    neigh_sum = jax.ops.segment_sum(msgs, dst, num_segments=N)       # scatter-add [N, D]
    deg = jax.ops.segment_sum(jnp.ones((E,), dtype=x.dtype), dst, num_segments=N)
    total = neigh_sum + x            # include_self=True
    count = deg + jnp.asarray(1.0, dtype=x.dtype)
    reduced = total / count[:, None]
    out = jnp.concatenate([x, reduced], axis=1)                      # [N, 2*D]
    return out

if __name__ == "__main__":
    import jax
    _d = setup_inputs()
    print(jax.jit(kernel)(*tuple(_d.values())))

</pallas_src>

<mosaic_0001>
#map = affine_map<(d0, d1) -> (0, 0)>
#map1 = affine_map<(d0, d1) -> (0, 0, 0)>
module attributes {stable_mosaic.version = 14 : i64} {
  func.func @_sc_body(%arg0: i32, %arg1: i32, %arg2: memref<20000x128xbf16, #tpu.memory_space<hbm>>, %arg3: memref<2x160000xi32, #tpu.memory_space<hbm>>, %arg4: memref<2x10000x128xbf16, #tpu.memory_space<hbm>>, %arg5: memref<2x10240xf32, #tpu.memory_space<hbm>>, %arg6: memref<10000xi32, #tpu.memory_space<vmem>>, %arg7: memref<125x80xi32, #tpu.memory_space<vmem>>, %arg8: memref<125x80xi32, #tpu.memory_space<vmem>>, %arg9: memref<10000xi32, #tpu.memory_space<vmem>>, %arg10: memref<5x80x128xbf16, #tpu.memory_space<vmem>>, %arg11: memref<112xf32, #tpu.memory_space<vmem>>, %arg12: memref<16x128xbf16, #tpu.memory_space<vmem>>, %arg13: memref<80xf32, #tpu.memory_space<vmem>>, %arg14: memref<10000x128xbf16, #tpu.memory_space<vmem_shared>>, %arg15: memref<10000xf32, #tpu.memory_space<vmem_shared>>, %arg16: memref<!tpu.dma_semaphore, #tpu.memory_space<semaphore_mem>>, %arg17: memref<!tpu.dma_semaphore, #tpu.memory_space<semaphore_mem>>, %arg18: memref<!tpu.dma_semaphore, #tpu.memory_space<semaphore_mem>>, %arg19: memref<!tpu.dma_semaphore, #tpu.memory_space<semaphore_mem>>, %arg20: memref<!tpu.dma_semaphore, #tpu.memory_space<semaphore_mem>>, %arg21: memref<!tpu.dma_semaphore, #tpu.memory_space<semaphore_mem>>, %arg22: memref<!tpu.dma_semaphore, #tpu.memory_space<semaphore_mem>>) attributes {dimension_semantics = [#tpu.dimension_semantics<core_parallel>, #tpu.dimension_semantics<subcore_parallel>], iteration_bounds = array<i64: 2, 16>, scalar_prefetch = 0 : i64, scratch_operands = 17 : i64, tpu.core_type = #tpu.core_type<sc_vector_subcore>, window_params = [{transform_indices = #map}, {transform_indices = #map}, {transform_indices = #map1}, {transform_indices = #map}]} {
    %broadcast_in_dim3A = arith.constant 0.000000e+00 : bf16
    %broadcast_in_dim3A_0 = vector.broadcast %broadcast_in_dim3A : bf16 to vector<32xbf16>
    %broadcast_in_dim3A_1 = arith.constant 0.000000e+00 : f32
    %broadcast_in_dim3A_2 = vector.broadcast %broadcast_in_dim3A_1 : f32 to vector<16xf32>
    %broadcast_in_dim3A_3 = arith.constant 1.000000e+00 : f32
    %broadcast_in_dim3A_4 = vector.broadcast %broadcast_in_dim3A_3 : f32 to vector<16xf32>
    %scan3A = arith.constant 0 : i32
    %scan3A_5 = arith.constant 0 : i32
    %scan3A_6 = arith.constant 16 : i32
    %scan3A_7 = arith.addi %scan3A_5, %scan3A_6 : i32
    %scan3A_8 = arith.constant 1 : i32
    scf.for %scan3A_354 = %scan3A_5 to %scan3A_7 step %scan3A_8  : i32 {
      %swap3A_355 = arith.index_cast %scan3A_354 : i32 to index
      %swap3A_356 = arith.constant 0 : index
      %swap3A_357 = tpu.vector_load %arg12[%swap3A_355, %swap3A_356] {strides = array<i32>} : memref<16x128xbf16, #tpu.memory_space<vmem>>, vector<1x32xbf16>,
      %swap3A_358 = vector.shape_cast %swap3A_357 : vector<1x32xbf16> to vector<32xbf16>
      %swap3A_359 = vector.shape_cast %broadcast_in_dim3A_0 : vector<32xbf16> to vector<1x32xbf16>
      tpu.vector_store %arg12[%swap3A_355, %swap3A_356], %swap3A_359 {strides = array<i32>} : memref<16x128xbf16, #tpu.memory_space<vmem>>, vector<1x32xbf16>,
      %swap3A_360 = arith.index_cast %scan3A_354 : i32 to index
      %swap3A_361 = arith.constant 32 : index
      %swap3A_362 = tpu.vector_load %arg12[%swap3A_360, %swap3A_361] {strides = array<i32>} : memref<16x128xbf16, #tpu.memory_space<vmem>>, vector<1x32xbf16>,
      %swap3A_363 = vector.shape_cast %swap3A_362 : vector<1x32xbf16> to vector<32xbf16>
      %swap3A_364 = vector.shape_cast %broadcast_in_dim3A_0 : vector<32xbf16> to vector<1x32xbf16>
      tpu.vector_store %arg12[%swap3A_360, %swap3A_361], %swap3A_364 {strides = array<i32>} : memref<16x128xbf16, #tpu.memory_space<vmem>>, vector<1x32xbf16>,
      %swap3A_365 = arith.index_cast %scan3A_354 : i32 to index
      %swap3A_366 = arith.constant 64 : index
      %swap3A_367 = tpu.vector_load %arg12[%swap3A_365, %swap3A_366] {strides = array<i32>} : memref<16x128xbf16, #tpu.memory_space<vmem>>, vector<1x32xbf16>,
      %swap3A_368 = vector.shape_cast %swap3A_367 : vector<1x32xbf16> to vector<32xbf16>
      %swap3A_369 = vector.shape_cast %broadcast_in_dim3A_0 : vector<32xbf16> to vector<1x32xbf16>
      tpu.vector_store %arg12[%swap3A_365, %swap3A_366], %swap3A_369 {strides = array<i32>} : memref<16x128xbf16, #tpu.memory_space<vmem>>, vector<1x32xbf16>,
      %swap3A_370 = arith.index_cast %scan3A_354 : i32 to index
      %swap3A_371 = arith.constant 96 : index
      %swap3A_372 = tpu.vector_load %arg12[%swap3A_370, %swap3A_371] {strides = array<i32>} : memref<16x128xbf16, #tpu.memory_space<vmem>>, vector<1x32xbf16>,
      %swap3A_373 = vector.shape_cast %swap3A_372 : vector<1x32xbf16> to vector<32xbf16>
      %swap3A_374 = vector.shape_cast %broadcast_in_dim3A_0 : vector<32xbf16> to vector<1x32xbf16>
      tpu.vector_store %arg12[%swap3A_370, %swap3A_371], %swap3A_374 {strides = array<i32>} : memref<16x128xbf16, #tpu.memory_space<vmem>>, vector<1x32xbf16>,
    }
    %scan3A_9 = arith.constant 16 : i32
    %swap3A = arith.constant 0 : index
    %swap3A_10 = tpu.vector_load %arg11[%swap3A] {strides = array<i32>} : memref<112xf32, #tpu.memory_space<vmem>>, vector<16xf32>,
    %swap3A_11 = vector.shape_cast %swap3A_10 : vector<16xf32> to vector<16xf32>
    %swap3A_12 = vector.shape_cast %broadcast_in_dim3A_4 : vector<16xf32> to vector<16xf32>
    tpu.vector_store %arg11[%swap3A], %swap3A_12 {strides = array<i32>} : memref<112xf32, #tpu.memory_space<vmem>>, vector<16xf32>,
    %swap3A_13 = arith.constant 16 : index
    %swap3A_14 = tpu.vector_load %arg11[%swap3A_13] {strides = array<i32>} : memref<112xf32, #tpu.memory_space<vmem>>, vector<16xf32>,
    %swap3A_15 = vector.shape_cast %swap3A_14 : vector<16xf32> to vector<16xf32>
    %swap3A_16 = vector.shape_cast %broadcast_in_dim3A_4 : vector<16xf32> to vector<16xf32>
    tpu.vector_store %arg11[%swap3A_13], %swap3A_16 {strides = array<i32>} : memref<112xf32, #tpu.memory_space<vmem>>, vector<16xf32>,
    %swap3A_17 = arith.constant 32 : index
    %swap3A_18 = tpu.vector_load %arg11[%swap3A_17] {strides = array<i32>} : memref<112xf32, #tpu.memory_space<vmem>>, vector<16xf32>,
    %swap3A_19 = vector.shape_cast %swap3A_18 : vector<16xf32> to vector<16xf32>
    %swap3A_20 = vector.shape_cast %broadcast_in_dim3A_4 : vector<16xf32> to vector<16xf32>
    tpu.vector_store %arg11[%swap3A_17], %swap3A_20 {strides = array<i32>} : memref<112xf32, #tpu.memory_space<vmem>>, vector<16xf32>,
    %swap3A_21 = arith.constant 48 : index
    %swap3A_22 = tpu.vector_load %arg11[%swap3A_21] {strides = array<i32>} : memref<112xf32, #tpu.memory_space<vmem>>, vector<16xf32>,
    %swap3A_23 = vector.shape_cast %swap3A_22 : vector<16xf32> to vector<16xf32>
    %swap3A_24 = vector.shape_cast %broadcast_in_dim3A_4 : vector<16xf32> to vector<16xf32>
    tpu.vector_store %arg11[%swap3A_21], %swap3A_24 {strides = array<i32>} : memref<112xf32, #tpu.memory_space<vmem>>, vector<16xf32>,
    %swap3A_25 = arith.constant 64 : index
    %swap3A_26 = tpu.vector_load %arg11[%swap3A_25] {strides = array<i32>} : memref<112xf32, #tpu.memory_space<vmem>>, vector<16xf32>,
    %swap3A_27 = vector.shape_cast %swap3A_26 : vector<16xf32> to vector<16xf32>
    %swap3A_28 = vector.shape_cast %broadcast_in_dim3A_4 : vector<16xf32> to vector<16xf32>
    tpu.vector_store %arg11[%swap3A_25], %swap3A_28 {strides = array<i32>} : memref<112xf32, #tpu.memory_space<vmem>>, vector<16xf32>,
    %swap3A_29 = arith.constant 80 : index
    %swap3A_30 = tpu.vector_load %arg11[%swap3A_29] {strides = array<i32>} : memref<112xf32, #tpu.memory_space<vmem>>, vector<16xf32>,
    %swap3A_31 = vector.shape_cast %swap3A_30 : vector<16xf32> to vector<16xf32>
    %swap3A_32 = vector.shape_cast %broadcast_in_dim3A_4 : vector<16xf32> to vector<16xf32>
    tpu.vector_store %arg11[%swap3A_29], %swap3A_32 {strides = array<i32>} : memref<112xf32, #tpu.memory_space<vmem>>, vector<16xf32>,
    %swap3A_33 = arith.constant 96 : index
    %swap3A_34 = tpu.vector_load %arg11[%swap3A_33] {strides = array<i32>} : memref<112xf32, #tpu.memory_space<vmem>>, vector<16xf32>,
    %swap3A_35 = vector.shape_cast %swap3A_34 : vector<16xf32> to vector<16xf32>
    %swap3A_36 = vector.shape_cast %broadcast_in_dim3A_4 : vector<16xf32> to vector<16xf32>
    tpu.vector_store %arg11[%swap3A_33], %swap3A_36 {strides = array<i32>} : memref<112xf32, #tpu.memory_space<vmem>>, vector<16xf32>,
    %swap3A_37 = arith.constant 0 : index
    %swap3A_38 = tpu.vector_load %arg13[%swap3A_37] {strides = array<i32>} : memref<80xf32, #tpu.memory_space<vmem>>, vector<16xf32>,
    %swap3A_39 = vector.shape_cast %swap3A_38 : vector<16xf32> to vector<16xf32>
    %swap3A_40 = vector.shape_cast %broadcast_in_dim3A_2 : vector<16xf32> to vector<16xf32>
    tpu.vector_store %arg13[%swap3A_37], %swap3A_40 {strides = array<i32>} : memref<80xf32, #tpu.memory_space<vmem>>, vector<16xf32>,
    %swap3A_41 = arith.constant 16 : index
    %swap3A_42 = tpu.vector_load %arg13[%swap3A_41] {strides = array<i32>} : memref<80xf32, #tpu.memory_space<vmem>>, vector<16xf32>,
    %swap3A_43 = vector.shape_cast %swap3A_42 : vector<16xf32> to vector<16xf32>
    %swap3A_44 = vector.shape_cast %broadcast_in_dim3A_2 : vector<16xf32> to vector<16xf32>
    tpu.vector_store %arg13[%swap3A_41], %swap3A_44 {strides = array<i32>} : memref<80xf32, #tpu.memory_space<vmem>>, vector<16xf32>,
    %swap3A_45 = arith.constant 32 : index
    %swap3A_46 = tpu.vector_load %arg13[%swap3A_45] {strides = array<i32>} : memref<80xf32, #tpu.memory_space<vmem>>, vector<16xf32>,
    %swap3A_47 = vector.shape_cast %swap3A_46 : vector<16xf32> to vector<16xf32>
    %swap3A_48 = vector.shape_cast %broadcast_in_dim3A_2 : vector<16xf32> to vector<16xf32>
    tpu.vector_store %arg13[%swap3A_45], %swap3A_48 {strides = array<i32>} : memref<80xf32, #tpu.memory_space<vmem>>, vector<16xf32>,
    %swap3A_49 = arith.constant 48 : index
    %swap3A_50 = tpu.vector_load %arg13[%swap3A_49] {strides = array<i32>} : memref<80xf32, #tpu.memory_space<vmem>>, vector<16xf32>,
    %swap3A_51 = vector.shape_cast %swap3A_50 : vector<16xf32> to vector<16xf32>
    %swap3A_52 = vector.shape_cast %broadcast_in_dim3A_2 : vector<16xf32> to vector<16xf32>
    tpu.vector_store %arg13[%swap3A_49], %swap3A_52 {strides = array<i32>} : memref<80xf32, #tpu.memory_space<vmem>>, vector<16xf32>,
    %swap3A_53 = arith.constant 64 : index
    %swap3A_54 = tpu.vector_load %arg13[%swap3A_53] {strides = array<i32>} : memref<80xf32, #tpu.memory_space<vmem>>, vector<16xf32>,
    %swap3A_55 = vector.shape_cast %swap3A_54 : vector<16xf32> to vector<16xf32>
    %swap3A_56 = vector.shape_cast %broadcast_in_dim3A_2 : vector<16xf32> to vector<16xf32>
    tpu.vector_store %arg13[%swap3A_53], %swap3A_56 {strides = array<i32>} : memref<80xf32, #tpu.memory_space<vmem>>, vector<16xf32>,
    %mul3A = arith.constant 640 : i32
    %mul3A_57 = arith.muli %arg1, %mul3A : i32
    %add3A = arith.constant 0 : i32
    %add3A_58 = arith.addi %mul3A_57, %add3A : i32
    %lt3A = arith.constant 10000 : i32
    %lt3A_59 = arith.cmpi slt, %add3A_58, %lt3A : i32
    %convert_element_type3A = arith.extui %lt3A_59 : i1 to i32
    %cond3A = arith.constant 0 : i32
    %cond3A_60 = arith.cmpi ne, %convert_element_type3A, %cond3A : i32
    scf.if %cond3A_60 {
      %add3A_354 = arith.constant 0 : i32
      %add3A_355 = arith.addi %add3A_58, %add3A_354 : i32
      %dma_start3A_356 = arith.constant 0 : i32
      %dma_start3A_357 = tpu.memref_slice %arg14[%add3A_355, %dma_start3A_356] : memref<10000x128xbf16, #tpu.memory_space<vmem_shared>> -> memref<16x128xbf16, #tpu.memory_space<vmem_shared>>
      %dma_start3A_358 = arith.constant 0 : i32
      %dma_start3A_359 = tpu.memref_slice %arg14[%add3A_355, %dma_start3A_358] : memref<10000x128xbf16, #tpu.memory_space<vmem_shared>> -> memref<16x128xbf16, #tpu.memory_space<vmem_shared>>
      tpu.enqueue_dma source(%arg12 : memref<16x128xbf16, #tpu.memory_space<vmem>>) target(%dma_start3A_359 : memref<16x128xbf16, #tpu.memory_space<vmem_shared>>) target_semaphore(%arg22 : memref<!tpu.dma_semaphore, #tpu.memory_space<semaphore_mem>>)
      %add3A_360 = arith.constant 16 : i32
      %add3A_361 = arith.addi %add3A_58, %add3A_360 : i32
      %dma_start3A_362 = arith.constant 0 : i32
      %dma_start3A_363 = tpu.memref_slice %arg14[%add3A_361, %dma_start3A_362] : memref<10000x128xbf16, #tpu.memory_space<vmem_shared>> -> memref<16x128xbf16, #tpu.memory_space<vmem_shared>>
      %dma_start3A_364 = arith.constant 0 : i32
      %dma_start3A_365 = tpu.memref_slice %arg14[%add3A_361, %dma_start3A_364] : memref<10000x128xbf16, #tpu.memory_space<vmem_shared>> -> memref<16x128xbf16, #tpu.memory_space<vmem_shared>>
      tpu.enqueue_dma source(%arg12 : memref<16x128xbf16, #tpu.memory_space<vmem>>) target(%dma_start3A_365 : memref<16x128xbf16, #tpu.memory_space<vmem_shared>>) target_semaphore(%arg22 : memref<!tpu.dma_semaphore, #tpu.memory_space<semaphore_mem>>)
      %add3A_366 = arith.constant 32 : i32
      %add3A_367 = arith.addi %add3A_58, %add3A_366 : i32
      %dma_start3A_368 = arith.constant 0 : i32
      %dma_start3A_369 = tpu.memref_slice %arg14[%add3A_367, %dma_start3A_368] : memref<10000x128xbf16, #tpu.memory_space<vmem_shared>> -> memref<16x128xbf16, #tpu.memory_space<vmem_shared>>
      %dma_start3A_370 = arith.constant 0 : i32
      %dma_start3A_371 = tpu.memref_slice %arg14[%add3A_367, %dma_start3A_370] : memref<10000x128xbf16, #tpu.memory_space<vmem_shared>> -> memref<16x128xbf16, #tpu.memory_space<vmem_shared>>
      tpu.enqueue_dma source(%arg12 : memref<16x128xbf16, #tpu.memory_space<vmem>>) target(%dma_start3A_371 : memref<16x128xbf16, #tpu.memory_space<vmem_shared>>) target_semaphore(%arg22 : memref<!tpu.dma_semaphore, #tpu.memory_space<semaphore_mem>>)
      %add3A_372 = arith.constant 48 : i32
      %add3A_373 = arith.addi %add3A_58, %add3A_372 : i32
      %dma_start3A_374 = arith.constant 0 : i32
      %dma_start3A_375 = tpu.memref_slice %arg14[%add3A_373, %dma_start3A_374] : memref<10000x128xbf16, #tpu.memory_space<vmem_shared>> -> memref<16x128xbf16, #tpu.memory_space<vmem_shared>>
      %dma_start3A_376 = arith.constant 0 : i32
      %dma_start3A_377 = tpu.memref_slice %arg14[%add3A_373, %dma_start3A_376] : memref<10000x128xbf16, #tpu.memory_space<vmem_shared>> -> memref<16x128xbf16, #tpu.memory_space<vmem_shared>>
      tpu.enqueue_dma source(%arg12 : memref<16x128xbf16, #tpu.memory_space<vmem>>) target(%dma_start3A_377 : memref<16x128xbf16, #tpu.memory_space<vmem_shared>>) target_semaphore(%arg22 : memref<!tpu.dma_semaphore, #tpu.memory_space<semaphore_mem>>)
      %add3A_378 = arith.constant 64 : i32
      %add3A_379 = arith.addi %add3A_58, %add3A_378 : i32
      %dma_start3A_380 = arith.constant 0 : i32
      %dma_start3A_381 = tpu.memref_slice %arg14[%add3A_379, %dma_start3A_380] : memref<10000x128xbf16, #tpu.memory_space<vmem_shared>> -> memref<16x128xbf16, #tpu.memory_space<vmem_shared>>
      %dma_start3A_382 = arith.constant 0 : i32
      %dma_start3A_383 = tpu.memref_slice %arg14[%add3A_379, %dma_start3A_382] : memref<10000x128xbf16, #tpu.memory_space<vmem_shared>> -> memref<16x128xbf16, #tpu.memory_space<vmem_shared>>
      tpu.enqueue_dma source(%arg12 : memref<16x128xbf16, #tpu.memory_space<vmem>>) target(%dma_start3A_383 : memref<16x128xbf16, #tpu.memory_space<vmem_shared>>) target_semaphore(%arg22 : memref<!tpu.dma_semaphore, #tpu.memory_space<semaphore_mem>>)
      %dma_start3A_384 = tpu.memref_slice %arg15[%add3A_58] : memref<10000xf32, #tpu.memory_space<vmem_shared>> -> memref<80xf32, #tpu.memory_space<vmem_shared>>
      %dma_start3A_385 = tpu.memref_slice %arg15[%add3A_58] : memref<10000xf32, #tpu.memory_space<vmem_shared>> -> memref<80xf32, #tpu.memory_space<vmem_shared>>
      tpu.enqueue_dma source(%arg13 : memref<80xf32, #tpu.memory_space<vmem>>) target(%dma_start3A_385 : memref<80xf32, #tpu.memory_space<vmem_shared>>) target_semaphore(%arg22 : memref<!tpu.dma_semaphore, #tpu.memory_space<semaphore_mem>>)
    } else {
    }
    %mul3A_61 = arith.constant 640 : i32
    %mul3A_62 = arith.muli %arg1, %mul3A_61 : i32
    %add3A_63 = arith.constant 80 : i32
    %add3A_64 = arith.addi %mul3A_62, %add3A_63 : i32
    %lt3A_65 = arith.constant 10000 : i32
    %lt3A_66 = arith.cmpi slt, %add3A_64, %lt3A_65 : i32
    %convert_element_type3A_67 = arith.extui %lt3A_66 : i1 to i32
    %cond3A_68 = arith.constant 0 : i32
    %cond3A_69 = arith.cmpi ne, %convert_element_type3A_67, %cond3A_68 : i32
    scf.if %cond3A_69 {
      %add3A_354 = arith.constant 0 : i32
      %add3A_355 = arith.addi %add3A_64, %add3A_354 : i32
      %dma_start3A_356 = arith.constant 0 : i32
      %dma_start3A_357 = tpu.memref_slice %arg14[%add3A_355, %dma_start3A_356] : memref<10000x128xbf16, #tpu.memory_space<vmem_shared>> -> memref<16x128xbf16, #tpu.memory_space<vmem_shared>>
      %dma_start3A_358 = arith.constant 0 : i32
      %dma_start3A_359 = tpu.memref_slice %arg14[%add3A_355, %dma_start3A_358] : memref<10000x128xbf16, #tpu.memory_space<vmem_shared>> -> memref<16x128xbf16, #tpu.memory_space<vmem_shared>>
      tpu.enqueue_dma source(%arg12 : memref<16x128xbf16, #tpu.memory_space<vmem>>) target(%dma_start3A_359 : memref<16x128xbf16, #tpu.memory_space<vmem_shared>>) target_semaphore(%arg22 : memref<!tpu.dma_semaphore, #tpu.memory_space<semaphore_mem>>)
      %add3A_360 = arith.constant 16 : i32
      %add3A_361 = arith.addi %add3A_64, %add3A_360 : i32
      %dma_start3A_362 = arith.constant 0 : i32
      %dma_start3A_363 = tpu.memref_slice %arg14[%add3A_361, %dma_start3A_362] : memref<10000x128xbf16, #tpu.memory_space<vmem_shared>> -> memref<16x128xbf16, #tpu.memory_space<vmem_shared>>
      %dma_start3A_364 = arith.constant 0 : i32
      %dma_start3A_365 = tpu.memref_slice %arg14[%add3A_361, %dma_start3A_364] : memref<10000x128xbf16, #tpu.memory_space<vmem_shared>> -> memref<16x128xbf16, #tpu.memory_space<vmem_shared>>
      tpu.enqueue_dma source(%arg12 : memref<16x128xbf16, #tpu.memory_space<vmem>>) target(%dma_start3A_365 : memref<16x128xbf16, #tpu.memory_space<vmem_shared>>) target_semaphore(%arg22 : memref<!tpu.dma_semaphore, #tpu.memory_space<semaphore_mem>>)
      %add3A_366 = arith.constant 32 : i32
      %add3A_367 = arith.addi %add3A_64, %add3A_366 : i32
      %dma_start3A_368 = arith.constant 0 : i32
      %dma_start3A_369 = tpu.memref_slice %arg14[%add3A_367, %dma_start3A_368] : memref<10000x128xbf16, #tpu.memory_space<vmem_shared>> -> memref<16x128xbf16, #tpu.memory_space<vmem_shared>>
      %dma_start3A_370 = arith.constant 0 : i32
      %dma_start3A_371 = tpu.memref_slice %arg14[%add3A_367, %dma_start3A_370] : memref<10000x128xbf16, #tpu.memory_space<vmem_shared>> -> memref<16x128xbf16, #tpu.memory_space<vmem_shared>>
      tpu.enqueue_dma source(%arg12 : memref<16x128xbf16, #tpu.memory_space<vmem>>) target(%dma_start3A_371 : memref<16x128xbf16, #tpu.memory_space<vmem_shared>>) target_semaphore(%arg22 : memref<!tpu.dma_semaphore, #tpu.memory_space<semaphore_mem>>)
      %add3A_372 = arith.constant 48 : i32
      %add3A_373 = arith.addi %add3A_64, %add3A_372 : i32
      %dma_start3A_374 = arith.constant 0 : i32
      %dma_start3A_375 = tpu.memref_slice %arg14[%add3A_373, %dma_start3A_374] : memref<10000x128xbf16, #tpu.memory_space<vmem_shared>> -> memref<16x128xbf16, #tpu.memory_space<vmem_shared>>
      %dma_start3A_376 = arith.constant 0 : i32
      %dma_start3A_377 = tpu.memref_slice %arg14[%add3A_373, %dma_start3A_376] : memref<10000x128xbf16, #tpu.memory_space<vmem_shared>> -> memref<16x128xbf16, #tpu.memory_space<vmem_shared>>
      tpu.enqueue_dma source(%arg12 : memref<16x128xbf16, #tpu.memory_space<vmem>>) target(%dma_start3A_377 : memref<16x128xbf16, #tpu.memory_space<vmem_shared>>) target_semaphore(%arg22 : memref<!tpu.dma_semaphore, #tpu.memory_space<semaphore_mem>>)
      %add3A_378 = arith.constant 64 : i32
      %add3A_379 = arith.addi %add3A_64, %add3A_378 : i32
      %dma_start3A_380 = arith.constant 0 : i32
      %dma_start3A_381 = tpu.memref_slice %arg14[%add3A_379, %dma_start3A_380] : memref<10000x128xbf16, #tpu.memory_space<vmem_shared>> -> memref<16x128xbf16, #tpu.memory_space<vmem_shared>>
      %dma_start3A_382 = arith.constant 0 : i32
      %dma_start3A_383 = tpu.memref_slice %arg14[%add3A_379, %dma_start3A_382] : memref<10000x128xbf16, #tpu.memory_space<vmem_shared>> -> memref<16x128xbf16, #tpu.memory_space<vmem_shared>>
      tpu.enqueue_dma source(%arg12 : memref<16x128xbf16, #tpu.memory_space<vmem>>) target(%dma_start3A_383 : memref<16x128xbf16, #tpu.memory_space<vmem_shared>>) target_semaphore(%arg22 : memref<!tpu.dma_semaphore, #tpu.memory_space<semaphore_mem>>)
      %dma_start3A_384 = tpu.memref_slice %arg15[%add3A_64] : memref<10000xf32, #tpu.memory_space<vmem_shared>> -> memref<80xf32, #tpu.memory_space<vmem_shared>>
      %dma_start3A_385 = tpu.memref_slice %arg15[%add3A_64] : memref<10000xf32, #tpu.memory_space<vmem_shared>> -> memref<80xf32, #tpu.memory_space<vmem_shared>>
      tpu.enqueue_dma source(%arg13 : memref<80xf32, #tpu.memory_space<vmem>>) target(%dma_start3A_385 : memref<80xf32, #tpu.memory_space<vmem_shared>>) target_semaphore(%arg22 : memref<!tpu.dma_semaphore, #tpu.memory_space<semaphore_mem>>)
    } else {
    }
    %mul3A_70 = arith.constant 640 : i32
    %mul3A_71 = arith.muli %arg1, %mul3A_70 : i32
    %add3A_72 = arith.constant 160 : i32
    %add3A_73 = arith.addi %mul3A_71, %add3A_72 : i32
    %lt3A_74 = arith.constant 10000 : i32
    %lt3A_75 = arith.cmpi slt, %add3A_73, %lt3A_74 : i32
    %convert_element_type3A_76 = arith.extui %lt3A_75 : i1 to i32
    %cond3A_77 = arith.constant 0 : i32
    %cond3A_78 = arith.cmpi ne, %convert_element_type3A_76, %cond3A_77 : i32
    scf.if %cond3A_78 {
      %add3A_354 = arith.constant 0 : i32
      %add3A_355 = arith.addi %add3A_73, %add3A_354 : i32
      %dma_start3A_356 = arith.constant 0 : i32
      %dma_start3A_357 = tpu.memref_slice %arg14[%add3A_355, %dma_start3A_356] : memref<10000x128xbf16, #tpu.memory_space<vmem_shared>> -> memref<16x128xbf16, #tpu.memory_space<vmem_shared>>
      %dma_start3A_358 = arith.constant 0 : i32
      %dma_start3A_359 = tpu.memref_slice %arg14[%add3A_355, %dma_start3A_358] : memref<10000x128xbf16, #tpu.memory_space<vmem_shared>> -> memref<16x128xbf16, #tpu.memory_space<vmem_shared>>
      tpu.enqueue_dma source(%arg12 : memref<16x128xbf16, #tpu.memory_space<vmem>>) target(%dma_start3A_359 : memref<16x128xbf16, #tpu.memory_space<vmem_shared>>) target_semaphore(%arg22 : memref<!tpu.dma_semaphore, #tpu.memory_space<semaphore_mem>>)
      %add3A_360 = arith.constant 16 : i32
      %add3A_361 = arith.addi %add3A_73, %add3A_360 : i32
      %dma_start3A_362 = arith.constant 0 : i32
      %dma_start3A_363 = tpu.memref_slice %arg14[%add3A_361, %dma_start3A_362] : memref<10000x128xbf16, #tpu.memory_space<vmem_shared>> -> memref<16x128xbf16, #tpu.memory_space<vmem_shared>>
      %dma_start3A_364 = arith.constant 0 : i32
      %dma_start3A_365 = tpu.memref_slice %arg14[%add3A_361, %dma_start3A_364] : memref<10000x128xbf16, #tpu.memory_space<vmem_shared>> -> memref<16x128xbf16, #tpu.memory_space<vmem_shared>>
      tpu.enqueue_dma source(%arg12 : memref<16x128xbf16, #tpu.memory_space<vmem>>) target(%dma_start3A_365 : memref<16x128xbf16, #tpu.memory_space<vmem_shared>>) target_semaphore(%arg22 : memref<!tpu.dma_semaphore, #tpu.memory_space<semaphore_mem>>)
      %add3A_366 = arith.constant 32 : i32
      %add3A_367 = arith.addi %add3A_73, %add3A_366 : i32
      %dma_start3A_368 = arith.constant 0 : i32
      %dma_start3A_369 = tpu.memref_slice %arg14[%add3A_367, %dma_start3A_368] : memref<10000x128xbf16, #tpu.memory_space<vmem_shared>> -> memref<16x128xbf16, #tpu.memory_space<vmem_shared>>
      %dma_start3A_370 = arith.constant 0 : i32
      %dma_start3A_371 = tpu.memref_slice %arg14[%add3A_367, %dma_start3A_370] : memref<10000x128xbf16, #tpu.memory_space<vmem_shared>> -> memref<16x128xbf16, #tpu.memory_space<vmem_shared>>
      tpu.enqueue_dma source(%arg12 : memref<16x128xbf16, #tpu.memory_space<vmem>>) target(%dma_start3A_371 : memref<16x128xbf16, #tpu.memory_space<vmem_shared>>) target_semaphore(%arg22 : memref<!tpu.dma_semaphore, #tpu.memory_space<semaphore_mem>>)
      %add3A_372 = arith.constant 48 : i32
      %add3A_373 = arith.addi %add3A_73, %add3A_372 : i32
      %dma_start3A_374 = arith.constant 0 : i32
      %dma_start3A_375 = tpu.memref_slice %arg14[%add3A_373, %dma_start3A_374] : memref<10000x128xbf16, #tpu.memory_space<vmem_shared>> -> memref<16x128xbf16, #tpu.memory_space<vmem_shared>>
      %dma_start3A_376 = arith.constant 0 : i32
      %dma_start3A_377 = tpu.memref_slice %arg14[%add3A_373, %dma_start3A_376] : memref<10000x128xbf16, #tpu.memory_space<vmem_shared>> -> memref<16x128xbf16, #tpu.memory_space<vmem_shared>>
      tpu.enqueue_dma source(%arg12 : memref<16x128xbf16, #tpu.memory_space<vmem>>) target(%dma_start3A_377 : memref<16x128xbf16, #tpu.memory_space<vmem_shared>>) target_semaphore(%arg22 : memref<!tpu.dma_semaphore, #tpu.memory_space<semaphore_mem>>)
      %add3A_378 = arith.constant 64 : i32
      %add3A_379 = arith.addi %add3A_73, %add3A_378 : i32
      %dma_start3A_380 = arith.constant 0 : i32
      %dma_start3A_381 = tpu.memref_slice %arg14[%add3A_379, %dma_start3A_380] : memref<10000x128xbf16, #tpu.memory_space<vmem_shared>> -> memref<16x128xbf16, #tpu.memory_space<vmem_shared>>
      %dma_start3A_382 = arith.constant 0 : i32
      %dma_start3A_383 = tpu.memref_slice %arg14[%add3A_379, %dma_start3A_382] : memref<10000x128xbf16, #tpu.memory_space<vmem_shared>> -> memref<16x128xbf16, #tpu.memory_space<vmem_shared>>
      tpu.enqueue_dma source(%arg12 : memref<16x128xbf16, #tpu.memory_space<vmem>>) target(%dma_start3A_383 : memref<16x128xbf16, #tpu.memory_space<vmem_shared>>) target_semaphore(%arg22 : memref<!tpu.dma_semaphore, #tpu.memory_space<semaphore_mem>>)
      %dma_start3A_384 = tpu.memref_slice %arg15[%add3A_73] : memref<10000xf32, #tpu.memory_space<vmem_shared>> -> memref<80xf32, #tpu.memory_space<vmem_shared>>
      %dma_start3A_385 = tpu.memref_slice %arg15[%add3A_73] : memref<10000xf32, #tpu.memory_space<vmem_shared>> -> memref<80xf32, #tpu.memory_space<vmem_shared>>
      tpu.enqueue_dma source(%arg13 : memref<80xf32, #tpu.memory_space<vmem>>) target(%dma_start3A_385 : memref<80xf32, #tpu.memory_space<vmem_shared>>) target_semaphore(%arg22 : memref<!tpu.dma_semaphore, #tpu.memory_space<semaphore_mem>>)
    } else {
    }
    %mul3A_79 = arith.constant 640 : i32
    %mul3A_80 = arith.muli %arg1, %mul3A_79 : i32
    %add3A_81 = arith.constant 240 : i32
    %add3A_82 = arith.addi %mul3A_80, %add3A_81 : i32
    %lt3A_83 = arith.constant 10000 : i32
    %lt3A_84 = arith.cmpi slt, %add3A_82, %lt3A_83 : i32
    %convert_element_type3A_85 = arith.extui %lt3A_84 : i1 to i32
    %cond3A_86 = arith.constant 0 : i32
    %cond3A_87 = arith.cmpi ne, %convert_element_type3A_85, %cond3A_86 : i32
    scf.if %cond3A_87 {
      %add3A_354 = arith.constant 0 : i32
      %add3A_355 = arith.addi %add3A_82, %add3A_354 : i32
      %dma_start3A_356 = arith.constant 0 : i32
      %dma_start3A_357 = tpu.memref_slice %arg14[%add3A_355, %dma_start3A_356] : memref<10000x128xbf16, #tpu.memory_space<vmem_shared>> -> memref<16x128xbf16, #tpu.memory_space<vmem_shared>>
      %dma_start3A_358 = arith.constant 0 : i32
      %dma_start3A_359 = tpu.memref_slice %arg14[%add3A_355, %dma_start3A_358] : memref<10000x128xbf16, #tpu.memory_space<vmem_shared>> -> memref<16x128xbf16, #tpu.memory_space<vmem_shared>>
      tpu.enqueue_dma source(%arg12 : memref<16x128xbf16, #tpu.memory_space<vmem>>) target(%dma_start3A_359 : memref<16x128xbf16, #tpu.memory_space<vmem_shared>>) target_semaphore(%arg22 : memref<!tpu.dma_semaphore, #tpu.memory_space<semaphore_mem>>)
      %add3A_360 = arith.constant 16 : i32
      %add3A_361 = arith.addi %add3A_82, %add3A_360 : i32
      %dma_start3A_362 = arith.constant 0 : i32
      %dma_start3A_363 = tpu.memref_slice %arg14[%add3A_361, %dma_start3A_362] : memref<10000x128xbf16, #tpu.memory_space<vmem_shared>> -> memref<16x128xbf16, #tpu.memory_space<vmem_shared>>
      %dma_start3A_364 = arith.constant 0 : i32
      %dma_start3A_365 = tpu.memref_slice %arg14[%add3A_361, %dma_start3A_364] : memref<10000x128xbf16, #tpu.memory_space<vmem_shared>> -> memref<16x128xbf16, #tpu.memory_space<vmem_shared>>
      tpu.enqueue_dma source(%arg12 : memref<16x128xbf16, #tpu.memory_space<vmem>>) target(%dma_start3A_365 : memref<16x128xbf16, #tpu.memory_space<vmem_shared>>) target_semaphore(%arg22 : memref<!tpu.dma_semaphore, #tpu.memory_space<semaphore_mem>>)
      %add3A_366 = arith.constant 32 : i32
      %add3A_367 = arith.addi %add3A_82, %add3A_366 : i32
      %dma_start3A_368 = arith.constant 0 : i32
      %dma_start3A_369 = tpu.memref_slice %arg14[%add3A_367, %dma_start3A_368] : memref<10000x128xbf16, #tpu.memory_space<vmem_shared>> -> memref<16x128xbf16, #tpu.memory_space<vmem_shared>>
      %dma_start3A_370 = arith.constant 0 : i32
      %dma_start3A_371 = tpu.memref_slice %arg14[%add3A_367, %dma_start3A_370] : memref<10000x128xbf16, #tpu.memory_space<vmem_shared>> -> memref<16x128xbf16, #tpu.memory_space<vmem_shared>>
      tpu.enqueue_dma source(%arg12 : memref<16x128xbf16, #tpu.memory_space<vmem>>) target(%dma_start3A_371 : memref<16x128xbf16, #tpu.memory_space<vmem_shared>>) target_semaphore(%arg22 : memref<!tpu.dma_semaphore, #tpu.memory_space<semaphore_mem>>)
      %add3A_372 = arith.constant 48 : i32
      %add3A_373 = arith.addi %add3A_82, %add3A_372 : i32
      %dma_start3A_374 = arith.constant 0 : i32
      %dma_start3A_375 = tpu.memref_slice %arg14[%add3A_373, %dma_start3A_374] : memref<10000x128xbf16, #tpu.memory_space<vmem_shared>> -> memref<16x128xbf16, #tpu.memory_space<vmem_shared>>
      %dma_start3A_376 = arith.constant 0 : i32
      %dma_start3A_377 = tpu.memref_slice %arg14[%add3A_373, %dma_start3A_376] : memref<10000x128xbf16, #tpu.memory_space<vmem_shared>> -> memref<16x128xbf16, #tpu.memory_space<vmem_shared>>
      tpu.enqueue_dma source(%arg12 : memref<16x128xbf16, #tpu.memory_space<vmem>>) target(%dma_start3A_377 : memref<16x128xbf16, #tpu.memory_space<vmem_shared>>) target_semaphore(%arg22 : memref<!tpu.dma_semaphore, #tpu.memory_space<semaphore_mem>>)
      %add3A_378 = arith.constant 64 : i32
      %add3A_379 = arith.addi %add3A_82, %add3A_378 : i32
      %dma_start3A_380 = arith.constant 0 : i32
      %dma_start3A_381 = tpu.memref_slice %arg14[%add3A_379, %dma_start3A_380] : memref<10000x128xbf16, #tpu.memory_space<vmem_shared>> -> memref<16x128xbf16, #tpu.memory_space<vmem_shared>>
      %dma_start3A_382 = arith.constant 0 : i32
      %dma_start3A_383 = tpu.memref_slice %arg14[%add3A_379, %dma_start3A_382] : memref<10000x128xbf16, #tpu.memory_space<vmem_shared>> -> memref<16x128xbf16, #tpu.memory_space<vmem_shared>>
      tpu.enqueue_dma source(%arg12 : memref<16x128xbf16, #tpu.memory_space<vmem>>) target(%dma_start3A_383 : memref<16x128xbf16, #tpu.memory_space<vmem_shared>>) target_semaphore(%arg22 : memref<!tpu.dma_semaphore, #tpu.memory_space<semaphore_mem>>)
      %dma_start3A_384 = tpu.memref_slice %arg15[%add3A_82] : memref<10000xf32, #tpu.memory_space<vmem_shared>> -> memref<80xf32, #tpu.memory_space<vmem_shared>>
      %dma_start3A_385 = tpu.memref_slice %arg15[%add3A_82] : memref<10000xf32, #tpu.memory_space<vmem_shared>> -> memref<80xf32, #tpu.memory_space<vmem_shared>>
      tpu.enqueue_dma source(%arg13 : memref<80xf32, #tpu.memory_space<vmem>>) target(%dma_start3A_385 : memref<80xf32, #tpu.memory_space<vmem_shared>>) target_semaphore(%arg22 : memref<!tpu.dma_semaphore, #tpu.memory_space<semaphore_mem>>)
    } else {
    }
    %mul3A_88 = arith.constant 640 : i32
    %mul3A_89 = arith.muli %arg1, %mul3A_88 : i32
    %add3A_90 = arith.constant 320 : i32
    %add3A_91 = arith.addi %mul3A_89, %add3A_90 : i32
    %lt3A_92 = arith.constant 10000 : i32
    %lt3A_93 = arith.cmpi slt, %add3A_91, %lt3A_92 : i32
    %convert_element_type3A_94 = arith.extui %lt3A_93 : i1 to i32
    %cond3A_95 = arith.constant 0 : i32
    %cond3A_96 = arith.cmpi ne, %convert_element_type3A_94, %cond3A_95 : i32
    scf.if %cond3A_96 {
      %add3A_354 = arith.constant 0 : i32
      %add3A_355 = arith.addi %add3A_91, %add3A_354 : i32
      %dma_start3A_356 = arith.constant 0 : i32
      %dma_start3A_357 = tpu.memref_slice %arg14[%add3A_355, %dma_start3A_356] : memref<10000x128xbf16, #tpu.memory_space<vmem_shared>> -> memref<16x128xbf16, #tpu.memory_space<vmem_shared>>
      %dma_start3A_358 = arith.constant 0 : i32
      %dma_start3A_359 = tpu.memref_slice %arg14[%add3A_355, %dma_start3A_358] : memref<10000x128xbf16, #tpu.memory_space<vmem_shared>> -> memref<16x128xbf16, #tpu.memory_space<vmem_shared>>
      tpu.enqueue_dma source(%arg12 : memref<16x128xbf16, #tpu.memory_space<vmem>>) target(%dma_start3A_359 : memref<16x128xbf16, #tpu.memory_space<vmem_shared>>) target_semaphore(%arg22 : memref<!tpu.dma_semaphore, #tpu.memory_space<semaphore_mem>>)
      %add3A_360 = arith.constant 16 : i32
      %add3A_361 = arith.addi %add3A_91, %add3A_360 : i32
      %dma_start3A_362 = arith.constant 0 : i32
      %dma_start3A_363 = tpu.memref_slice %arg14[%add3A_361, %dma_start3A_362] : memref<10000x128xbf16, #tpu.memory_space<vmem_shared>> -> memref<16x128xbf16, #tpu.memory_space<vmem_shared>>
      %dma_start3A_364 = arith.constant 0 : i32
      %dma_start3A_365 = tpu.memref_slice %arg14[%add3A_361, %dma_start3A_364] : memref<10000x128xbf16, #tpu.memory_space<vmem_shared>> -> memref<16x128xbf16, #tpu.memory_space<vmem_shared>>
      tpu.enqueue_dma source(%arg12 : memref<16x128xbf16, #tpu.memory_space<vmem>>) target(%dma_start3A_365 : memref<16x128xbf16, #tpu.memory_space<vmem_shared>>) target_semaphore(%arg22 : memref<!tpu.dma_semaphore, #tpu.memory_space<semaphore_mem>>)
      %add3A_366 = arith.constant 32 : i32
      %add3A_367 = arith.addi %add3A_91, %add3A_366 : i32
      %dma_start3A_368 = arith.constant 0 : i32
      %dma_start3A_369 = tpu.memref_slice %arg14[%add3A_367, %dma_start3A_368] : memref<10000x128xbf16, #tpu.memory_space<vmem_shared>> -> memref<16x128xbf16, #tpu.memory_space<vmem_shared>>
      %dma_start3A_370 = arith.constant 0 : i32
      %dma_start3A_371 = tpu.memref_slice %arg14[%add3A_367, %dma_start3A_370] : memref<10000x128xbf16, #tpu.memory_space<vmem_shared>> -> memref<16x128xbf16, #tpu.memory_space<vmem_shared>>
      tpu.enqueue_dma source(%arg12 : memref<16x128xbf16, #tpu.memory_space<vmem>>) target(%dma_start3A_371 : memref<16x128xbf16, #tpu.memory_space<vmem_shared>>) target_semaphore(%arg22 : memref<!tpu.dma_semaphore, #tpu.memory_space<semaphore_mem>>)
      %add3A_372 = arith.constant 48 : i32
      %add3A_373 = arith.addi %add3A_91, %add3A_372 : i32
      %dma_start3A_374 = arith.constant 0 : i32
      %dma_start3A_375 = tpu.memref_slice %arg14[%add3A_373, %dma_start3A_374] : memref<10000x128xbf16, #tpu.memory_space<vmem_shared>> -> memref<16x128xbf16, #tpu.memory_space<vmem_shared>>
      %dma_start3A_376 = arith.constant 0 : i32
      %dma_start3A_377 = tpu.memref_slice %arg14[%add3A_373, %dma_start3A_376] : memref<10000x128xbf16, #tpu.memory_space<vmem_shared>> -> memref<16x128xbf16, #tpu.memory_space<vmem_shared>>
      tpu.enqueue_dma source(%arg12 : memref<16x128xbf16, #tpu.memory_space<vmem>>) target(%dma_start3A_377 : memref<16x128xbf16, #tpu.memory_space<vmem_shared>>) target_semaphore(%arg22 : memref<!tpu.dma_semaphore, #tpu.memory_space<semaphore_mem>>)
      %add3A_378 = arith.constant 64 : i32
      %add3A_379 = arith.addi %add3A_91, %add3A_378 : i32
      %dma_start3A_380 = arith.constant 0 : i32
      %dma_start3A_381 = tpu.memref_slice %arg14[%add3A_379, %dma_start3A_380] : memref<10000x128xbf16, #tpu.memory_space<vmem_shared>> -> memref<16x128xbf16, #tpu.memory_space<vmem_shared>>
      %dma_start3A_382 = arith.constant 0 : i32
      %dma_start3A_383 = tpu.memref_slice %arg14[%add3A_379, %dma_start3A_382] : memref<10000x128xbf16, #tpu.memory_space<vmem_shared>> -> memref<16x128xbf16, #tpu.memory_space<vmem_shared>>
      tpu.enqueue_dma source(%arg12 : memref<16x128xbf16, #tpu.memory_space<vmem>>) target(%dma_start3A_383 : memref<16x128xbf16, #tpu.memory_space<vmem_shared>>) target_semaphore(%arg22 : memref<!tpu.dma_semaphore, #tpu.memory_space<semaphore_mem>>)
      %dma_start3A_384 = tpu.memref_slice %arg15[%add3A_91] : memref<10000xf32, #tpu.memory_space<vmem_shared>> -> memref<80xf32, #tpu.memory_space<vmem_shared>>
      %dma_start3A_385 = tpu.memref_slice %arg15[%add3A_91] : memref<10000xf32, #tpu.memory_space<vmem_shared>> -> memref<80xf32, #tpu.memory_space<vmem_shared>>
      tpu.enqueue_dma source(%arg13 : memref<80xf32, #tpu.memory_space<vmem>>) target(%dma_start3A_385 : memref<80xf32, #tpu.memory_space<vmem_shared>>) target_semaphore(%arg22 : memref<!tpu.dma_semaphore, #tpu.memory_space<semaphore_mem>>)
    } else {
    }
    %mul3A_97 = arith.constant 640 : i32
    %mul3A_98 = arith.muli %arg1, %mul3A_97 : i32
    %add3A_99 = arith.constant 400 : i32
    %add3A_100 = arith.addi %mul3A_98, %add3A_99 : i32
    %lt3A_101 = arith.constant 10000 : i32
    %lt3A_102 = arith.cmpi slt, %add3A_100, %lt3A_101 : i32
    %convert_element_type3A_103 = arith.extui %lt3A_102 : i1 to i32
    %cond3A_104 = arith.constant 0 : i32
    %cond3A_105 = arith.cmpi ne, %convert_element_type3A_103, %cond3A_104 : i32
    scf.if %cond3A_105 {
      %add3A_354 = arith.constant 0 : i32
      %add3A_355 = arith.addi %add3A_100, %add3A_354 : i32
      %dma_start3A_356 = arith.constant 0 : i32
      %dma_start3A_357 = tpu.memref_slice %arg14[%add3A_355, %dma_start3A_356] : memref<10000x128xbf16, #tpu.memory_space<vmem_shared>> -> memref<16x128xbf16, #tpu.memory_space<vmem_shared>>
      %dma_start3A_358 = arith.constant 0 : i32
      %dma_start3A_359 = tpu.memref_slice %arg14[%add3A_355, %dma_start3A_358] : memref<10000x128xbf16, #tpu.memory_space<vmem_shared>> -> memref<16x128xbf16, #tpu.memory_space<vmem_shared>>
      tpu.enqueue_dma source(%arg12 : memref<16x128xbf16, #tpu.memory_space<vmem>>) target(%dma_start3A_359 : memref<16x128xbf16, #tpu.memory_space<vmem_shared>>) target_semaphore(%arg22 : memref<!tpu.dma_semaphore, #tpu.memory_space<semaphore_mem>>)
      %add3A_360 = arith.constant 16 : i32
      %add3A_361 = arith.addi %add3A_100, %add3A_360 : i32
      %dma_start3A_362 = arith.constant 0 : i32
      %dma_start3A_363 = tpu.memref_slice %arg14[%add3A_361, %dma_start3A_362] : memref<10000x128xbf16, #tpu.memory_space<vmem_shared>> -> memref<16x128xbf16, #tpu.memory_space<vmem_shared>>
      %dma_start3A_364 = arith.constant 0 : i32
      %dma_start3A_365 = tpu.memref_slice %arg14[%add3A_361, %dma_start3A_364] : memref<10000x128xbf16, #tpu.memory_space<vmem_shared>> -> memref<16x128xbf16, #tpu.memory_space<vmem_shared>>
      tpu.enqueue_dma source(%arg12 : memref<16x128xbf16, #tpu.memory_space<vmem>>) target(%dma_start3A_365 : memref<16x128xbf16, #tpu.memory_space<vmem_shared>>) target_semaphore(%arg22 : memref<!tpu.dma_semaphore, #tpu.memory_space<semaphore_mem>>)
      %add3A_366 = arith.constant 32 : i32
      %add3A_367 = arith.addi %add3A_100, %add3A_366 : i32
      %dma_start3A_368 = arith.constant 0 : i32
      %dma_start3A_369 = tpu.memref_slice %arg14[%add3A_367, %dma_start3A_368] : memref<10000x128xbf16, #tpu.memory_space<vmem_shared>> -> memref<16x128xbf16, #tpu.memory_space<vmem_shared>>
      %dma_start3A_370 = arith.constant 0 : i32
      %dma_start3A_371 = tpu.memref_slice %arg14[%add3A_367, %dma_start3A_370] : memref<10000x128xbf16, #tpu.memory_space<vmem_shared>> -> memref<16x128xbf16, #tpu.memory_space<vmem_shared>>
      tpu.enqueue_dma source(%arg12 : memref<16x128xbf16, #tpu.memory_space<vmem>>) target(%dma_start3A_371 : memref<16x128xbf16, #tpu.memory_space<vmem_shared>>) target_semaphore(%arg22 : memref<!tpu.dma_semaphore, #tpu.memory_space<semaphore_mem>>)
      %add3A_372 = arith.constant 48 : i32
      %add3A_373 = arith.addi %add3A_100, %add3A_372 : i32
      %dma_start3A_374 = arith.constant 0 : i32
      %dma_start3A_375 = tpu.memref_slice %arg14[%add3A_373, %dma_start3A_374] : memref<10000x128xbf16, #tpu.memory_space<vmem_shared>> -> memref<16x128xbf16, #tpu.memory_space<vmem_shared>>
      %dma_start3A_376 = arith.constant 0 : i32
      %dma_start3A_377 = tpu.memref_slice %arg14[%add3A_373, %dma_start3A_376] : memref<10000x128xbf16, #tpu.memory_space<vmem_shared>> -> memref<16x128xbf16, #tpu.memory_space<vmem_shared>>
      tpu.enqueue_dma source(%arg12 : memref<16x128xbf16, #tpu.memory_space<vmem>>) target(%dma_start3A_377 : memref<16x128xbf16, #tpu.memory_space<vmem_shared>>) target_semaphore(%arg22 : memref<!tpu.dma_semaphore, #tpu.memory_space<semaphore_mem>>)
      %add3A_378 = arith.constant 64 : i32
      %add3A_379 = arith.addi %add3A_100, %add3A_378 : i32
      %dma_start3A_380 = arith.constant 0 : i32
      %dma_start3A_381 = tpu.memref_slice %arg14[%add3A_379, %dma_start3A_380] : memref<10000x128xbf16, #tpu.memory_space<vmem_shared>> -> memref<16x128xbf16, #tpu.memory_space<vmem_shared>>
      %dma_start3A_382 = arith.constant 0 : i32
      %dma_start3A_383 = tpu.memref_slice %arg14[%add3A_379, %dma_start3A_382] : memref<10000x128xbf16, #tpu.memory_space<vmem_shared>> -> memref<16x128xbf16, #tpu.memory_space<vmem_shared>>
      tpu.enqueue_dma source(%arg12 : memref<16x128xbf16, #tpu.memory_space<vmem>>) target(%dma_start3A_383 : memref<16x128xbf16, #tpu.memory_space<vmem_shared>>) target_semaphore(%arg22 : memref<!tpu.dma_semaphore, #tpu.memory_space<semaphore_mem>>)
      %dma_start3A_384 = tpu.memref_slice %arg15[%add3A_100] : memref<10000xf32, #tpu.memory_space<vmem_shared>> -> memref<80xf32, #tpu.memory_space<vmem_shared>>
      %dma_start3A_385 = tpu.memref_slice %arg15[%add3A_100] : memref<10000xf32, #tpu.memory_space<vmem_shared>> -> memref<80xf32, #tpu.memory_space<vmem_shared>>
      tpu.enqueue_dma source(%arg13 : memref<80xf32, #tpu.memory_space<vmem>>) target(%dma_start3A_385 : memref<80xf32, #tpu.memory_space<vmem_shared>>) target_semaphore(%arg22 : memref<!tpu.dma_semaphore, #tpu.memory_space<semaphore_mem>>)
    } else {
    }
    %mul3A_106 = arith.constant 640 : i32
    %mul3A_107 = arith.muli %arg1, %mul3A_106 : i32
    %add3A_108 = arith.constant 480 : i32
    %add3A_109 = arith.addi %mul3A_107, %add3A_108 : i32
    %lt3A_110 = arith.constant 10000 : i32
    %lt3A_111 = arith.cmpi slt, %add3A_109, %lt3A_110 : i32
    %convert_element_type3A_112 = arith.extui %lt3A_111 : i1 to i32
    %cond3A_113 = arith.constant 0 : i32
    %cond3A_114 = arith.cmpi ne, %convert_element_type3A_112, %cond3A_113 : i32
    scf.if %cond3A_114 {
      %add3A_354 = arith.constant 0 : i32
      %add3A_355 = arith.addi %add3A_109, %add3A_354 : i32
      %dma_start3A_356 = arith.constant 0 : i32
      %dma_start3A_357 = tpu.memref_slice %arg14[%add3A_355, %dma_start3A_356] : memref<10000x128xbf16, #tpu.memory_space<vmem_shared>> -> memref<16x128xbf16, #tpu.memory_space<vmem_shared>>
      %dma_start3A_358 = arith.constant 0 : i32
      %dma_start3A_359 = tpu.memref_slice %arg14[%add3A_355, %dma_start3A_358] : memref<10000x128xbf16, #tpu.memory_space<vmem_shared>> -> memref<16x128xbf16, #tpu.memory_space<vmem_shared>>
      tpu.enqueue_dma source(%arg12 : memref<16x128xbf16, #tpu.memory_space<vmem>>) target(%dma_start3A_359 : memref<16x128xbf16, #tpu.memory_space<vmem_shared>>) target_semaphore(%arg22 : memref<!tpu.dma_semaphore, #tpu.memory_space<semaphore_mem>>)
      %add3A_360 = arith.constant 16 : i32
      %add3A_361 = arith.addi %add3A_109, %add3A_360 : i32
      %dma_start3A_362 = arith.constant 0 : i32
      %dma_start3A_363 = tpu.memref_slice %arg14[%add3A_361, %dma_start3A_362] : memref<10000x128xbf16, #tpu.memory_space<vmem_shared>> -> memref<16x128xbf16, #tpu.memory_space<vmem_shared>>
      %dma_start3A_364 = arith.constant 0 : i32
      %dma_start3A_365 = tpu.memref_slice %arg14[%add3A_361, %dma_start3A_364] : memref<10000x128xbf16, #tpu.memory_space<vmem_shared>> -> memref<16x128xbf16, #tpu.memory_space<vmem_shared>>
      tpu.enqueue_dma source(%arg12 : memref<16x128xbf16, #tpu.memory_space<vmem>>) target(%dma_start3A_365 : memref<16x128xbf16, #tpu.memory_space<vmem_shared>>) target_semaphore(%arg22 : memref<!tpu.dma_semaphore, #tpu.memory_space<semaphore_mem>>)
      %add3A_366 = arith.constant 32 : i32
      %add3A_367 = arith.addi %add3A_109, %add3A_366 : i32
      %dma_start3A_368 = arith.constant 0 : i32
      %dma_start3A_369 = tpu.memref_slice %arg14[%add3A_367, %dma_start3A_368] : memref<10000x128xbf16, #tpu.memory_space<vmem_shared>> -> memref<16x128xbf16, #tpu.memory_space<vmem_shared>>
      %dma_start3A_370 = arith.constant 0 : i32
      %dma_start3A_371 = tpu.memref_slice %arg14[%add3A_367, %dma_start3A_370] : memref<10000x128xbf16, #tpu.memory_space<vmem_shared>> -> memref<16x128xbf16, #tpu.memory_space<vmem_shared>>
      tpu.enqueue_dma source(%arg12 : memref<16x128xbf16, #tpu.memory_space<vmem>>) target(%dma_start3A_371 : memref<16x128xbf16, #tpu.memory_space<vmem_shared>>) target_semaphore(%arg22 : memref<!tpu.dma_semaphore, #tpu.memory_space<semaphore_mem>>)
      %add3A_372 = arith.constant 48 : i32
      %add3A_373 = arith.addi %add3A_109, %add3A_372 : i32
      %dma_start3A_374 = arith.constant 0 : i32
      %dma_start3A_375 = tpu.memref_slice %arg14[%add3A_373, %dma_start3A_374] : memref<10000x128xbf16, #tpu.memory_space<vmem_shared>> -> memref<16x128xbf16, #tpu.memory_space<vmem_shared>>
      %dma_start3A_376 = arith.constant 0 : i32
      %dma_start3A_377 = tpu.memref_slice %arg14[%add3A_373, %dma_start3A_376] : memref<10000x128xbf16, #tpu.memory_space<vmem_shared>> -> memref<16x128xbf16, #tpu.memory_space<vmem_shared>>
      tpu.enqueue_dma source(%arg12 : memref<16x128xbf16, #tpu.memory_space<vmem>>) target(%dma_start3A_377 : memref<16x128xbf16, #tpu.memory_space<vmem_shared>>) target_semaphore(%arg22 : memref<!tpu.dma_semaphore, #tpu.memory_space<semaphore_mem>>)
      %add3A_378 = arith.constant 64 : i32
      %add3A_379 = arith.addi %add3A_109, %add3A_378 : i32
      %dma_start3A_380 = arith.constant 0 : i32
      %dma_start3A_381 = tpu.memref_slice %arg14[%add3A_379, %dma_start3A_380] : memref<10000x128xbf16, #tpu.memory_space<vmem_shared>> -> memref<16x128xbf16, #tpu.memory_space<vmem_shared>>
      %dma_start3A_382 = arith.constant 0 : i32
      %dma_start3A_383 = tpu.memref_slice %arg14[%add3A_379, %dma_start3A_382] : memref<10000x128xbf16, #tpu.memory_space<vmem_shared>> -> memref<16x128xbf16, #tpu.memory_space<vmem_shared>>
      tpu.enqueue_dma source(%arg12 : memref<16x128xbf16, #tpu.memory_space<vmem>>) target(%dma_start3A_383 : memref<16x128xbf16, #tpu.memory_space<vmem_shared>>) target_semaphore(%arg22 : memref<!tpu.dma_semaphore, #tpu.memory_space<semaphore_mem>>)
      %dma_start3A_384 = tpu.memref_slice %arg15[%add3A_109] : memref<10000xf32, #tpu.memory_space<vmem_shared>> -> memref<80xf32, #tpu.memory_space<vmem_shared>>
      %dma_start3A_385 = tpu.memref_slice %arg15[%add3A_109] : memref<10000xf32, #tpu.memory_space<vmem_shared>> -> memref<80xf32, #tpu.memory_space<vmem_shared>>
      tpu.enqueue_dma source(%arg13 : memref<80xf32, #tpu.memory_space<vmem>>) target(%dma_start3A_385 : memref<80xf32, #tpu.memory_space<vmem_shared>>) target_semaphore(%arg22 : memref<!tpu.dma_semaphore, #tpu.memory_space<semaphore_mem>>)
    } else {
    }
    %mul3A_115 = arith.constant 640 : i32
    %mul3A_116 = arith.muli %arg1, %mul3A_115 : i32
    %add3A_117 = arith.constant 560 : i32
    %add3A_118 = arith.addi %mul3A_116, %add3A_117 : i32
    %lt3A_119 = arith.constant 10000 : i32
    %lt3A_120 = arith.cmpi slt, %add3A_118, %lt3A_119 : i32
    %convert_element_type3A_121 = arith.extui %lt3A_120 : i1 to i32
    %cond3A_122 = arith.constant 0 : i32
    %cond3A_123 = arith.cmpi ne, %convert_element_type3A_121, %cond3A_122 : i32
    scf.if %cond3A_123 {
      %add3A_354 = arith.constant 0 : i32
      %add3A_355 = arith.addi %add3A_118, %add3A_354 : i32
      %dma_start3A_356 = arith.constant 0 : i32
      %dma_start3A_357 = tpu.memref_slice %arg14[%add3A_355, %dma_start3A_356] : memref<10000x128xbf16, #tpu.memory_space<vmem_shared>> -> memref<16x128xbf16, #tpu.memory_space<vmem_shared>>
      %dma_start3A_358 = arith.constant 0 : i32
      %dma_start3A_359 = tpu.memref_slice %arg14[%add3A_355, %dma_start3A_358] : memref<10000x128xbf16, #tpu.memory_space<vmem_shared>> -> memref<16x128xbf16, #tpu.memory_space<vmem_shared>>
      tpu.enqueue_dma source(%arg12 : memref<16x128xbf16, #tpu.memory_space<vmem>>) target(%dma_start3A_359 : memref<16x128xbf16, #tpu.memory_space<vmem_shared>>) target_semaphore(%arg22 : memref<!tpu.dma_semaphore, #tpu.memory_space<semaphore_mem>>)
      %add3A_360 = arith.constant 16 : i32
      %add3A_361 = arith.addi %add3A_118, %add3A_360 : i32
      %dma_start3A_362 = arith.constant 0 : i32
      %dma_start3A_363 = tpu.memref_slice %arg14[%add3A_361, %dma_start3A_362] : memref<10000x128xbf16, #tpu.memory_space<vmem_shared>> -> memref<16x128xbf16, #tpu.memory_space<vmem_shared>>
      %dma_start3A_364 = arith.constant 0 : i32
      %dma_start3A_365 = tpu.memref_slice %arg14[%add3A_361, %dma_start3A_364] : memref<10000x128xbf16, #tpu.memory_space<vmem_shared>> -> memref<16x128xbf16, #tpu.memory_space<vmem_shared>>
      tpu.enqueue_dma source(%arg12 : memref<16x128xbf16, #tpu.memory_space<vmem>>) target(%dma_start3A_365 : memref<16x128xbf16, #tpu.memory_space<vmem_shared>>) target_semaphore(%arg22 : memref<!tpu.dma_semaphore, #tpu.memory_space<semaphore_mem>>)
      %add3A_366 = arith.constant 32 : i32
      %add3A_367 = arith.addi %add3A_118, %add3A_366 : i32
      %dma_start3A_368 = arith.constant 0 : i32
      %dma_start3A_369 = tpu.memref_slice %arg14[%add3A_367, %dma_start3A_368] : memref<10000x128xbf16, #tpu.memory_space<vmem_shared>> -> memref<16x128xbf16, #tpu.memory_space<vmem_shared>>
      %dma_start3A_370 = arith.constant 0 : i32
      %dma_start3A_371 = tpu.memref_slice %arg14[%add3A_367, %dma_start3A_370] : memref<10000x128xbf16, #tpu.memory_space<vmem_shared>> -> memref<16x128xbf16, #tpu.memory_space<vmem_shared>>
      tpu.enqueue_dma source(%arg12 : memref<16x128xbf16, #tpu.memory_space<vmem>>) target(%dma_start3A_371 : memref<16x128xbf16, #tpu.memory_space<vmem_shared>>) target_semaphore(%arg22 : memref<!tpu.dma_semaphore, #tpu.memory_space<semaphore_mem>>)
      %add3A_372 = arith.constant 48 : i32
      %add3A_373 = arith.addi %add3A_118, %add3A_372 : i32
      %dma_start3A_374 = arith.constant 0 : i32
      %dma_start3A_375 = tpu.memref_slice %arg14[%add3A_373, %dma_start3A_374] : memref<10000x128xbf16, #tpu.memory_space<vmem_shared>> -> memref<16x128xbf16, #tpu.memory_space<vmem_shared>>
      %dma_start3A_376 = arith.constant 0 : i32
      %dma_start3A_377 = tpu.memref_slice %arg14[%add3A_373, %dma_start3A_376] : memref<10000x128xbf16, #tpu.memory_space<vmem_shared>> -> memref<16x128xbf16, #tpu.memory_space<vmem_shared>>
      tpu.enqueue_dma source(%arg12 : memref<16x128xbf16, #tpu.memory_space<vmem>>) target(%dma_start3A_377 : memref<16x128xbf16, #tpu.memory_space<vmem_shared>>) target_semaphore(%arg22 : memref<!tpu.dma_semaphore, #tpu.memory_space<semaphore_mem>>)
      %add3A_378 = arith.constant 64 : i32
      %add3A_379 = arith.addi %add3A_118, %add3A_378 : i32
      %dma_start3A_380 = arith.constant 0 : i32
      %dma_start3A_381 = tpu.memref_slice %arg14[%add3A_379, %dma_start3A_380] : memref<10000x128xbf16, #tpu.memory_space<vmem_shared>> -> memref<16x128xbf16, #tpu.memory_space<vmem_shared>>
      %dma_start3A_382 = arith.constant 0 : i32
      %dma_start3A_383 = tpu.memref_slice %arg14[%add3A_379, %dma_start3A_382] : memref<10000x128xbf16, #tpu.memory_space<vmem_shared>> -> memref<16x128xbf16, #tpu.memory_space<vmem_shared>>
      tpu.enqueue_dma source(%arg12 : memref<16x128xbf16, #tpu.memory_space<vmem>>) target(%dma_start3A_383 : memref<16x128xbf16, #tpu.memory_space<vmem_shared>>) target_semaphore(%arg22 : memref<!tpu.dma_semaphore, #tpu.memory_space<semaphore_mem>>)
      %dma_start3A_384 = tpu.memref_slice %arg15[%add3A_118] : memref<10000xf32, #tpu.memory_space<vmem_shared>> -> memref<80xf32, #tpu.memory_space<vmem_shared>>
      %dma_start3A_385 = tpu.memref_slice %arg15[%add3A_118] : memref<10000xf32, #tpu.memory_space<vmem_shared>> -> memref<80xf32, #tpu.memory_space<vmem_shared>>
      tpu.enqueue_dma source(%arg13 : memref<80xf32, #tpu.memory_space<vmem>>) target(%dma_start3A_385 : memref<80xf32, #tpu.memory_space<vmem_shared>>) target_semaphore(%arg22 : memref<!tpu.dma_semaphore, #tpu.memory_space<semaphore_mem>>)
    } else {
    }
    %mul3A_124 = arith.constant 640 : i32
    %mul3A_125 = arith.muli %arg1, %mul3A_124 : i32
    %add3A_126 = arith.constant 0 : i32
    %add3A_127 = arith.addi %mul3A_125, %add3A_126 : i32
    %lt3A_128 = arith.constant 10000 : i32
    %lt3A_129 = arith.cmpi slt, %add3A_127, %lt3A_128 : i32
    %convert_element_type3A_130 = arith.extui %lt3A_129 : i1 to i32
    %cond3A_131 = arith.constant 0 : i32
    %cond3A_132 = arith.cmpi ne, %convert_element_type3A_130, %cond3A_131 : i32
    scf.if %cond3A_132 {
      %add3A_354 = arith.constant 0 : i32
      %add3A_355 = arith.addi %add3A_127, %add3A_354 : i32
      %dma_wait3A = arith.constant 0 : i32
      %dma_wait3A_356 = tpu.memref_slice %arg14[%add3A_355, %dma_wait3A] : memref<10000x128xbf16, #tpu.memory_space<vmem_shared>> -> memref<16x128xbf16, #tpu.memory_space<vmem_shared>>
      %dma_wait3A_357 = arith.constant 0 : i32
      %dma_wait3A_358 = tpu.memref_slice %arg14[%add3A_355, %dma_wait3A_357] : memref<10000x128xbf16, #tpu.memory_space<vmem_shared>> -> memref<16x128xbf16, #tpu.memory_space<vmem_shared>>
      tpu.wait_dma2 semaphore(%arg22 : memref<!tpu.dma_semaphore, #tpu.memory_space<semaphore_mem>>) src(%arg12 : memref<16x128xbf16, #tpu.memory_space<vmem>>) dst(%dma_wait3A_358 : memref<16x128xbf16, #tpu.memory_space<vmem_shared>>)
      %add3A_359 = arith.constant 16 : i32
      %add3A_360 = arith.addi %add3A_127, %add3A_359 : i32
      %dma_wait3A_361 = arith.constant 0 : i32
      %dma_wait3A_362 = tpu.memref_slice %arg14[%add3A_360, %dma_wait3A_361] : memref<10000x128xbf16, #tpu.memory_space<vmem_shared>> -> memref<16x128xbf16, #tpu.memory_space<vmem_shared>>
      %dma_wait3A_363 = arith.constant 0 : i32
      %dma_wait3A_364 = tpu.memref_slice %arg14[%add3A_360, %dma_wait3A_363] : memref<10000x128xbf16, #tpu.memory_space<vmem_shared>> -> memref<16x128xbf16, #tpu.memory_space<vmem_shared>>
      tpu.wait_dma2 semaphore(%arg22 : memref<!tpu.dma_semaphore, #tpu.memory_space<semaphore_mem>>) src(%arg12 : memref<16x128xbf16, #tpu.memory_space<vmem>>) dst(%dma_wait3A_364 : memref<16x128xbf16, #tpu.memory_space<vmem_shared>>)
      %add3A_365 = arith.constant 32 : i32
      %add3A_366 = arith.addi %add3A_127, %add3A_365 : i32
      %dma_wait3A_367 = arith.constant 0 : i32
      %dma_wait3A_368 = tpu.memref_slice %arg14[%add3A_366, %dma_wait3A_367] : memref<10000x128xbf16, #tpu.memory_space<vmem_shared>> -> memref<16x128xbf16, #tpu.memory_space<vmem_shared>>
      %dma_wait3A_369 = arith.constant 0 : i32
      %dma_wait3A_370 = tpu.memref_slice %arg14[%add3A_366, %dma_wait3A_369] : memref<10000x128xbf16, #tpu.memory_space<vmem_shared>> -> memref<16x128xbf16, #tpu.memory_space<vmem_shared>>
      tpu.wait_dma2 semaphore(%arg22 : memref<!tpu.dma_semaphore, #tpu.memory_space<semaphore_mem>>) src(%arg12 : memref<16x128xbf16, #tpu.memory_space<vmem>>) dst(%dma_wait3A_370 : memref<16x128xbf16, #tpu.memory_space<vmem_shared>>)
      %add3A_371 = arith.constant 48 : i32
      %add3A_372 = arith.addi %add3A_127, %add3A_371 : i32
      %dma_wait3A_373 = arith.constant 0 : i32
      %dma_wait3A_374 = tpu.memref_slice %arg14[%add3A_372, %dma_wait3A_373] : memref<10000x128xbf16, #tpu.memory_space<vmem_shared>> -> memref<16x128xbf16, #tpu.memory_space<vmem_shared>>
      %dma_wait3A_375 = arith.constant 0 : i32
      %dma_wait3A_376 = tpu.memref_slice %arg14[%add3A_372, %dma_wait3A_375] : memref<10000x128xbf16, #tpu.memory_space<vmem_shared>> -> memref<16x128xbf16, #tpu.memory_space<vmem_shared>>
      tpu.wait_dma2 semaphore(%arg22 : memref<!tpu.dma_semaphore, #tpu.memory_space<semaphore_mem>>) src(%arg12 : memref<16x128xbf16, #tpu.memory_space<vmem>>) dst(%dma_wait3A_376 : memref<16x128xbf16, #tpu.memory_space<vmem_shared>>)
      %add3A_377 = arith.constant 64 : i32
      %add3A_378 = arith.addi %add3A_127, %add3A_377 : i32
      %dma_wait3A_379 = arith.constant 0 : i32
      %dma_wait3A_380 = tpu.memref_slice %arg14[%add3A_378, %dma_wait3A_379] : memref<10000x128xbf16, #tpu.memory_space<vmem_shared>> -> memref<16x128xbf16, #tpu.memory_space<vmem_shared>>
      %dma_wait3A_381 = arith.constant 0 : i32
      %dma_wait3A_382 = tpu.memref_slice %arg14[%add3A_378, %dma_wait3A_381] : memref<10000x128xbf16, #tpu.memory_space<vmem_shared>> -> memref<16x128xbf16, #tpu.memory_space<vmem_shared>>
      tpu.wait_dma2 semaphore(%arg22 : memref<!tpu.dma_semaphore, #tpu.memory_space<semaphore_mem>>) src(%arg12 : memref<16x128xbf16, #tpu.memory_space<vmem>>) dst(%dma_wait3A_382 : memref<16x128xbf16, #tpu.memory_space<vmem_shared>>)
      %dma_wait3A_383 = tpu.memref_slice %arg15[%add3A_127] : memref<10000xf32, #tpu.memory_space<vmem_shared>> -> memref<80xf32, #tpu.memory_space<vmem_shared>>
      %dma_wait3A_384 = tpu.memref_slice %arg15[%add3A_127] : memref<10000xf32, #tpu.memory_space<vmem_shared>> -> memref<80xf32, #tpu.memory_space<vmem_shared>>
      tpu.wait_dma2 semaphore(%arg22 : memref<!tpu.dma_semaphore, #tpu.memory_space<semaphore_mem>>) src(%arg13 : memref<80xf32, #tpu.memory_space<vmem>>) dst(%dma_wait3A_384 : memref<80xf32, #tpu.memory_space<vmem_shared>>)
    } else {
    }
    %mul3A_133 = arith.constant 640 : i32
    %mul3A_134 = arith.muli %arg1, %mul3A_133 : i32
    %add3A_135 = arith.constant 80 : i32
    %add3A_136 = arith.addi %mul3A_134, %add3A_135 : i32
    %lt3A_137 = arith.constant 10000 : i32
    %lt3A_138 = arith.cmpi slt, %add3A_136, %lt3A_137 : i32
    %convert_element_type3A_139 = arith.extui %lt3A_138 : i1 to i32
    %cond3A_140 = arith.constant 0 : i32
    %cond3A_141 = arith.cmpi ne, %convert_element_type3A_139, %cond3A_140 : i32
    scf.if %cond3A_141 {
      %add3A_354 = arith.constant 0 : i32
      %add3A_355 = arith.addi %add3A_136, %add3A_354 : i32
      %dma_wait3A = arith.constant 0 : i32
      %dma_wait3A_356 = tpu.memref_slice %arg14[%add3A_355, %dma_wait3A] : memref<10000x128xbf16, #tpu.memory_space<vmem_shared>> -> memref<16x128xbf16, #tpu.memory_space<vmem_shared>>
      %dma_wait3A_357 = arith.constant 0 : i32
      %dma_wait3A_358 = tpu.memref_slice %arg14[%add3A_355, %dma_wait3A_357] : memref<10000x128xbf16, #tpu.memory_space<vmem_shared>> -> memref<16x128xbf16, #tpu.memory_space<vmem_shared>>
      tpu.wait_dma2 semaphore(%arg22 : memref<!tpu.dma_semaphore, #tpu.memory_space<semaphore_mem>>) src(%arg12 : memref<16x128xbf16, #tpu.memory_space<vmem>>) dst(%dma_wait3A_358 : memref<16x128xbf16, #tpu.memory_space<vmem_shared>>)
      %add3A_359 = arith.constant 16 : i32
      %add3A_360 = arith.addi %add3A_136, %add3A_359 : i32
      %dma_wait3A_361 = arith.constant 0 : i32
      %dma_wait3A_362 = tpu.memref_slice %arg14[%add3A_360, %dma_wait3A_361] : memref<10000x128xbf16, #tpu.memory_space<vmem_shared>> -> memref<16x128xbf16, #tpu.memory_space<vmem_shared>>
      %dma_wait3A_363 = arith.constant 0 : i32
      %dma_wait3A_364 = tpu.memref_slice %arg14[%add3A_360, %dma_wait3A_363] : memref<10000x128xbf16, #tpu.memory_space<vmem_shared>> -> memref<16x128xbf16, #tpu.memory_space<vmem_shared>>
      tpu.wait_dma2 semaphore(%arg22 : memref<!tpu.dma_semaphore, #tpu.memory_space<semaphore_mem>>) src(%arg12 : memref<16x128xbf16, #tpu.memory_space<vmem>>) dst(%dma_wait3A_364 : memref<16x128xbf16, #tpu.memory_space<vmem_shared>>)
      %add3A_365 = arith.constant 32 : i32
      %add3A_366 = arith.addi %add3A_136, %add3A_365 : i32
      %dma_wait3A_367 = arith.constant 0 : i32
      %dma_wait3A_368 = tpu.memref_slice %arg14[%add3A_366, %dma_wait3A_367] : memref<10000x128xbf16, #tpu.memory_space<vmem_shared>> -> memref<16x128xbf16, #tpu.memory_space<vmem_shared>>
      %dma_wait3A_369 = arith.constant 0 : i32
      %dma_wait3A_370 = tpu.memref_slice %arg14[%add3A_366, %dma_wait3A_369] : memref<10000x128xbf16, #tpu.memory_space<vmem_shared>> -> memref<16x128xbf16, #tpu.memory_space<vmem_shared>>
      tpu.wait_dma2 semaphore(%arg22 : memref<!tpu.dma_semaphore, #tpu.memory_space<semaphore_mem>>) src(%arg12 : memref<16x128xbf16, #tpu.memory_space<vmem>>) dst(%dma_wait3A_370 : memref<16x128xbf16, #tpu.memory_space<vmem_shared>>)
      %add3A_371 = arith.constant 48 : i32
      %add3A_372 = arith.addi %add3A_136, %add3A_371 : i32
      %dma_wait3A_373 = arith.constant 0 : i32
      %dma_wait3A_374 = tpu.memref_slice %arg14[%add3A_372, %dma_wait3A_373] : memref<10000x128xbf16, #tpu.memory_space<vmem_shared>> -> memref<16x128xbf16, #tpu.memory_space<vmem_shared>>
      %dma_wait3A_375 = arith.constant 0 : i32
      %dma_wait3A_376 = tpu.memref_slice %arg14[%add3A_372, %dma_wait3A_375] : memref<10000x128xbf16, #tpu.memory_space<vmem_shared>> -> memref<16x128xbf16, #tpu.memory_space<vmem_shared>>
      tpu.wait_dma2 semaphore(%arg22 : memref<!tpu.dma_semaphore, #tpu.memory_space<semaphore_mem>>) src(%arg12 : memref<16x128xbf16, #tpu.memory_space<vmem>>) dst(%dma_wait3A_376 : memref<16x128xbf16, #tpu.memory_space<vmem_shared>>)
      %add3A_377 = arith.constant 64 : i32
      %add3A_378 = arith.addi %add3A_136, %add3A_377 : i32
      %dma_wait3A_379 = arith.constant 0 : i32
      %dma_wait3A_380 = tpu.memref_slice %arg14[%add3A_378, %dma_wait3A_379] : memref<10000x128xbf16, #tpu.memory_space<vmem_shared>> -> memref<16x128xbf16, #tpu.memory_space<vmem_shared>>
      %dma_wait3A_381 = arith.constant 0 : i32
      %dma_wait3A_382 = tpu.memref_slice %arg14[%add3A_378, %dma_wait3A_381] : memref<10000x128xbf16, #tpu.memory_space<vmem_shared>> -> memref<16x128xbf16, #tpu.memory_space<vmem_shared>>
      tpu.wait_dma2 semaphore(%arg22 : memref<!tpu.dma_semaphore, #tpu.memory_space<semaphore_mem>>) src(%arg12 : memref<16x128xbf16, #tpu.memory_space<vmem>>) dst(%dma_wait3A_382 : memref<16x128xbf16, #tpu.memory_space<vmem_shared>>)
      %dma_wait3A_383 = tpu.memref_slice %arg15[%add3A_136] : memref<10000xf32, #tpu.memory_space<vmem_shared>> -> memref<80xf32, #tpu.memory_space<vmem_shared>>
      %dma_wait3A_384 = tpu.memref_slice %arg15[%add3A_136] : memref<10000xf32, #tpu.memory_space<vmem_shared>> -> memref<80xf32, #tpu.memory_space<vmem_shared>>
      tpu.wait_dma2 semaphore(%arg22 : memref<!tpu.dma_semaphore, #tpu.memory_space<semaphore_mem>>) src(%arg13 : memref<80xf32, #tpu.memory_space<vmem>>) dst(%dma_wait3A_384 : memref<80xf32, #tpu.memory_space<vmem_shared>>)
    } else {
    }
    %mul3A_142 = arith.constant 640 : i32
    %mul3A_143 = arith.muli %arg1, %mul3A_142 : i32
    %add3A_144 = arith.constant 160 : i32
    %add3A_145 = arith.addi %mul3A_143, %add3A_144 : i32
    %lt3A_146 = arith.constant 10000 : i32
    %lt3A_147 = arith.cmpi slt, %add3A_145, %lt3A_146 : i32
    %convert_element_type3A_148 = arith.extui %lt3A_147 : i1 to i32
    %cond3A_149 = arith.constant 0 : i32
    %cond3A_150 = arith.cmpi ne, %convert_element_type3A_148, %cond3A_149 : i32
    scf.if %cond3A_150 {
      %add3A_354 = arith.constant 0 : i32
      %add3A_355 = arith.addi %add3A_145, %add3A_354 : i32
      %dma_wait3A = arith.constant 0 : i32
      %dma_wait3A_356 = tpu.memref_slice %arg14[%add3A_355, %dma_wait3A] : memref<10000x128xbf16, #tpu.memory_space<vmem_shared>> -> memref<16x128xbf16, #tpu.memory_space<vmem_shared>>
      %dma_wait3A_357 = arith.constant 0 : i32
      %dma_wait3A_358 = tpu.memref_slice %arg14[%add3A_355, %dma_wait3A_357] : memref<10000x128xbf16, #tpu.memory_space<vmem_shared>> -> memref<16x128xbf16, #tpu.memory_space<vmem_shared>>
      tpu.wait_dma2 semaphore(%arg22 : memref<!tpu.dma_semaphore, #tpu.memory_space<semaphore_mem>>) src(%arg12 : memref<16x128xbf16, #tpu.memory_space<vmem>>) dst(%dma_wait3A_358 : memref<16x128xbf16, #tpu.memory_space<vmem_shared>>)
      %add3A_359 = arith.constant 16 : i32
      %add3A_360 = arith.addi %add3A_145, %add3A_359 : i32
      %dma_wait3A_361 = arith.constant 0 : i32
      %dma_wait3A_362 = tpu.memref_slice %arg14[%add3A_360, %dma_wait3A_361] : memref<10000x128xbf16, #tpu.memory_space<vmem_shared>> -> memref<16x128xbf16, #tpu.memory_space<vmem_shared>>
      %dma_wait3A_363 = arith.constant 0 : i32
      %dma_wait3A_364 = tpu.memref_slice %arg14[%add3A_360, %dma_wait3A_363] : memref<10000x128xbf16, #tpu.memory_space<vmem_shared>> -> memref<16x128xbf16, #tpu.memory_space<vmem_shared>>
      tpu.wait_dma2 semaphore(%arg22 : memref<!tpu.dma_semaphore, #tpu.memory_space<semaphore_mem>>) src(%arg12 : memref<16x128xbf16, #tpu.memory_space<vmem>>) dst(%dma_wait3A_364 : memref<16x128xbf16, #tpu.memory_space<vmem_shared>>)
      %add3A_365 = arith.constant 32 : i32
      %add3A_366 = arith.addi %add3A_145, %add3A_365 : i32
      %dma_wait3A_367 = arith.constant 0 : i32
      %dma_wait3A_368 = tpu.memref_slice %arg14[%add3A_366, %dma_wait3A_367] : memref<10000x128xbf16, #tpu.memory_space<vmem_shared>> -> memref<16x128xbf16, #tpu.memory_space<vmem_shared>>
      %dma_wait3A_369 = arith.constant 0 : i32
      %dma_wait3A_370 = tpu.memref_slice %arg14[%add3A_366, %dma_wait3A_369] : memref<10000x128xbf16, #tpu.memory_space<vmem_shared>> -> memref<16x128xbf16, #tpu.memory_space<vmem_shared>>
      tpu.wait_dma2 semaphore(%arg22 : memref<!tpu.dma_semaphore, #tpu.memory_space<semaphore_mem>>) src(%arg12 : memref<16x128xbf16, #tpu.memory_space<vmem>>) dst(%dma_wait3A_370 : memref<16x128xbf16, #tpu.memory_space<vmem_shared>>)
      %add3A_371 = arith.constant 48 : i32
      %add3A_372 = arith.addi %add3A_145, %add3A_371 : i32
      %dma_wait3A_373 = arith.constant 0 : i32
      %dma_wait3A_374 = tpu.memref_slice %arg14[%add3A_372, %dma_wait3A_373] : memref<10000x128xbf16, #tpu.memory_space<vmem_shared>> -> memref<16x128xbf16, #tpu.memory_space<vmem_shared>>
      %dma_wait3A_375 = arith.constant 0 : i32
      %dma_wait3A_376 = tpu.memref_slice %arg14[%add3A_372, %dma_wait3A_375] : memref<10000x128xbf16, #tpu.memory_space<vmem_shared>> -> memref<16x128xbf16, #tpu.memory_space<vmem_shared>>
      tpu.wait_dma2 semaphore(%arg22 : memref<!tpu.dma_semaphore, #tpu.memory_space<semaphore_mem>>) src(%arg12 : memref<16x128xbf16, #tpu.memory_space<vmem>>) dst(%dma_wait3A_376 : memref<16x128xbf16, #tpu.memory_space<vmem_shared>>)
      %add3A_377 = arith.constant 64 : i32
      %add3A_378 = arith.addi %add3A_145, %add3A_377 : i32
      %dma_wait3A_379 = arith.constant 0 : i32
      %dma_wait3A_380 = tpu.memref_slice %arg14[%add3A_378, %dma_wait3A_379] : memref<10000x128xbf16, #tpu.memory_space<vmem_shared>> -> memref<16x128xbf16, #tpu.memory_space<vmem_shared>>
      %dma_wait3A_381 = arith.constant 0 : i32
      %dma_wait3A_382 = tpu.memref_slice %arg14[%add3A_378, %dma_wait3A_381] : memref<10000x128xbf16, #tpu.memory_space<vmem_shared>> -> memref<16x128xbf16, #tpu.memory_space<vmem_shared>>
      tpu.wait_dma2 semaphore(%arg22 : memref<!tpu.dma_semaphore, #tpu.memory_space<semaphore_mem>>) src(%arg12 : memref<16x128xbf16, #tpu.memory_space<vmem>>) dst(%dma_wait3A_382 : memref<16x128xbf16, #tpu.memory_space<vmem_shared>>)
      %dma_wait3A_383 = tpu.memref_slice %arg15[%add3A_145] : memref<10000xf32, #tpu.memory_space<vmem_shared>> -> memref<80xf32, #tpu.memory_space<vmem_shared>>
      %dma_wait3A_384 = tpu.memref_slice %arg15[%add3A_145] : memref<10000xf32, #tpu.memory_space<vmem_shared>> -> memref<80xf32, #tpu.memory_space<vmem_shared>>
      tpu.wait_dma2 semaphore(%arg22 : memref<!tpu.dma_semaphore, #tpu.memory_space<semaphore_mem>>) src(%arg13 : memref<80xf32, #tpu.memory_space<vmem>>) dst(%dma_wait3A_384 : memref<80xf32, #tpu.memory_space<vmem_shared>>)
    } else {
    }
    %mul3A_151 = arith.constant 640 : i32
    %mul3A_152 = arith.muli %arg1, %mul3A_151 : i32
    %add3A_153 = arith.constant 240 : i32
    %add3A_154 = arith.addi %mul3A_152, %add3A_153 : i32
    %lt3A_155 = arith.constant 10000 : i32
    %lt3A_156 = arith.cmpi slt, %add3A_154, %lt3A_155 : i32
    %convert_element_type3A_157 = arith.extui %lt3A_156 : i1 to i32
    %cond3A_158 = arith.constant 0 : i32
    %cond3A_159 = arith.cmpi ne, %convert_element_type3A_157, %cond3A_158 : i32
    scf.if %cond3A_159 {
      %add3A_354 = arith.constant 0 : i32
      %add3A_355 = arith.addi %add3A_154, %add3A_354 : i32
      %dma_wait3A = arith.constant 0 : i32
      %dma_wait3A_356 = tpu.memref_slice %arg14[%add3A_355, %dma_wait3A] : memref<10000x128xbf16, #tpu.memory_space<vmem_shared>> -> memref<16x128xbf16, #tpu.memory_space<vmem_shared>>
      %dma_wait3A_357 = arith.constant 0 : i32
      %dma_wait3A_358 = tpu.memref_slice %arg14[%add3A_355, %dma_wait3A_357] : memref<10000x128xbf16, #tpu.memory_space<vmem_shared>> -> memref<16x128xbf16, #tpu.memory_space<vmem_shared>>
      tpu.wait_dma2 semaphore(%arg22 : memref<!tpu.dma_semaphore, #tpu.memory_space<semaphore_mem>>) src(%arg12 : memref<16x128xbf16, #tpu.memory_space<vmem>>) dst(%dma_wait3A_358 : memref<16x128xbf16, #tpu.memory_space<vmem_shared>>)
      %add3A_359 = arith.constant 16 : i32
      %add3A_360 = arith.addi %add3A_154, %add3A_359 : i32
      %dma_wait3A_361 = arith.constant 0 : i32
      %dma_wait3A_362 = tpu.memref_slice %arg14[%add3A_360, %dma_wait3A_361] : memref<10000x128xbf16, #tpu.memory_space<vmem_shared>> -> memref<16x128xbf16, #tpu.memory_space<vmem_shared>>
      %dma_wait3A_363 = arith.constant 0 : i32
      %dma_wait3A_364 = tpu.memref_slice %arg14[%add3A_360, %dma_wait3A_363] : memref<10000x128xbf16, #tpu.memory_space<vmem_shared>> -> memref<16x128xbf16, #tpu.memory_space<vmem_shared>>
      tpu.wait_dma2 semaphore(%arg22 : memref<!tpu.dma_semaphore, #tpu.memory_space<semaphore_mem>>) src(%arg12 : memref<16x128xbf16, #tpu.memory_space<vmem>>) dst(%dma_wait3A_364 : memref<16x128xbf16, #tpu.memory_space<vmem_shared>>)
      %add3A_365 = arith.constant 32 : i32
      %add3A_366 = arith.addi %add3A_154, %add3A_365 : i32
      %dma_wait3A_367 = arith.constant 0 : i32
      %dma_wait3A_368 = tpu.memref_slice %arg14[%add3A_366, %dma_wait3A_367] : memref<10000x128xbf16, #tpu.memory_space<vmem_shared>> -> memref<16x128xbf16, #tpu.memory_space<vmem_shared>>
      %dma_wait3A_369 = arith.constant 0 : i32
      %dma_wait3A_370 = tpu.memref_slice %arg14[%add3A_366, %dma_wait3A_369] : memref<10000x128xbf16, #tpu.memory_space<vmem_shared>> -> memref<16x128xbf16, #tpu.memory_space<vmem_shared>>
      tpu.wait_dma2 semaphore(%arg22 : memref<!tpu.dma_semaphore, #tpu.memory_space<semaphore_mem>>) src(%arg12 : memref<16x128xbf16, #tpu.memory_space<vmem>>) dst(%dma_wait3A_370 : memref<16x128xbf16, #tpu.memory_space<vmem_shared>>)
      %add3A_371 = arith.constant 48 : i32
      %add3A_372 = arith.addi %add3A_154, %add3A_371 : i32
      %dma_wait3A_373 = arith.constant 0 : i32
      %dma_wait3A_374 = tpu.memref_slice %arg14[%add3A_372, %dma_wait3A_373] : memref<10000x128xbf16, #tpu.memory_space<vmem_shared>> -> memref<16x128xbf16, #tpu.memory_space<vmem_shared>>
      %dma_wait3A_375 = arith.constant 0 : i32
      %dma_wait3A_376 = tpu.memref_slice %arg14[%add3A_372, %dma_wait3A_375] : memref<10000x128xbf16, #tpu.memory_space<vmem_shared>> -> memref<16x128xbf16, #tpu.memory_space<vmem_shared>>
      tpu.wait_dma2 semaphore(%arg22 : memref<!tpu.dma_semaphore, #tpu.memory_space<semaphore_mem>>) src(%arg12 : memref<16x128xbf16, #tpu.memory_space<vmem>>) dst(%dma_wait3A_376 : memref<16x128xbf16, #tpu.memory_space<vmem_shared>>)
      %add3A_377 = arith.constant 64 : i32
      %add3A_378 = arith.addi %add3A_154, %add3A_377 : i32
      %dma_wait3A_379 = arith.constant 0 : i32
      %dma_wait3A_380 = tpu.memref_slice %arg14[%add3A_378, %dma_wait3A_379] : memref<10000x128xbf16, #tpu.memory_space<vmem_shared>> -> memref<16x128xbf16, #tpu.memory_space<vmem_shared>>
      %dma_wait3A_381 = arith.constant 0 : i32
      %dma_wait3A_382 = tpu.memref_slice %arg14[%add3A_378, %dma_wait3A_381] : memref<10000x128xbf16, #tpu.memory_space<vmem_shared>> -> memref<16x128xbf16, #tpu.memory_space<vmem_shared>>
      tpu.wait_dma2 semaphore(%arg22 : memref<!tpu.dma_semaphore, #tpu.memory_space<semaphore_mem>>) src(%arg12 : memref<16x128xbf16, #tpu.memory_space<vmem>>) dst(%dma_wait3A_382 : memref<16x128xbf16, #tpu.memory_space<vmem_shared>>)
      %dma_wait3A_383 = tpu.memref_slice %arg15[%add3A_154] : memref<10000xf32, #tpu.memory_space<vmem_shared>> -> memref<80xf32, #tpu.memory_space<vmem_shared>>
      %dma_wait3A_384 = tpu.memref_slice %arg15[%add3A_154] : memref<10000xf32, #tpu.memory_space<vmem_shared>> -> memref<80xf32, #tpu.memory_space<vmem_shared>>
      tpu.wait_dma2 semaphore(%arg22 : memref<!tpu.dma_semaphore, #tpu.memory_space<semaphore_mem>>) src(%arg13 : memref<80xf32, #tpu.memory_space<vmem>>) dst(%dma_wait3A_384 : memref<80xf32, #tpu.memory_space<vmem_shared>>)
    } else {
    }
    %mul3A_160 = arith.constant 640 : i32
    %mul3A_161 = arith.muli %arg1, %mul3A_160 : i32
    %add3A_162 = arith.constant 320 : i32
    %add3A_163 = arith.addi %mul3A_161, %add3A_162 : i32
    %lt3A_164 = arith.constant 10000 : i32
    %lt3A_165 = arith.cmpi slt, %add3A_163, %lt3A_164 : i32
    %convert_element_type3A_166 = arith.extui %lt3A_165 : i1 to i32
    %cond3A_167 = arith.constant 0 : i32
    %cond3A_168 = arith.cmpi ne, %convert_element_type3A_166, %cond3A_167 : i32
    scf.if %cond3A_168 {
      %add3A_354 = arith.constant 0 : i32
      %add3A_355 = arith.addi %add3A_163, %add3A_354 : i32
      %dma_wait3A = arith.constant 0 : i32
      %dma_wait3A_356 = tpu.memref_slice %arg14[%add3A_355, %dma_wait3A] : memref<10000x128xbf16, #tpu.memory_space<vmem_shared>> -> memref<16x128xbf16, #tpu.memory_space<vmem_shared>>
      %dma_wait3A_357 = arith.constant 0 : i32
      %dma_wait3A_358 = tpu.memref_slice %arg14[%add3A_355, %dma_wait3A_357] : memref<10000x128xbf16, #tpu.memory_space<vmem_shared>> -> memref<16x128xbf16, #tpu.memory_space<vmem_shared>>
      tpu.wait_dma2 semaphore(%arg22 : memref<!tpu.dma_semaphore, #tpu.memory_space<semaphore_mem>>) src(%arg12 : memref<16x128xbf16, #tpu.memory_space<vmem>>) dst(%dma_wait3A_358 : memref<16x128xbf16, #tpu.memory_space<vmem_shared>>)
      %add3A_359 = arith.constant 16 : i32
      %add3A_360 = arith.addi %add3A_163, %add3A_359 : i32
      %dma_wait3A_361 = arith.constant 0 : i32
      %dma_wait3A_362 = tpu.memref_slice %arg14[%add3A_360, %dma_wait3A_361] : memref<10000x128xbf16, #tpu.memory_space<vmem_shared>> -> memref<16x128xbf16, #tpu.memory_space<vmem_shared>>
      %dma_wait3A_363 = arith.constant 0 : i32
      %dma_wait3A_364 = tpu.memref_slice %arg14[%add3A_360, %dma_wait3A_363] : memref<10000x128xbf16, #tpu.memory_space<vmem_shared>> -> memref<16x128xbf16, #tpu.memory_space<vmem_shared>>
      tpu.wait_dma2 semaphore(%arg22 : memref<!tpu.dma_semaphore, #tpu.memory_space<semaphore_mem>>) src(%arg12 : memref<16x128xbf16, #tpu.memory_space<vmem>>) dst(%dma_wait3A_364 : memref<16x128xbf16, #tpu.memory_space<vmem_shared>>)
      %add3A_365 = arith.constant 32 : i32
      %add3A_366 = arith.addi %add3A_163, %add3A_365 : i32
      %dma_wait3A_367 = arith.constant 0 : i32
      %dma_wait3A_368 = tpu.memref_slice %arg14[%add3A_366, %dma_wait3A_367] : memref<10000x128xbf16, #tpu.memory_space<vmem_shared>> -> memref<16x128xbf16, #tpu.memory_space<vmem_shared>>
      %dma_wait3A_369 = arith.constant 0 : i32
      %dma_wait3A_370 = tpu.memref_slice %arg14[%add3A_366, %dma_wait3A_369] : memref<10000x128xbf16, #tpu.memory_space<vmem_shared>> -> memref<16x128xbf16, #tpu.memory_space<vmem_shared>>
      tpu.wait_dma2 semaphore(%arg22 : memref<!tpu.dma_semaphore, #tpu.memory_space<semaphore_mem>>) src(%arg12 : memref<16x128xbf16, #tpu.memory_space<vmem>>) dst(%dma_wait3A_370 : memref<16x128xbf16, #tpu.memory_space<vmem_shared>>)
      %add3A_371 = arith.constant 48 : i32
      %add3A_372 = arith.addi %add3A_163, %add3A_371 : i32
      %dma_wait3A_373 = arith.constant 0 : i32
      %dma_wait3A_374 = tpu.memref_slice %arg14[%add3A_372, %dma_wait3A_373] : memref<10000x128xbf16, #tpu.memory_space<vmem_shared>> -> memref<16x128xbf16, #tpu.memory_space<vmem_shared>>
      %dma_wait3A_375 = arith.constant 0 : i32
      %dma_wait3A_376 = tpu.memref_slice %arg14[%add3A_372, %dma_wait3A_375] : memref<10000x128xbf16, #tpu.memory_space<vmem_shared>> -> memref<16x128xbf16, #tpu.memory_space<vmem_shared>>
      tpu.wait_dma2 semaphore(%arg22 : memref<!tpu.dma_semaphore, #tpu.memory_space<semaphore_mem>>) src(%arg12 : memref<16x128xbf16, #tpu.memory_space<vmem>>) dst(%dma_wait3A_376 : memref<16x128xbf16, #tpu.memory_space<vmem_shared>>)
      %add3A_377 = arith.constant 64 : i32
      %add3A_378 = arith.addi %add3A_163, %add3A_377 : i32
      %dma_wait3A_379 = arith.constant 0 : i32
      %dma_wait3A_380 = tpu.memref_slice %arg14[%add3A_378, %dma_wait3A_379] : memref<10000x128xbf16, #tpu.memory_space<vmem_shared>> -> memref<16x128xbf16, #tpu.memory_space<vmem_shared>>
      %dma_wait3A_381 = arith.constant 0 : i32
      %dma_wait3A_382 = tpu.memref_slice %arg14[%add3A_378, %dma_wait3A_381] : memref<10000x128xbf16, #tpu.memory_space<vmem_shared>> -> memref<16x128xbf16, #tpu.memory_space<vmem_shared>>
      tpu.wait_dma2 semaphore(%arg22 : memref<!tpu.dma_semaphore, #tpu.memory_space<semaphore_mem>>) src(%arg12 : memref<16x128xbf16, #tpu.memory_space<vmem>>) dst(%dma_wait3A_382 : memref<16x128xbf16, #tpu.memory_space<vmem_shared>>)
      %dma_wait3A_383 = tpu.memref_slice %arg15[%add3A_163] : memref<10000xf32, #tpu.memory_space<vmem_shared>> -> memref<80xf32, #tpu.memory_space<vmem_shared>>
      %dma_wait3A_384 = tpu.memref_slice %arg15[%add3A_163] : memref<10000xf32, #tpu.memory_space<vmem_shared>> -> memref<80xf32, #tpu.memory_space<vmem_shared>>
      tpu.wait_dma2 semaphore(%arg22 : memref<!tpu.dma_semaphore, #tpu.memory_space<semaphore_mem>>) src(%arg13 : memref<80xf32, #tpu.memory_space<vmem>>) dst(%dma_wait3A_384 : memref<80xf32, #tpu.memory_space<vmem_shared>>)
    } else {
    }
    %mul3A_169 = arith.constant 640 : i32
    %mul3A_170 = arith.muli %arg1, %mul3A_169 : i32
    %add3A_171 = arith.constant 400 : i32
    %add3A_172 = arith.addi %mul3A_170, %add3A_171 : i32
    %lt3A_173 = arith.constant 10000 : i32
    %lt3A_174 = arith.cmpi slt, %add3A_172, %lt3A_173 : i32
    %convert_element_type3A_175 = arith.extui %lt3A_174 : i1 to i32
    %cond3A_176 = arith.constant 0 : i32
    %cond3A_177 = arith.cmpi ne, %convert_element_type3A_175, %cond3A_176 : i32
    scf.if %cond3A_177 {
      %add3A_354 = arith.constant 0 : i32
      %add3A_355 = arith.addi %add3A_172, %add3A_354 : i32
      %dma_wait3A = arith.constant 0 : i32
      %dma_wait3A_356 = tpu.memref_slice %arg14[%add3A_355, %dma_wait3A] : memref<10000x128xbf16, #tpu.memory_space<vmem_shared>> -> memref<16x128xbf16, #tpu.memory_space<vmem_shared>>
      %dma_wait3A_357 = arith.constant 0 : i32
      %dma_wait3A_358 = tpu.memref_slice %arg14[%add3A_355, %dma_wait3A_357] : memref<10000x128xbf16, #tpu.memory_space<vmem_shared>> -> memref<16x128xbf16, #tpu.memory_space<vmem_shared>>
      tpu.wait_dma2 semaphore(%arg22 : memref<!tpu.dma_semaphore, #tpu.memory_space<semaphore_mem>>) src(%arg12 : memref<16x128xbf16, #tpu.memory_space<vmem>>) dst(%dma_wait3A_358 : memref<16x128xbf16, #tpu.memory_space<vmem_shared>>)
      %add3A_359 = arith.constant 16 : i32
      %add3A_360 = arith.addi %add3A_172, %add3A_359 : i32
      %dma_wait3A_361 = arith.constant 0 : i32
      %dma_wait3A_362 = tpu.memref_slice %arg14[%add3A_360, %dma_wait3A_361] : memref<10000x128xbf16, #tpu.memory_space<vmem_shared>> -> memref<16x128xbf16, #tpu.memory_space<vmem_shared>>
      %dma_wait3A_363 = arith.constant 0 : i32
      %dma_wait3A_364 = tpu.memref_slice %arg14[%add3A_360, %dma_wait3A_363] : memref<10000x128xbf16, #tpu.memory_space<vmem_shared>> -> memref<16x128xbf16, #tpu.memory_space<vmem_shared>>
      tpu.wait_dma2 semaphore(%arg22 : memref<!tpu.dma_semaphore, #tpu.memory_space<semaphore_mem>>) src(%arg12 : memref<16x128xbf16, #tpu.memory_space<vmem>>) dst(%dma_wait3A_364 : memref<16x128xbf16, #tpu.memory_space<vmem_shared>>)
      %add3A_365 = arith.constant 32 : i32
      %add3A_366 = arith.addi %add3A_172, %add3A_365 : i32
      %dma_wait3A_367 = arith.constant 0 : i32
      %dma_wait3A_368 = tpu.memref_slice %arg14[%add3A_366, %dma_wait3A_367] : memref<10000x128xbf16, #tpu.memory_space<vmem_shared>> -> memref<16x128xbf16, #tpu.memory_space<vmem_shared>>
      %dma_wait3A_369 = arith.constant 0 : i32
      %dma_wait3A_370 = tpu.memref_slice %arg14[%add3A_366, %dma_wait3A_369] : memref<10000x128xbf16, #tpu.memory_space<vmem_shared>> -> memref<16x128xbf16, #tpu.memory_space<vmem_shared>>
      tpu.wait_dma2 semaphore(%arg22 : memref<!tpu.dma_semaphore, #tpu.memory_space<semaphore_mem>>) src(%arg12 : memref<16x128xbf16, #tpu.memory_space<vmem>>) dst(%dma_wait3A_370 : memref<16x128xbf16, #tpu.memory_space<vmem_shared>>)
      %add3A_371 = arith.constant 48 : i32
      %add3A_372 = arith.addi %add3A_172, %add3A_371 : i32
      %dma_wait3A_373 = arith.constant 0 : i32
      %dma_wait3A_374 = tpu.memref_slice %arg14[%add3A_372, %dma_wait3A_373] : memref<10000x128xbf16, #tpu.memory_space<vmem_shared>> -> memref<16x128xbf16, #tpu.memory_space<vmem_shared>>
      %dma_wait3A_375 = arith.constant 0 : i32
      %dma_wait3A_376 = tpu.memref_slice %arg14[%add3A_372, %dma_wait3A_375] : memref<10000x128xbf16, #tpu.memory_space<vmem_shared>> -> memref<16x128xbf16, #tpu.memory_space<vmem_shared>>
      tpu.wait_dma2 semaphore(%arg22 : memref<!tpu.dma_semaphore, #tpu.memory_space<semaphore_mem>>) src(%arg12 : memref<16x128xbf16, #tpu.memory_space<vmem>>) dst(%dma_wait3A_376 : memref<16x128xbf16, #tpu.memory_space<vmem_shared>>)
      %add3A_377 = arith.constant 64 : i32
      %add3A_378 = arith.addi %add3A_172, %add3A_377 : i32
      %dma_wait3A_379 = arith.constant 0 : i32
      %dma_wait3A_380 = tpu.memref_slice %arg14[%add3A_378, %dma_wait3A_379] : memref<10000x128xbf16, #tpu.memory_space<vmem_shared>> -> memref<16x128xbf16, #tpu.memory_space<vmem_shared>>
      %dma_wait3A_381 = arith.constant 0 : i32
      %dma_wait3A_382 = tpu.memref_slice %arg14[%add3A_378, %dma_wait3A_381] : memref<10000x128xbf16, #tpu.memory_space<vmem_shared>> -> memref<16x128xbf16, #tpu.memory_space<vmem_shared>>
      tpu.wait_dma2 semaphore(%arg22 : memref<!tpu.dma_semaphore, #tpu.memory_space<semaphore_mem>>) src(%arg12 : memref<16x128xbf16, #tpu.memory_space<vmem>>) dst(%dma_wait3A_382 : memref<16x128xbf16, #tpu.memory_space<vmem_shared>>)
      %dma_wait3A_383 = tpu.memref_slice %arg15[%add3A_172] : memref<10000xf32, #tpu.memory_space<vmem_shared>> -> memref<80xf32, #tpu.memory_space<vmem_shared>>
      %dma_wait3A_384 = tpu.memref_slice %arg15[%add3A_172] : memref<10000xf32, #tpu.memory_space<vmem_shared>> -> memref<80xf32, #tpu.memory_space<vmem_shared>>
      tpu.wait_dma2 semaphore(%arg22 : memref<!tpu.dma_semaphore, #tpu.memory_space<semaphore_mem>>) src(%arg13 : memref<80xf32, #tpu.memory_space<vmem>>) dst(%dma_wait3A_384 : memref<80xf32, #tpu.memory_space<vmem_shared>>)
    } else {
    }
    %mul3A_178 = arith.constant 640 : i32
    %mul3A_179 = arith.muli %arg1, %mul3A_178 : i32
    %add3A_180 = arith.constant 480 : i32
    %add3A_181 = arith.addi %mul3A_179, %add3A_180 : i32
    %lt3A_182 = arith.constant 10000 : i32
    %lt3A_183 = arith.cmpi slt, %add3A_181, %lt3A_182 : i32
    %convert_element_type3A_184 = arith.extui %lt3A_183 : i1 to i32
    %cond3A_185 = arith.constant 0 : i32
    %cond3A_186 = arith.cmpi ne, %convert_element_type3A_184, %cond3A_185 : i32
    scf.if %cond3A_186 {
      %add3A_354 = arith.constant 0 : i32
      %add3A_355 = arith.addi %add3A_181, %add3A_354 : i32
      %dma_wait3A = arith.constant 0 : i32
      %dma_wait3A_356 = tpu.memref_slice %arg14[%add3A_355, %dma_wait3A] : memref<10000x128xbf16, #tpu.memory_space<vmem_shared>> -> memref<16x128xbf16, #tpu.memory_space<vmem_shared>>
      %dma_wait3A_357 = arith.constant 0 : i32
      %dma_wait3A_358 = tpu.memref_slice %arg14[%add3A_355, %dma_wait3A_357] : memref<10000x128xbf16, #tpu.memory_space<vmem_shared>> -> memref<16x128xbf16, #tpu.memory_space<vmem_shared>>
      tpu.wait_dma2 semaphore(%arg22 : memref<!tpu.dma_semaphore, #tpu.memory_space<semaphore_mem>>) src(%arg12 : memref<16x128xbf16, #tpu.memory_space<vmem>>) dst(%dma_wait3A_358 : memref<16x128xbf16, #tpu.memory_space<vmem_shared>>)
      %add3A_359 = arith.constant 16 : i32
      %add3A_360 = arith.addi %add3A_181, %add3A_359 : i32
      %dma_wait3A_361 = arith.constant 0 : i32
      %dma_wait3A_362 = tpu.memref_slice %arg14[%add3A_360, %dma_wait3A_361] : memref<10000x128xbf16, #tpu.memory_space<vmem_shared>> -> memref<16x128xbf16, #tpu.memory_space<vmem_shared>>
      %dma_wait3A_363 = arith.constant 0 : i32
      %dma_wait3A_364 = tpu.memref_slice %arg14[%add3A_360, %dma_wait3A_363] : memref<10000x128xbf16, #tpu.memory_space<vmem_shared>> -> memref<16x128xbf16, #tpu.memory_space<vmem_shared>>
      tpu.wait_dma2 semaphore(%arg22 : memref<!tpu.dma_semaphore, #tpu.memory_space<semaphore_mem>>) src(%arg12 : memref<16x128xbf16, #tpu.memory_space<vmem>>) dst(%dma_wait3A_364 : memref<16x128xbf16, #tpu.memory_space<vmem_shared>>)
      %add3A_365 = arith.constant 32 : i32
      %add3A_366 = arith.addi %add3A_181, %add3A_365 : i32
      %dma_wait3A_367 = arith.constant 0 : i32
      %dma_wait3A_368 = tpu.memref_slice %arg14[%add3A_366, %dma_wait3A_367] : memref<10000x128xbf16, #tpu.memory_space<vmem_shared>> -> memref<16x128xbf16, #tpu.memory_space<vmem_shared>>
      %dma_wait3A_369 = arith.constant 0 : i32
      %dma_wait3A_370 = tpu.memref_slice %arg14[%add3A_366, %dma_wait3A_369] : memref<10000x128xbf16, #tpu.memory_space<vmem_shared>> -> memref<16x128xbf16, #tpu.memory_space<vmem_shared>>
      tpu.wait_dma2 semaphore(%arg22 : memref<!tpu.dma_semaphore, #tpu.memory_space<semaphore_mem>>) src(%arg12 : memref<16x128xbf16, #tpu.memory_space<vmem>>) dst(%dma_wait3A_370 : memref<16x128xbf16, #tpu.memory_space<vmem_shared>>)
      %add3A_371 = arith.constant 48 : i32
      %add3A_372 = arith.addi %add3A_181, %add3A_371 : i32
      %dma_wait3A_373 = arith.constant 0 : i32
      %dma_wait3A_374 = tpu.memref_slice %arg14[%add3A_372, %dma_wait3A_373] : memref<10000x128xbf16, #tpu.memory_space<vmem_shared>> -> memref<16x128xbf16, #tpu.memory_space<vmem_shared>>
      %dma_wait3A_375 = arith.constant 0 : i32
      %dma_wait3A_376 = tpu.memref_slice %arg14[%add3A_372, %dma_wait3A_375] : memref<10000x128xbf16, #tpu.memory_space<vmem_shared>> -> memref<16x128xbf16, #tpu.memory_space<vmem_shared>>
      tpu.wait_dma2 semaphore(%arg22 : memref<!tpu.dma_semaphore, #tpu.memory_space<semaphore_mem>>) src(%arg12 : memref<16x128xbf16, #tpu.memory_space<vmem>>) dst(%dma_wait3A_376 : memref<16x128xbf16, #tpu.memory_space<vmem_shared>>)
      %add3A_377 = arith.constant 64 : i32
      %add3A_378 = arith.addi %add3A_181, %add3A_377 : i32
      %dma_wait3A_379 = arith.constant 0 : i32
      %dma_wait3A_380 = tpu.memref_slice %arg14[%add3A_378, %dma_wait3A_379] : memref<10000x128xbf16, #tpu.memory_space<vmem_shared>> -> memref<16x128xbf16, #tpu.memory_space<vmem_shared>>
      %dma_wait3A_381 = arith.constant 0 : i32
      %dma_wait3A_382 = tpu.memref_slice %arg14[%add3A_378, %dma_wait3A_381] : memref<10000x128xbf16, #tpu.memory_space<vmem_shared>> -> memref<16x128xbf16, #tpu.memory_space<vmem_shared>>
      tpu.wait_dma2 semaphore(%arg22 : memref<!tpu.dma_semaphore, #tpu.memory_space<semaphore_mem>>) src(%arg12 : memref<16x128xbf16, #tpu.memory_space<vmem>>) dst(%dma_wait3A_382 : memref<16x128xbf16, #tpu.memory_space<vmem_shared>>)
      %dma_wait3A_383 = tpu.memref_slice %arg15[%add3A_181] : memref<10000xf32, #tpu.memory_space<vmem_shared>> -> memref<80xf32, #tpu.memory_space<vmem_shared>>
      %dma_wait3A_384 = tpu.memref_slice %arg15[%add3A_181] : memref<10000xf32, #tpu.memory_space<vmem_shared>> -> memref<80xf32, #tpu.memory_space<vmem_shared>>
      tpu.wait_dma2 semaphore(%arg22 : memref<!tpu.dma_semaphore, #tpu.memory_space<semaphore_mem>>) src(%arg13 : memref<80xf32, #tpu.memory_space<vmem>>) dst(%dma_wait3A_384 : memref<80xf32, #tpu.memory_space<vmem_shared>>)
    } else {
    }
    %mul3A_187 = arith.constant 640 : i32
    %mul3A_188 = arith.muli %arg1, %mul3A_187 : i32
    %add3A_189 = arith.constant 560 : i32
    %add3A_190 = arith.addi %mul3A_188, %add3A_189 : i32
    %lt3A_191 = arith.constant 10000 : i32
    %lt3A_192 = arith.cmpi slt, %add3A_190, %lt3A_191 : i32
    %convert_element_type3A_193 = arith.extui %lt3A_192 : i1 to i32
    %cond3A_194 = arith.constant 0 : i32
    %cond3A_195 = arith.cmpi ne, %convert_element_type3A_193, %cond3A_194 : i32
    scf.if %cond3A_195 {
      %add3A_354 = arith.constant 0 : i32
      %add3A_355 = arith.addi %add3A_190, %add3A_354 : i32
      %dma_wait3A = arith.constant 0 : i32
      %dma_wait3A_356 = tpu.memref_slice %arg14[%add3A_355, %dma_wait3A] : memref<10000x128xbf16, #tpu.memory_space<vmem_shared>> -> memref<16x128xbf16, #tpu.memory_space<vmem_shared>>
      %dma_wait3A_357 = arith.constant 0 : i32
      %dma_wait3A_358 = tpu.memref_slice %arg14[%add3A_355, %dma_wait3A_357] : memref<10000x128xbf16, #tpu.memory_space<vmem_shared>> -> memref<16x128xbf16, #tpu.memory_space<vmem_shared>>
      tpu.wait_dma2 semaphore(%arg22 : memref<!tpu.dma_semaphore, #tpu.memory_space<semaphore_mem>>) src(%arg12 : memref<16x128xbf16, #tpu.memory_space<vmem>>) dst(%dma_wait3A_358 : memref<16x128xbf16, #tpu.memory_space<vmem_shared>>)
      %add3A_359 = arith.constant 16 : i32
      %add3A_360 = arith.addi %add3A_190, %add3A_359 : i32
      %dma_wait3A_361 = arith.constant 0 : i32
      %dma_wait3A_362 = tpu.memref_slice %arg14[%add3A_360, %dma_wait3A_361] : memref<10000x128xbf16, #tpu.memory_space<vmem_shared>> -> memref<16x128xbf16, #tpu.memory_space<vmem_shared>>
      %dma_wait3A_363 = arith.constant 0 : i32
      %dma_wait3A_364 = tpu.memref_slice %arg14[%add3A_360, %dma_wait3A_363] : memref<10000x128xbf16, #tpu.memory_space<vmem_shared>> -> memref<16x128xbf16, #tpu.memory_space<vmem_shared>>
      tpu.wait_dma2 semaphore(%arg22 : memref<!tpu.dma_semaphore, #tpu.memory_space<semaphore_mem>>) src(%arg12 : memref<16x128xbf16, #tpu.memory_space<vmem>>) dst(%dma_wait3A_364 : memref<16x128xbf16, #tpu.memory_space<vmem_shared>>)
      %add3A_365 = arith.constant 32 : i32
      %add3A_366 = arith.addi %add3A_190, %add3A_365 : i32
      %dma_wait3A_367 = arith.constant 0 : i32
      %dma_wait3A_368 = tpu.memref_slice %arg14[%add3A_366, %dma_wait3A_367] : memref<10000x128xbf16, #tpu.memory_space<vmem_shared>> -> memref<16x128xbf16, #tpu.memory_space<vmem_shared>>
      %dma_wait3A_369 = arith.constant 0 : i32
      %dma_wait3A_370 = tpu.memref_slice %arg14[%add3A_366, %dma_wait3A_369] : memref<10000x128xbf16, #tpu.memory_space<vmem_shared>> -> memref<16x128xbf16, #tpu.memory_space<vmem_shared>>
      tpu.wait_dma2 semaphore(%arg22 : memref<!tpu.dma_semaphore, #tpu.memory_space<semaphore_mem>>) src(%arg12 : memref<16x128xbf16, #tpu.memory_space<vmem>>) dst(%dma_wait3A_370 : memref<16x128xbf16, #tpu.memory_space<vmem_shared>>)
      %add3A_371 = arith.constant 48 : i32
      %add3A_372 = arith.addi %add3A_190, %add3A_371 : i32
      %dma_wait3A_373 = arith.constant 0 : i32
      %dma_wait3A_374 = tpu.memref_slice %arg14[%add3A_372, %dma_wait3A_373] : memref<10000x128xbf16, #tpu.memory_space<vmem_shared>> -> memref<16x128xbf16, #tpu.memory_space<vmem_shared>>
      %dma_wait3A_375 = arith.constant 0 : i32
      %dma_wait3A_376 = tpu.memref_slice %arg14[%add3A_372, %dma_wait3A_375] : memref<10000x128xbf16, #tpu.memory_space<vmem_shared>> -> memref<16x128xbf16, #tpu.memory_space<vmem_shared>>
      tpu.wait_dma2 semaphore(%arg22 : memref<!tpu.dma_semaphore, #tpu.memory_space<semaphore_mem>>) src(%arg12 : memref<16x128xbf16, #tpu.memory_space<vmem>>) dst(%dma_wait3A_376 : memref<16x128xbf16, #tpu.memory_space<vmem_shared>>)
      %add3A_377 = arith.constant 64 : i32
      %add3A_378 = arith.addi %add3A_190, %add3A_377 : i32
      %dma_wait3A_379 = arith.constant 0 : i32
      %dma_wait3A_380 = tpu.memref_slice %arg14[%add3A_378, %dma_wait3A_379] : memref<10000x128xbf16, #tpu.memory_space<vmem_shared>> -> memref<16x128xbf16, #tpu.memory_space<vmem_shared>>
      %dma_wait3A_381 = arith.constant 0 : i32
      %dma_wait3A_382 = tpu.memref_slice %arg14[%add3A_378, %dma_wait3A_381] : memref<10000x128xbf16, #tpu.memory_space<vmem_shared>> -> memref<16x128xbf16, #tpu.memory_space<vmem_shared>>
      tpu.wait_dma2 semaphore(%arg22 : memref<!tpu.dma_semaphore, #tpu.memory_space<semaphore_mem>>) src(%arg12 : memref<16x128xbf16, #tpu.memory_space<vmem>>) dst(%dma_wait3A_382 : memref<16x128xbf16, #tpu.memory_space<vmem_shared>>)
      %dma_wait3A_383 = tpu.memref_slice %arg15[%add3A_190] : memref<10000xf32, #tpu.memory_space<vmem_shared>> -> memref<80xf32, #tpu.memory_space<vmem_shared>>
      %dma_wait3A_384 = tpu.memref_slice %arg15[%add3A_190] : memref<10000xf32, #tpu.memory_space<vmem_shared>> -> memref<80xf32, #tpu.memory_space<vmem_shared>>
      tpu.wait_dma2 semaphore(%arg22 : memref<!tpu.dma_semaphore, #tpu.memory_space<semaphore_mem>>) src(%arg13 : memref<80xf32, #tpu.memory_space<vmem>>) dst(%dma_wait3A_384 : memref<80xf32, #tpu.memory_space<vmem_shared>>)
    } else {
    }
    %barrier3A = arith.constant 0 : index
    tpu.barrier barrier_id(%barrier3A)
    %mul3A_196 = arith.constant 10000 : i32
    %mul3A_197 = arith.muli %arg1, %mul3A_196 : i32
    %run_scoped3A = arith.constant 0 : i32
    "tpu.region"() ({
      %run_scoped3A_354 = tpu.sem_alloc : memref<!tpu.dma_semaphore, #tpu.memory_space<semaphore_mem>>
      %dma_start3A_355 = tpu.memref_slice %arg3[%run_scoped3A, %mul3A_197] : memref<2x160000xi32, #tpu.memory_space<hbm>> -> memref<1x10000xi32, #tpu.memory_space<hbm>>
      %dma_start3A_356 = tpu.memref_squeeze %dma_start3A_355 : memref<1x10000xi32, #tpu.memory_space<hbm>> -> memref<10000xi32, #tpu.memory_space<hbm>>
      %dma_start3A_357 = tpu.memref_slice %arg3[%run_scoped3A, %mul3A_197] : memref<2x160000xi32, #tpu.memory_space<hbm>> -> memref<1x10000xi32, #tpu.memory_space<hbm>>
      %dma_start3A_358 = tpu.memref_squeeze %dma_start3A_357 : memref<1x10000xi32, #tpu.memory_space<hbm>> -> memref<10000xi32, #tpu.memory_space<hbm>>
      tpu.enqueue_dma source(%dma_start3A_358 : memref<10000xi32, #tpu.memory_space<hbm>>) target(%arg6 : memref<10000xi32, #tpu.memory_space<vmem>>) target_semaphore(%run_scoped3A_354 : memref<!tpu.dma_semaphore, #tpu.memory_space<semaphore_mem>>)
      %dma_wait3A = tpu.memref_slice %arg3[%run_scoped3A, %mul3A_197] : memref<2x160000xi32, #tpu.memory_space<hbm>> -> memref<1x10000xi32, #tpu.memory_space<hbm>>
      %dma_wait3A_359 = tpu.memref_squeeze %dma_wait3A : memref<1x10000xi32, #tpu.memory_space<hbm>> -> memref<10000xi32, #tpu.memory_space<hbm>>
      %dma_wait3A_360 = tpu.memref_slice %arg3[%run_scoped3A, %mul3A_197] : memref<2x160000xi32, #tpu.memory_space<hbm>> -> memref<1x10000xi32, #tpu.memory_space<hbm>>
      %dma_wait3A_361 = tpu.memref_squeeze %dma_wait3A_360 : memref<1x10000xi32, #tpu.memory_space<hbm>> -> memref<10000xi32, #tpu.memory_space<hbm>>
      tpu.wait_dma2 semaphore(%run_scoped3A_354 : memref<!tpu.dma_semaphore, #tpu.memory_space<semaphore_mem>>) src(%dma_wait3A_361 : memref<10000xi32, #tpu.memory_space<hbm>>) dst(%arg6 : memref<10000xi32, #tpu.memory_space<vmem>>)
      tpu.yield
    }) : () -> ()
    %mul3A_198 = arith.constant 10000 : i32
    %mul3A_199 = arith.muli %arg1, %mul3A_198 : i32
    %run_scoped3A_200 = arith.constant 1 : i32
    "tpu.region"() ({
      %run_scoped3A_354 = tpu.sem_alloc : memref<!tpu.dma_semaphore, #tpu.memory_space<semaphore_mem>>
      %dma_start3A_355 = tpu.memref_slice %arg3[%run_scoped3A_200, %mul3A_199] : memref<2x160000xi32, #tpu.memory_space<hbm>> -> memref<1x10000xi32, #tpu.memory_space<hbm>>
      %dma_start3A_356 = tpu.memref_squeeze %dma_start3A_355 : memref<1x10000xi32, #tpu.memory_space<hbm>> -> memref<10000xi32, #tpu.memory_space<hbm>>
      %dma_start3A_357 = tpu.memref_slice %arg3[%run_scoped3A_200, %mul3A_199] : memref<2x160000xi32, #tpu.memory_space<hbm>> -> memref<1x10000xi32, #tpu.memory_space<hbm>>
      %dma_start3A_358 = tpu.memref_squeeze %dma_start3A_357 : memref<1x10000xi32, #tpu.memory_space<hbm>> -> memref<10000xi32, #tpu.memory_space<hbm>>
      tpu.enqueue_dma source(%dma_start3A_358 : memref<10000xi32, #tpu.memory_space<hbm>>) target(%arg9 : memref<10000xi32, #tpu.memory_space<vmem>>) target_semaphore(%run_scoped3A_354 : memref<!tpu.dma_semaphore, #tpu.memory_space<semaphore_mem>>)
      %dma_wait3A = tpu.memref_slice %arg3[%run_scoped3A_200, %mul3A_199] : memref<2x160000xi32, #tpu.memory_space<hbm>> -> memref<1x10000xi32, #tpu.memory_space<hbm>>
      %dma_wait3A_359 = tpu.memref_squeeze %dma_wait3A : memref<1x10000xi32, #tpu.memory_space<hbm>> -> memref<10000xi32, #tpu.memory_space<hbm>>
      %dma_wait3A_360 = tpu.memref_slice %arg3[%run_scoped3A_200, %mul3A_199] : memref<2x160000xi32, #tpu.memory_space<hbm>> -> memref<1x10000xi32, #tpu.memory_space<hbm>>
      %dma_wait3A_361 = tpu.memref_squeeze %dma_wait3A_360 : memref<1x10000xi32, #tpu.memory_space<hbm>> -> memref<10000xi32, #tpu.memory_space<hbm>>
      tpu.wait_dma2 semaphore(%run_scoped3A_354 : memref<!tpu.dma_semaphore, #tpu.memory_space<semaphore_mem>>) src(%dma_wait3A_361 : memref<10000xi32, #tpu.memory_space<hbm>>) dst(%arg9 : memref<10000xi32, #tpu.memory_space<vmem>>)
      tpu.yield
    }) : () -> ()
    %scan3A_201 = arith.constant 0 : i32
    %scan3A_202 = arith.constant 0 : i32
    %scan3A_203 = arith.constant 125 : i32
    %scan3A_204 = arith.addi %scan3A_202, %scan3A_203 : i32
    %scan3A_205 = arith.constant 1 : i32
    scf.for %scan3A_354 = %scan3A_202 to %scan3A_204 step %scan3A_205  : i32 {
      %mul3A_355 = arith.constant 80 : i32
      %mul3A_356 = arith.muli %scan3A_354, %mul3A_355 : i32
      %add3A_357 = arith.constant 0 : i32
      %add3A_358 = arith.addi %mul3A_356, %add3A_357 : i32
      %get3A = arith.index_cast %add3A_358 : i32 to index
      %get3A_359 = tpu.vector_load %arg6[%get3A] {strides = array<i32>} : memref<10000xi32, #tpu.memory_space<vmem>>, vector<16xi32>,
      %get3A_360 = vector.shape_cast %get3A_359 : vector<16xi32> to vector<16xi32>
      %mul3A_361 = arith.constant 2 : i32
      %mul3A_362 = vector.broadcast %mul3A_361 : i32 to vector<16xi32>
      %mul3A_363 = arith.muli %get3A_360, %mul3A_362 : vector<16xi32>
      %add3A_364 = vector.broadcast %arg0 : i32 to vector<16xi32>
      %add3A_365 = arith.addi %mul3A_363, %add3A_364 : vector<16xi32>
      %swap3A_366 = arith.index_cast %scan3A_354 : i32 to index
      %swap3A_367 = arith.constant 0 : index
      %swap3A_368 = tpu.vector_load %arg7[%swap3A_366, %swap3A_367] {strides = array<i32>} : memref<125x80xi32, #tpu.memory_space<vmem>>, vector<1x16xi32>,
      %swap3A_369 = vector.shape_cast %swap3A_368 : vector<1x16xi32> to vector<16xi32>
      %swap3A_370 = vector.shape_cast %add3A_365 : vector<16xi32> to vector<1x16xi32>
      tpu.vector_store %arg7[%swap3A_366, %swap3A_367], %swap3A_370 {strides = array<i32>} : memref<125x80xi32, #tpu.memory_space<vmem>>, vector<1x16xi32>,
      %get3A_371 = arith.index_cast %add3A_358 : i32 to index
      %get3A_372 = tpu.vector_load %arg9[%get3A_371] {strides = array<i32>} : memref<10000xi32, #tpu.memory_space<vmem>>, vector<16xi32>,
      %get3A_373 = vector.shape_cast %get3A_372 : vector<16xi32> to vector<16xi32>
      %swap3A_374 = arith.index_cast %scan3A_354 : i32 to index
      %swap3A_375 = arith.constant 0 : index
      %swap3A_376 = tpu.vector_load %arg8[%swap3A_374, %swap3A_375] {strides = array<i32>} : memref<125x80xi32, #tpu.memory_space<vmem>>, vector<1x16xi32>,
      %swap3A_377 = vector.shape_cast %swap3A_376 : vector<1x16xi32> to vector<16xi32>
      %swap3A_378 = vector.shape_cast %get3A_373 : vector<16xi32> to vector<1x16xi32>
      tpu.vector_store %arg8[%swap3A_374, %swap3A_375], %swap3A_378 {strides = array<i32>} : memref<125x80xi32, #tpu.memory_space<vmem>>, vector<1x16xi32>,
      %mul3A_379 = arith.constant 80 : i32
      %mul3A_380 = arith.muli %scan3A_354, %mul3A_379 : i32
      %add3A_381 = arith.constant 16 : i32
      %add3A_382 = arith.addi %mul3A_380, %add3A_381 : i32
      %get3A_383 = arith.index_cast %add3A_382 : i32 to index
      %get3A_384 = tpu.vector_load %arg6[%get3A_383] {strides = array<i32>} : memref<10000xi32, #tpu.memory_space<vmem>>, vector<16xi32>,
      %get3A_385 = vector.shape_cast %get3A_384 : vector<16xi32> to vector<16xi32>
      %mul3A_386 = arith.constant 2 : i32
      %mul3A_387 = vector.broadcast %mul3A_386 : i32 to vector<16xi32>
      %mul3A_388 = arith.muli %get3A_385, %mul3A_387 : vector<16xi32>
      %add3A_389 = vector.broadcast %arg0 : i32 to vector<16xi32>
      %add3A_390 = arith.addi %mul3A_388, %add3A_389 : vector<16xi32>
      %swap3A_391 = arith.index_cast %scan3A_354 : i32 to index
      %swap3A_392 = arith.constant 16 : index
      %swap3A_393 = tpu.vector_load %arg7[%swap3A_391, %swap3A_392] {strides = array<i32>} : memref<125x80xi32, #tpu.memory_space<vmem>>, vector<1x16xi32>,
      %swap3A_394 = vector.shape_cast %swap3A_393 : vector<1x16xi32> to vector<16xi32>
      %swap3A_395 = vector.shape_cast %add3A_390 : vector<16xi32> to vector<1x16xi32>
      tpu.vector_store %arg7[%swap3A_391, %swap3A_392], %swap3A_395 {strides = array<i32>} : memref<125x80xi32, #tpu.memory_space<vmem>>, vector<1x16xi32>,
      %get3A_396 = arith.index_cast %add3A_382 : i32 to index
      %get3A_397 = tpu.vector_load %arg9[%get3A_396] {strides = array<i32>} : memref<10000xi32, #tpu.memory_space<vmem>>, vector<16xi32>,
      %get3A_398 = vector.shape_cast %get3A_397 : vector<16xi32> to vector<16xi32>
      %swap3A_399 = arith.index_cast %scan3A_354 : i32 to index
      %swap3A_400 = arith.constant 16 : index
      %swap3A_401 = tpu.vector_load %arg8[%swap3A_399, %swap3A_400] {strides = array<i32>} : memref<125x80xi32, #tpu.memory_space<vmem>>, vector<1x16xi32>,
      %swap3A_402 = vector.shape_cast %swap3A_401 : vector<1x16xi32> to vector<16xi32>
      %swap3A_403 = vector.shape_cast %get3A_398 : vector<16xi32> to vector<1x16xi32>
      tpu.vector_store %arg8[%swap3A_399, %swap3A_400], %swap3A_403 {strides = array<i32>} : memref<125x80xi32, #tpu.memory_space<vmem>>, vector<1x16xi32>,
      %mul3A_404 = arith.constant 80 : i32
      %mul3A_405 = arith.muli %scan3A_354, %mul3A_404 : i32
      %add3A_406 = arith.constant 32 : i32
      %add3A_407 = arith.addi %mul3A_405, %add3A_406 : i32
      %get3A_408 = arith.index_cast %add3A_407 : i32 to index
      %get3A_409 = tpu.vector_load %arg6[%get3A_408] {strides = array<i32>} : memref<10000xi32, #tpu.memory_space<vmem>>, vector<16xi32>,
      %get3A_410 = vector.shape_cast %get3A_409 : vector<16xi32> to vector<16xi32>
      %mul3A_411 = arith.constant 2 : i32
      %mul3A_412 = vector.broadcast %mul3A_411 : i32 to vector<16xi32>
      %mul3A_413 = arith.muli %get3A_410, %mul3A_412 : vector<16xi32>
      %add3A_414 = vector.broadcast %arg0 : i32 to vector<16xi32>
      %add3A_415 = arith.addi %mul3A_413, %add3A_414 : vector<16xi32>
      %swap3A_416 = arith.index_cast %scan3A_354 : i32 to index
      %swap3A_417 = arith.constant 32 : index
      %swap3A_418 = tpu.vector_load %arg7[%swap3A_416, %swap3A_417] {strides = array<i32>} : memref<125x80xi32, #tpu.memory_space<vmem>>, vector<1x16xi32>,
      %swap3A_419 = vector.shape_cast %swap3A_418 : vector<1x16xi32> to vector<16xi32>
      %swap3A_420 = vector.shape_cast %add3A_415 : vector<16xi32> to vector<1x16xi32>
      tpu.vector_store %arg7[%swap3A_416, %swap3A_417], %swap3A_420 {strides = array<i32>} : memref<125x80xi32, #tpu.memory_space<vmem>>, vector<1x16xi32>,
      %get3A_421 = arith.index_cast %add3A_407 : i32 to index
      %get3A_422 = tpu.vector_load %arg9[%get3A_421] {strides = array<i32>} : memref<10000xi32, #tpu.memory_space<vmem>>, vector<16xi32>,
      %get3A_423 = vector.shape_cast %get3A_422 : vector<16xi32> to vector<16xi32>
      %swap3A_424 = arith.index_cast %scan3A_354 : i32 to index
      %swap3A_425 = arith.constant 32 : index
      %swap3A_426 = tpu.vector_load %arg8[%swap3A_424, %swap3A_425] {strides = array<i32>} : memref<125x80xi32, #tpu.memory_space<vmem>>, vector<1x16xi32>,
      %swap3A_427 = vector.shape_cast %swap3A_426 : vector<1x16xi32> to vector<16xi32>
      %swap3A_428 = vector.shape_cast %get3A_423 : vector<16xi32> to vector<1x16xi32>
      tpu.vector_store %arg8[%swap3A_424, %swap3A_425], %swap3A_428 {strides = array<i32>} : memref<125x80xi32, #tpu.memory_space<vmem>>, vector<1x16xi32>,
      %mul3A_429 = arith.constant 80 : i32
      %mul3A_430 = arith.muli %scan3A_354, %mul3A_429 : i32
      %add3A_431 = arith.constant 48 : i32
      %add3A_432 = arith.addi %mul3A_430, %add3A_431 : i32
      %get3A_433 = arith.index_cast %add3A_432 : i32 to index
      %get3A_434 = tpu.vector_load %arg6[%get3A_433] {strides = array<i32>} : memref<10000xi32, #tpu.memory_space<vmem>>, vector<16xi32>,
      %get3A_435 = vector.shape_cast %get3A_434 : vector<16xi32> to vector<16xi32>
      %mul3A_436 = arith.constant 2 : i32
      %mul3A_437 = vector.broadcast %mul3A_436 : i32 to vector<16xi32>
      %mul3A_438 = arith.muli %get3A_435, %mul3A_437 : vector<16xi32>
      %add3A_439 = vector.broadcast %arg0 : i32 to vector<16xi32>
      %add3A_440 = arith.addi %mul3A_438, %add3A_439 : vector<16xi32>
      %swap3A_441 = arith.index_cast %scan3A_354 : i32 to index
      %swap3A_442 = arith.constant 48 : index
      %swap3A_443 = tpu.vector_load %arg7[%swap3A_441, %swap3A_442] {strides = array<i32>} : memref<125x80xi32, #tpu.memory_space<vmem>>, vector<1x16xi32>,
      %swap3A_444 = vector.shape_cast %swap3A_443 : vector<1x16xi32> to vector<16xi32>
      %swap3A_445 = vector.shape_cast %add3A_440 : vector<16xi32> to vector<1x16xi32>
      tpu.vector_store %arg7[%swap3A_441, %swap3A_442], %swap3A_445 {strides = array<i32>} : memref<125x80xi32, #tpu.memory_space<vmem>>, vector<1x16xi32>,
      %get3A_446 = arith.index_cast %add3A_432 : i32 to index
      %get3A_447 = tpu.vector_load %arg9[%get3A_446] {strides = array<i32>} : memref<10000xi32, #tpu.memory_space<vmem>>, vector<16xi32>,
      %get3A_448 = vector.shape_cast %get3A_447 : vector<16xi32> to vector<16xi32>
      %swap3A_449 = arith.index_cast %scan3A_354 : i32 to index
      %swap3A_450 = arith.constant 48 : index
      %swap3A_451 = tpu.vector_load %arg8[%swap3A_449, %swap3A_450] {strides = array<i32>} : memref<125x80xi32, #tpu.memory_space<vmem>>, vector<1x16xi32>,
      %swap3A_452 = vector.shape_cast %swap3A_451 : vector<1x16xi32> to vector<16xi32>
      %swap3A_453 = vector.shape_cast %get3A_448 : vector<16xi32> to vector<1x16xi32>
      tpu.vector_store %arg8[%swap3A_449, %swap3A_450], %swap3A_453 {strides = array<i32>} : memref<125x80xi32, #tpu.memory_space<vmem>>, vector<1x16xi32>,
      %mul3A_454 = arith.constant 80 : i32
      %mul3A_455 = arith.muli %scan3A_354, %mul3A_454 : i32
      %add3A_456 = arith.constant 64 : i32
      %add3A_457 = arith.addi %mul3A_455, %add3A_456 : i32
      %get3A_458 = arith.index_cast %add3A_457 : i32 to index
      %get3A_459 = tpu.vector_load %arg6[%get3A_458] {strides = array<i32>} : memref<10000xi32, #tpu.memory_space<vmem>>, vector<16xi32>,
      %get3A_460 = vector.shape_cast %get3A_459 : vector<16xi32> to vector<16xi32>
      %mul3A_461 = arith.constant 2 : i32
      %mul3A_462 = vector.broadcast %mul3A_461 : i32 to vector<16xi32>
      %mul3A_463 = arith.muli %get3A_460, %mul3A_462 : vector<16xi32>
      %add3A_464 = vector.broadcast %arg0 : i32 to vector<16xi32>
      %add3A_465 = arith.addi %mul3A_463, %add3A_464 : vector<16xi32>
      %swap3A_466 = arith.index_cast %scan3A_354 : i32 to index
      %swap3A_467 = arith.constant 64 : index
      %swap3A_468 = tpu.vector_load %arg7[%swap3A_466, %swap3A_467] {strides = array<i32>} : memref<125x80xi32, #tpu.memory_space<vmem>>, vector<1x16xi32>,
      %swap3A_469 = vector.shape_cast %swap3A_468 : vector<1x16xi32> to vector<16xi32>
      %swap3A_470 = vector.shape_cast %add3A_465 : vector<16xi32> to vector<1x16xi32>
      tpu.vector_store %arg7[%swap3A_466, %swap3A_467], %swap3A_470 {strides = array<i32>} : memref<125x80xi32, #tpu.memory_space<vmem>>, vector<1x16xi32>,
      %get3A_471 = arith.index_cast %add3A_457 : i32 to index
      %get3A_472 = tpu.vector_load %arg9[%get3A_471] {strides = array<i32>} : memref<10000xi32, #tpu.memory_space<vmem>>, vector<16xi32>,
      %get3A_473 = vector.shape_cast %get3A_472 : vector<16xi32> to vector<16xi32>
      %swap3A_474 = arith.index_cast %scan3A_354 : i32 to index
      %swap3A_475 = arith.constant 64 : index
      %swap3A_476 = tpu.vector_load %arg8[%swap3A_474, %swap3A_475] {strides = array<i32>} : memref<125x80xi32, #tpu.memory_space<vmem>>, vector<1x16xi32>,
      %swap3A_477 = vector.shape_cast %swap3A_476 : vector<1x16xi32> to vector<16xi32>
      %swap3A_478 = vector.shape_cast %get3A_473 : vector<16xi32> to vector<1x16xi32>
      tpu.vector_store %arg8[%swap3A_474, %swap3A_475], %swap3A_478 {strides = array<i32>} : memref<125x80xi32, #tpu.memory_space<vmem>>, vector<1x16xi32>,
    }
    %scan3A_206 = arith.constant 125 : i32
    %dma_start3A = arith.constant 0 : i32
    %dma_start3A_207 = arith.constant 0 : i32
    %dma_start3A_208 = arith.constant 0 : i32
    %dma_start3A_209 = arith.constant 0 : i32
    %dma_start3A_210 = tpu.memref_slice %arg10[%dma_start3A_207, %dma_start3A_208, %dma_start3A_209] : memref<5x80x128xbf16, #tpu.memory_space<vmem>> -> memref<1x80x128xbf16, #tpu.memory_space<vmem>>
    %dma_start3A_211 = tpu.memref_squeeze %dma_start3A_210 : memref<1x80x128xbf16, #tpu.memory_space<vmem>> -> memref<80x128xbf16, #tpu.memory_space<vmem>>
    %dma_start3A_212 = arith.constant 0 : i32
    %dma_start3A_213 = tpu.memref_slice %arg7[%dma_start3A, %dma_start3A_212] : memref<125x80xi32, #tpu.memory_space<vmem>> -> memref<1x80xi32, #tpu.memory_space<vmem>>
    %dma_start3A_214 = tpu.memref_squeeze %dma_start3A_213 : memref<1x80xi32, #tpu.memory_space<vmem>> -> memref<80xi32, #tpu.memory_space<vmem>>
    %dma_start3A_215 = arith.constant 0 : i32
    %dma_start3A_216 = arith.constant 0 : i32
    %dma_start3A_217 = tpu.memref_slice %arg2[%dma_start3A_215, %dma_start3A_216] : memref<20000x128xbf16, #tpu.memory_space<hbm>> -> memref<20000x128xbf16, #tpu.memory_space<hbm>>
    tpu.enqueue_indirect_dma source(%dma_start3A_217 : memref<20000x128xbf16, #tpu.memory_space<hbm>>) target(%dma_start3A_211 : memref<80x128xbf16, #tpu.memory_space<vmem>>) offsets(%dma_start3A_214 : memref<80xi32, #tpu.memory_space<vmem>>) semaphore(%arg16 : memref<!tpu.dma_semaphore, #tpu.memory_space<semaphore_mem>>)
    %dma_start3A_218 = arith.constant 1 : i32
    %dma_start3A_219 = arith.constant 1 : i32
    %dma_start3A_220 = arith.constant 0 : i32
    %dma_start3A_221 = arith.constant 0 : i32
    %dma_start3A_222 = tpu.memref_slice %arg10[%dma_start3A_219, %dma_start3A_220, %dma_start3A_221] : memref<5x80x128xbf16, #tpu.memory_space<vmem>> -> memref<1x80x128xbf16, #tpu.memory_space<vmem>>
    %dma_start3A_223 = tpu.memref_squeeze %dma_start3A_222 : memref<1x80x128xbf16, #tpu.memory_space<vmem>> -> memref<80x128xbf16, #tpu.memory_space<vmem>>
    %dma_start3A_224 = arith.constant 0 : i32
    %dma_start3A_225 = tpu.memref_slice %arg7[%dma_start3A_218, %dma_start3A_224] : memref<125x80xi32, #tpu.memory_space<vmem>> -> memref<1x80xi32, #tpu.memory_space<vmem>>
    %dma_start3A_226 = tpu.memref_squeeze %dma_start3A_225 : memref<1x80xi32, #tpu.memory_space<vmem>> -> memref<80xi32, #tpu.memory_space<vmem>>
    %dma_start3A_227 = arith.constant 0 : i32
    %dma_start3A_228 = arith.constant 0 : i32
    %dma_start3A_229 = tpu.memref_slice %arg2[%dma_start3A_227, %dma_start3A_228] : memref<20000x128xbf16, #tpu.memory_space<hbm>> -> memref<20000x128xbf16, #tpu.memory_space<hbm>>
    tpu.enqueue_indirect_dma source(%dma_start3A_229 : memref<20000x128xbf16, #tpu.memory_space<hbm>>) target(%dma_start3A_223 : memref<80x128xbf16, #tpu.memory_space<vmem>>) offsets(%dma_start3A_226 : memref<80xi32, #tpu.memory_space<vmem>>) semaphore(%arg17 : memref<!tpu.dma_semaphore, #tpu.memory_space<semaphore_mem>>)
    %dma_start3A_230 = arith.constant 2 : i32
    %dma_start3A_231 = arith.constant 2 : i32
    %dma_start3A_232 = arith.constant 0 : i32
    %dma_start3A_233 = arith.constant 0 : i32
    %dma_start3A_234 = tpu.memref_slice %arg10[%dma_start3A_231, %dma_start3A_232, %dma_start3A_233] : memref<5x80x128xbf16, #tpu.memory_space<vmem>> -> memref<1x80x128xbf16, #tpu.memory_space<vmem>>
    %dma_start3A_235 = tpu.memref_squeeze %dma_start3A_234 : memref<1x80x128xbf16, #tpu.memory_space<vmem>> -> memref<80x128xbf16, #tpu.memory_space<vmem>>
    %dma_start3A_236 = arith.constant 0 : i32
    %dma_start3A_237 = tpu.memref_slice %arg7[%dma_start3A_230, %dma_start3A_236] : memref<125x80xi32, #tpu.memory_space<vmem>> -> memref<1x80xi32, #tpu.memory_space<vmem>>
    %dma_start3A_238 = tpu.memref_squeeze %dma_start3A_237 : memref<1x80xi32, #tpu.memory_space<vmem>> -> memref<80xi32, #tpu.memory_space<vmem>>
    %dma_start3A_239 = arith.constant 0 : i32
    %dma_start3A_240 = arith.constant 0 : i32
    %dma_start3A_241 = tpu.memref_slice %arg2[%dma_start3A_239, %dma_start3A_240] : memref<20000x128xbf16, #tpu.memory_space<hbm>> -> memref<20000x128xbf16, #tpu.memory_space<hbm>>
    tpu.enqueue_indirect_dma source(%dma_start3A_241 : memref<20000x128xbf16, #tpu.memory_space<hbm>>) target(%dma_start3A_235 : memref<80x128xbf16, #tpu.memory_space<vmem>>) offsets(%dma_start3A_238 : memref<80xi32, #tpu.memory_space<vmem>>) semaphore(%arg18 : memref<!tpu.dma_semaphore, #tpu.memory_space<semaphore_mem>>)
    %dma_start3A_242 = arith.constant 3 : i32
    %dma_start3A_243 = arith.constant 3 : i32
    %dma_start3A_244 = arith.constant 0 : i32
    %dma_start3A_245 = arith.constant 0 : i32
    %dma_start3A_246 = tpu.memref_slice %arg10[%dma_start3A_243, %dma_start3A_244, %dma_start3A_245] : memref<5x80x128xbf16, #tpu.memory_space<vmem>> -> memref<1x80x128xbf16, #tpu.memory_space<vmem>>
    %dma_start3A_247 = tpu.memref_squeeze %dma_start3A_246 : memref<1x80x128xbf16, #tpu.memory_space<vmem>> -> memref<80x128xbf16, #tpu.memory_space<vmem>>
    %dma_start3A_248 = arith.constant 0 : i32
    %dma_start3A_249 = tpu.memref_slice %arg7[%dma_start3A_242, %dma_start3A_248] : memref<125x80xi32, #tpu.memory_space<vmem>> -> memref<1x80xi32, #tpu.memory_space<vmem>>
    %dma_start3A_250 = tpu.memref_squeeze %dma_start3A_249 : memref<1x80xi32, #tpu.memory_space<vmem>> -> memref<80xi32, #tpu.memory_space<vmem>>
    %dma_start3A_251 = arith.constant 0 : i32
    %dma_start3A_252 = arith.constant 0 : i32
    %dma_start3A_253 = tpu.memref_slice %arg2[%dma_start3A_251, %dma_start3A_252] : memref<20000x128xbf16, #tpu.memory_space<hbm>> -> memref<20000x128xbf16, #tpu.memory_space<hbm>>
    tpu.enqueue_indirect_dma source(%dma_start3A_253 : memref<20000x128xbf16, #tpu.memory_space<hbm>>) target(%dma_start3A_247 : memref<80x128xbf16, #tpu.memory_space<vmem>>) offsets(%dma_start3A_250 : memref<80xi32, #tpu.memory_space<vmem>>) semaphore(%arg19 : memref<!tpu.dma_semaphore, #tpu.memory_space<semaphore_mem>>)
    %dma_start3A_254 = arith.constant 4 : i32
    %dma_start3A_255 = arith.constant 4 : i32
    %dma_start3A_256 = arith.constant 0 : i32
    %dma_start3A_257 = arith.constant 0 : i32
    %dma_start3A_258 = tpu.memref_slice %arg10[%dma_start3A_255, %dma_start3A_256, %dma_start3A_257] : memref<5x80x128xbf16, #tpu.memory_space<vmem>> -> memref<1x80x128xbf16, #tpu.memory_space<vmem>>
    %dma_start3A_259 = tpu.memref_squeeze %dma_start3A_258 : memref<1x80x128xbf16, #tpu.memory_space<vmem>> -> memref<80x128xbf16, #tpu.memory_space<vmem>>
    %dma_start3A_260 = arith.constant 0 : i32
    %dma_start3A_261 = tpu.memref_slice %arg7[%dma_start3A_254, %dma_start3A_260] : memref<125x80xi32, #tpu.memory_space<vmem>> -> memref<1x80xi32, #tpu.memory_space<vmem>>
    %dma_start3A_262 = tpu.memref_squeeze %dma_start3A_261 : memref<1x80xi32, #tpu.memory_space<vmem>> -> memref<80xi32, #tpu.memory_space<vmem>>
    %dma_start3A_263 = arith.constant 0 : i32
    %dma_start3A_264 = arith.constant 0 : i32
    %dma_start3A_265 = tpu.memref_slice %arg2[%dma_start3A_263, %dma_start3A_264] : memref<20000x128xbf16, #tpu.memory_space<hbm>> -> memref<20000x128xbf16, #tpu.memory_space<hbm>>
    tpu.enqueue_indirect_dma source(%dma_start3A_265 : memref<20000x128xbf16, #tpu.memory_space<hbm>>) target(%dma_start3A_259 : memref<80x128xbf16, #tpu.memory_space<vmem>>) offsets(%dma_start3A_262 : memref<80xi32, #tpu.memory_space<vmem>>) semaphore(%arg20 : memref<!tpu.dma_semaphore, #tpu.memory_space<semaphore_mem>>)
    %scan3A_266 = arith.constant 0 : i32
    %scan3A_267 = arith.constant 0 : i32
    %scan3A_268 = arith.constant 25 : i32
    %scan3A_269 = arith.addi %scan3A_267, %scan3A_268 : i32
    %scan3A_270 = arith.constant 1 : i32
    scf.for %scan3A_354 = %scan3A_267 to %scan3A_269 step %scan3A_270  : i32 {
      %mul3A_355 = arith.constant 5 : i32
      %mul3A_356 = arith.muli %mul3A_355, %scan3A_354 : i32
      %add3A_357 = arith.constant 0 : i32
      %add3A_358 = arith.addi %mul3A_356, %add3A_357 : i32
      %dma_wait3A = arith.constant 0 : i32
      %dma_wait3A_359 = arith.constant 0 : i32
      %dma_wait3A_360 = arith.constant 0 : i32
      %dma_wait3A_361 = tpu.memref_slice %arg10[%dma_wait3A, %dma_wait3A_359, %dma_wait3A_360] : memref<5x80x128xbf16, #tpu.memory_space<vmem>> -> memref<1x80x128xbf16, #tpu.memory_space<vmem>>
      %dma_wait3A_362 = tpu.memref_squeeze %dma_wait3A_361 : memref<1x80x128xbf16, #tpu.memory_space<vmem>> -> memref<80x128xbf16, #tpu.memory_space<vmem>>
      %dma_wait3A_363 = arith.constant 0 : i32
      %dma_wait3A_364 = tpu.memref_slice %arg7[%add3A_358, %dma_wait3A_363] : memref<125x80xi32, #tpu.memory_space<vmem>> -> memref<1x80xi32, #tpu.memory_space<vmem>>
      %dma_wait3A_365 = tpu.memref_squeeze %dma_wait3A_364 : memref<1x80xi32, #tpu.memory_space<vmem>> -> memref<80xi32, #tpu.memory_space<vmem>>
      %dma_wait3A_366 = arith.constant 0 : i32
      %dma_wait3A_367 = arith.constant 0 : i32
      %dma_wait3A_368 = tpu.memref_slice %arg2[%dma_wait3A_366, %dma_wait3A_367] : memref<20000x128xbf16, #tpu.memory_space<hbm>> -> memref<20000x128xbf16, #tpu.memory_space<hbm>>
      tpu.wait_indirect_dma semaphore(%arg16 : memref<!tpu.dma_semaphore, #tpu.memory_space<semaphore_mem>>) src(%dma_wait3A_368 : memref<20000x128xbf16, #tpu.memory_space<hbm>>) dst(%dma_wait3A_362 : memref<80x128xbf16, #tpu.memory_space<vmem>>)
      %run_scoped3A_369 = arith.constant 0 : i32
      "tpu.region"() ({
        %run_scoped3A_518 = tpu.sem_alloc : memref<!tpu.dma_semaphore, #tpu.memory_space<semaphore_mem>>
        %dma_start3A_519 = arith.constant 0 : i32
        %dma_start3A_520 = arith.constant 0 : i32
        %dma_start3A_521 = tpu.memref_slice %arg10[%run_scoped3A_369, %dma_start3A_519, %dma_start3A_520] : memref<5x80x128xbf16, #tpu.memory_space<vmem>> -> memref<1x80x128xbf16, #tpu.memory_space<vmem>>
        %dma_start3A_522 = tpu.memref_squeeze %dma_start3A_521 : memref<1x80x128xbf16, #tpu.memory_space<vmem>> -> memref<80x128xbf16, #tpu.memory_space<vmem>>
        %dma_start3A_523 = arith.constant 0 : i32
        %dma_start3A_524 = tpu.memref_slice %arg8[%add3A_358, %dma_start3A_523] : memref<125x80xi32, #tpu.memory_space<vmem>> -> memref<1x80xi32, #tpu.memory_space<vmem>>
        %dma_start3A_525 = tpu.memref_squeeze %dma_start3A_524 : memref<1x80xi32, #tpu.memory_space<vmem>> -> memref<80xi32, #tpu.memory_space<vmem>>
        %dma_start3A_526 = arith.constant 0 : i32
        %dma_start3A_527 = arith.constant 0 : i32
        %dma_start3A_528 = tpu.memref_slice %arg14[%dma_start3A_526, %dma_start3A_527] : memref<10000x128xbf16, #tpu.memory_space<vmem_shared>> -> memref<10000x128xbf16, #tpu.memory_space<vmem_shared>>
        tpu.enqueue_indirect_dma source(%dma_start3A_522 : memref<80x128xbf16, #tpu.memory_space<vmem>>) target(%dma_start3A_528 : memref<10000x128xbf16, #tpu.memory_space<vmem_shared>>) offsets(%dma_start3A_525 : memref<80xi32, #tpu.memory_space<vmem>>) semaphore(%run_scoped3A_518 : memref<!tpu.dma_semaphore, #tpu.memory_space<semaphore_mem>>) {add = true}
        %dma_wait3A_529 = arith.constant 0 : i32
        %dma_wait3A_530 = arith.constant 0 : i32
        %dma_wait3A_531 = tpu.memref_slice %arg10[%run_scoped3A_369, %dma_wait3A_529, %dma_wait3A_530] : memref<5x80x128xbf16, #tpu.memory_space<vmem>> -> memref<1x80x128xbf16, #tpu.memory_space<vmem>>
        %dma_wait3A_532 = tpu.memref_squeeze %dma_wait3A_531 : memref<1x80x128xbf16, #tpu.memory_space<vmem>> -> memref<80x128xbf16, #tpu.memory_space<vmem>>
        %dma_wait3A_533 = arith.constant 0 : i32
        %dma_wait3A_534 = tpu.memref_slice %arg8[%add3A_358, %dma_wait3A_533] : memref<125x80xi32, #tpu.memory_space<vmem>> -> memref<1x80xi32, #tpu.memory_space<vmem>>
        %dma_wait3A_535 = tpu.memref_squeeze %dma_wait3A_534 : memref<1x80xi32, #tpu.memory_space<vmem>> -> memref<80xi32, #tpu.memory_space<vmem>>
        %dma_wait3A_536 = arith.constant 0 : i32
        %dma_wait3A_537 = arith.constant 0 : i32
        %dma_wait3A_538 = tpu.memref_slice %arg14[%dma_wait3A_536, %dma_wait3A_537] : memref<10000x128xbf16, #tpu.memory_space<vmem_shared>> -> memref<10000x128xbf16, #tpu.memory_space<vmem_shared>>
        tpu.wait_indirect_dma semaphore(%run_scoped3A_518 : memref<!tpu.dma_semaphore, #tpu.memory_space<semaphore_mem>>) src(%dma_wait3A_532 : memref<80x128xbf16, #tpu.memory_space<vmem>>) dst(%dma_wait3A_538 : memref<10000x128xbf16, #tpu.memory_space<vmem_shared>>)
        tpu.yield
      }) : () -> ()
      %eq3A_370 = arith.constant 0 : i32
      %eq3A_371 = arith.cmpi eq, %arg0, %eq3A_370 : i32
      %lt3A_372 = arith.constant 62 : i32
      %lt3A_373 = arith.cmpi slt, %add3A_358, %lt3A_372 : i32
      %ge3A = arith.constant 62 : i32
      %ge3A_374 = arith.cmpi sge, %add3A_358, %ge3A : i32
      %select_n3A_375 = arith.select %eq3A_371, %lt3A_373, %ge3A_374 : i1
      %convert_element_type3A_376 = arith.extui %select_n3A_375 : i1 to i32
      %cond3A_377 = arith.constant 0 : i32
      %cond3A_378 = arith.cmpi ne, %convert_element_type3A_376, %cond3A_377 : i32
      scf.if %cond3A_378 {
        %dma_start3A_518 = arith.constant 0 : i32
        %dma_start3A_519 = tpu.memref_slice %arg11[%dma_start3A_518] : memref<112xf32, #tpu.memory_space<vmem>> -> memref<80xf32, #tpu.memory_space<vmem>>
        %dma_start3A_520 = arith.constant 0 : i32
        %dma_start3A_521 = tpu.memref_slice %arg8[%add3A_358, %dma_start3A_520] : memref<125x80xi32, #tpu.memory_space<vmem>> -> memref<1x80xi32, #tpu.memory_space<vmem>>
        %dma_start3A_522 = tpu.memref_squeeze %dma_start3A_521 : memref<1x80xi32, #tpu.memory_space<vmem>> -> memref<80xi32, #tpu.memory_space<vmem>>
        %dma_start3A_523 = arith.constant 0 : i32
        %dma_start3A_524 = tpu.memref_slice %arg15[%dma_start3A_523] : memref<10000xf32, #tpu.memory_space<vmem_shared>> -> memref<10000xf32, #tpu.memory_space<vmem_shared>>
        tpu.enqueue_indirect_dma source(%dma_start3A_519 : memref<80xf32, #tpu.memory_space<vmem>>) target(%dma_start3A_524 : memref<10000xf32, #tpu.memory_space<vmem_shared>>) offsets(%dma_start3A_522 : memref<80xi32, #tpu.memory_space<vmem>>) semaphore(%arg21 : memref<!tpu.dma_semaphore, #tpu.memory_space<semaphore_mem>>) {add = true}
      } else {
      }
      %add3A_379 = arith.constant 5 : i32
      %add3A_380 = arith.addi %add3A_358, %add3A_379 : i32
      %lt3A_381 = arith.constant 125 : i32
      %lt3A_382 = arith.cmpi slt, %add3A_380, %lt3A_381 : i32
      %convert_element_type3A_383 = arith.extui %lt3A_382 : i1 to i32
      %cond3A_384 = arith.constant 0 : i32
      %cond3A_385 = arith.cmpi ne, %convert_element_type3A_383, %cond3A_384 : i32
      scf.if %cond3A_385 {
        %add3A_518 = arith.constant 5 : i32
        %add3A_519 = arith.addi %add3A_358, %add3A_518 : i32
        %dma_start3A_520 = arith.constant 0 : i32
        %dma_start3A_521 = arith.constant 0 : i32
        %dma_start3A_522 = arith.constant 0 : i32
        %dma_start3A_523 = tpu.memref_slice %arg10[%dma_start3A_520, %dma_start3A_521, %dma_start3A_522] : memref<5x80x128xbf16, #tpu.memory_space<vmem>> -> memref<1x80x128xbf16, #tpu.memory_space<vmem>>
        %dma_start3A_524 = tpu.memref_squeeze %dma_start3A_523 : memref<1x80x128xbf16, #tpu.memory_space<vmem>> -> memref<80x128xbf16, #tpu.memory_space<vmem>>
        %dma_start3A_525 = arith.constant 0 : i32
        %dma_start3A_526 = tpu.memref_slice %arg7[%add3A_519, %dma_start3A_525] : memref<125x80xi32, #tpu.memory_space<vmem>> -> memref<1x80xi32, #tpu.memory_space<vmem>>
        %dma_start3A_527 = tpu.memref_squeeze %dma_start3A_526 : memref<1x80xi32, #tpu.memory_space<vmem>> -> memref<80xi32, #tpu.memory_space<vmem>>
        %dma_start3A_528 = arith.constant 0 : i32
        %dma_start3A_529 = arith.constant 0 : i32
        %dma_start3A_530 = tpu.memref_slice %arg2[%dma_start3A_528, %dma_start3A_529] : memref<20000x128xbf16, #tpu.memory_space<hbm>> -> memref<20000x128xbf16, #tpu.memory_space<hbm>>
        tpu.enqueue_indirect_dma source(%dma_start3A_530 : memref<20000x128xbf16, #tpu.memory_space<hbm>>) target(%dma_start3A_524 : memref<80x128xbf16, #tpu.memory_space<vmem>>) offsets(%dma_start3A_527 : memref<80xi32, #tpu.memory_space<vmem>>) semaphore(%arg16 : memref<!tpu.dma_semaphore, #tpu.memory_space<semaphore_mem>>)
      } else {
      }
      %mul3A_386 = arith.constant 5 : i32
      %mul3A_387 = arith.muli %mul3A_386, %scan3A_354 : i32
      %add3A_388 = arith.constant 1 : i32
      %add3A_389 = arith.addi %mul3A_387, %add3A_388 : i32
      %dma_wait3A_390 = arith.constant 1 : i32
      %dma_wait3A_391 = arith.constant 0 : i32
      %dma_wait3A_392 = arith.constant 0 : i32
      %dma_wait3A_393 = tpu.memref_slice %arg10[%dma_wait3A_390, %dma_wait3A_391, %dma_wait3A_392] : memref<5x80x128xbf16, #tpu.memory_space<vmem>> -> memref<1x80x128xbf16, #tpu.memory_space<vmem>>
      %dma_wait3A_394 = tpu.memref_squeeze %dma_wait3A_393 : memref<1x80x128xbf16, #tpu.memory_space<vmem>> -> memref<80x128xbf16, #tpu.memory_space<vmem>>
      %dma_wait3A_395 = arith.constant 0 : i32
      %dma_wait3A_396 = tpu.memref_slice %arg7[%add3A_389, %dma_wait3A_395] : memref<125x80xi32, #tpu.memory_space<vmem>> -> memref<1x80xi32, #tpu.memory_space<vmem>>
      %dma_wait3A_397 = tpu.memref_squeeze %dma_wait3A_396 : memref<1x80xi32, #tpu.memory_space<vmem>> -> memref<80xi32, #tpu.memory_space<vmem>>
      %dma_wait3A_398 = arith.constant 0 : i32
      %dma_wait3A_399 = arith.constant 0 : i32
      %dma_wait3A_400 = tpu.memref_slice %arg2[%dma_wait3A_398, %dma_wait3A_399] : memref<20000x128xbf16, #tpu.memory_space<hbm>> -> memref<20000x128xbf16, #tpu.memory_space<hbm>>
      tpu.wait_indirect_dma semaphore(%arg17 : memref<!tpu.dma_semaphore, #tpu.memory_space<semaphore_mem>>) src(%dma_wait3A_400 : memref<20000x128xbf16, #tpu.memory_space<hbm>>) dst(%dma_wait3A_394 : memref<80x128xbf16, #tpu.memory_space<vmem>>)
      %run_scoped3A_401 = arith.constant 1 : i32
      "tpu.region"() ({
        %run_scoped3A_518 = tpu.sem_alloc : memref<!tpu.dma_semaphore, #tpu.memory_space<semaphore_mem>>
        %dma_start3A_519 = arith.constant 0 : i32
        %dma_start3A_520 = arith.constant 0 : i32
        %dma_start3A_521 = tpu.memref_slice %arg10[%run_scoped3A_401, %dma_start3A_519, %dma_start3A_520] : memref<5x80x128xbf16, #tpu.memory_space<vmem>> -> memref<1x80x128xbf16, #tpu.memory_space<vmem>>
        %dma_start3A_522 = tpu.memref_squeeze %dma_start3A_521 : memref<1x80x128xbf16, #tpu.memory_space<vmem>> -> memref<80x128xbf16, #tpu.memory_space<vmem>>
        %dma_start3A_523 = arith.constant 0 : i32
        %dma_start3A_524 = tpu.memref_slice %arg8[%add3A_389, %dma_start3A_523] : memref<125x80xi32, #tpu.memory_space<vmem>> -> memref<1x80xi32, #tpu.memory_space<vmem>>
        %dma_start3A_525 = tpu.memref_squeeze %dma_start3A_524 : memref<1x80xi32, #tpu.memory_space<vmem>> -> memref<80xi32, #tpu.memory_space<vmem>>
        %dma_start3A_526 = arith.constant 0 : i32
        %dma_start3A_527 = arith.constant 0 : i32
        %dma_start3A_528 = tpu.memref_slice %arg14[%dma_start3A_526, %dma_start3A_527] : memref<10000x128xbf16, #tpu.memory_space<vmem_shared>> -> memref<10000x128xbf16, #tpu.memory_space<vmem_shared>>
        tpu.enqueue_indirect_dma source(%dma_start3A_522 : memref<80x128xbf16, #tpu.memory_space<vmem>>) target(%dma_start3A_528 : memref<10000x128xbf16, #tpu.memory_space<vmem_shared>>) offsets(%dma_start3A_525 : memref<80xi32, #tpu.memory_space<vmem>>) semaphore(%run_scoped3A_518 : memref<!tpu.dma_semaphore, #tpu.memory_space<semaphore_mem>>) {add = true}
        %dma_wait3A_529 = arith.constant 0 : i32
        %dma_wait3A_530 = arith.constant 0 : i32
        %dma_wait3A_531 = tpu.memref_slice %arg10[%run_scoped3A_401, %dma_wait3A_529, %dma_wait3A_530] : memref<5x80x128xbf16, #tpu.memory_space<vmem>> -> memref<1x80x128xbf16, #tpu.memory_space<vmem>>
        %dma_wait3A_532 = tpu.memref_squeeze %dma_wait3A_531 : memref<1x80x128xbf16, #tpu.memory_space<vmem>> -> memref<80x128xbf16, #tpu.memory_space<vmem>>
        %dma_wait3A_533 = arith.constant 0 : i32
        %dma_wait3A_534 = tpu.memref_slice %arg8[%add3A_389, %dma_wait3A_533] : memref<125x80xi32, #tpu.memory_space<vmem>> -> memref<1x80xi32, #tpu.memory_space<vmem>>
        %dma_wait3A_535 = tpu.memref_squeeze %dma_wait3A_534 : memref<1x80xi32, #tpu.memory_space<vmem>> -> memref<80xi32, #tpu.memory_space<vmem>>
        %dma_wait3A_536 = arith.constant 0 : i32
        %dma_wait3A_537 = arith.constant 0 : i32
        %dma_wait3A_538 = tpu.memref_slice %arg14[%dma_wait3A_536, %dma_wait3A_537] : memref<10000x128xbf16, #tpu.memory_space<vmem_shared>> -> memref<10000x128xbf16, #tpu.memory_space<vmem_shared>>
        tpu.wait_indirect_dma semaphore(%run_scoped3A_518 : memref<!tpu.dma_semaphore, #tpu.memory_space<semaphore_mem>>) src(%dma_wait3A_532 : memref<80x128xbf16, #tpu.memory_space<vmem>>) dst(%dma_wait3A_538 : memref<10000x128xbf16, #tpu.memory_space<vmem_shared>>)
        tpu.yield
      }) : () -> ()
      %eq3A_402 = arith.constant 0 : i32
      %eq3A_403 = arith.cmpi eq, %arg0, %eq3A_402 : i32
      %lt3A_404 = arith.constant 62 : i32
      %lt3A_405 = arith.cmpi slt, %add3A_389, %lt3A_404 : i32
      %ge3A_406 = arith.constant 62 : i32
      %ge3A_407 = arith.cmpi sge, %add3A_389, %ge3A_406 : i32
      %select_n3A_408 = arith.select %eq3A_403, %lt3A_405, %ge3A_407 : i1
      %convert_element_type3A_409 = arith.extui %select_n3A_408 : i1 to i32
      %cond3A_410 = arith.constant 0 : i32
      %cond3A_411 = arith.cmpi ne, %convert_element_type3A_409, %cond3A_410 : i32
      scf.if %cond3A_411 {
        %dma_start3A_518 = arith.constant 0 : i32
        %dma_start3A_519 = tpu.memref_slice %arg11[%dma_start3A_518] : memref<112xf32, #tpu.memory_space<vmem>> -> memref<80xf32, #tpu.memory_space<vmem>>
        %dma_start3A_520 = arith.constant 0 : i32
        %dma_start3A_521 = tpu.memref_slice %arg8[%add3A_389, %dma_start3A_520] : memref<125x80xi32, #tpu.memory_space<vmem>> -> memref<1x80xi32, #tpu.memory_space<vmem>>
        %dma_start3A_522 = tpu.memref_squeeze %dma_start3A_521 : memref<1x80xi32, #tpu.memory_space<vmem>> -> memref<80xi32, #tpu.memory_space<vmem>>
        %dma_start3A_523 = arith.constant 0 : i32
        %dma_start3A_524 = tpu.memref_slice %arg15[%dma_start3A_523] : memref<10000xf32, #tpu.memory_space<vmem_shared>> -> memref<10000xf32, #tpu.memory_space<vmem_shared>>
        tpu.enqueue_indirect_dma source(%dma_start3A_519 : memref<80xf32, #tpu.memory_space<vmem>>) target(%dma_start3A_524 : memref<10000xf32, #tpu.memory_space<vmem_shared>>) offsets(%dma_start3A_522 : memref<80xi32, #tpu.memory_space<vmem>>) semaphore(%arg21 : memref<!tpu.dma_semaphore, #tpu.memory_space<semaphore_mem>>) {add = true}
      } else {
      }
      %add3A_412 = arith.constant 5 : i32
      %add3A_413 = arith.addi %add3A_389, %add3A_412 : i32
      %lt3A_414 = arith.constant 125 : i32
      %lt3A_415 = arith.cmpi slt, %add3A_413, %lt3A_414 : i32
      %convert_element_type3A_416 = arith.extui %lt3A_415 : i1 to i32
      %cond3A_417 = arith.constant 0 : i32
      %cond3A_418 = arith.cmpi ne, %convert_element_type3A_416, %cond3A_417 : i32
      scf.if %cond3A_418 {
        %add3A_518 = arith.constant 5 : i32
        %add3A_519 = arith.addi %add3A_389, %add3A_518 : i32
        %dma_start3A_520 = arith.constant 1 : i32
        %dma_start3A_521 = arith.constant 0 : i32
        %dma_start3A_522 = arith.constant 0 : i32
        %dma_start3A_523 = tpu.memref_slice %arg10[%dma_start3A_520, %dma_start3A_521, %dma_start3A_522] : memref<5x80x128xbf16, #tpu.memory_space<vmem>> -> memref<1x80x128xbf16, #tpu.memory_space<vmem>>
        %dma_start3A_524 = tpu.memref_squeeze %dma_start3A_523 : memref<1x80x128xbf16, #tpu.memory_space<vmem>> -> memref<80x128xbf16, #tpu.memory_space<vmem>>
        %dma_start3A_525 = arith.constant 0 : i32
        %dma_start3A_526 = tpu.memref_slice %arg7[%add3A_519, %dma_start3A_525] : memref<125x80xi32, #tpu.memory_space<vmem>> -> memref<1x80xi32, #tpu.memory_space<vmem>>
        %dma_start3A_527 = tpu.memref_squeeze %dma_start3A_526 : memref<1x80xi32, #tpu.memory_space<vmem>> -> memref<80xi32, #tpu.memory_space<vmem>>
        %dma_start3A_528 = arith.constant 0 : i32
        %dma_start3A_529 = arith.constant 0 : i32
        %dma_start3A_530 = tpu.memref_slice %arg2[%dma_start3A_528, %dma_start3A_529] : memref<20000x128xbf16, #tpu.memory_space<hbm>> -> memref<20000x128xbf16, #tpu.memory_space<hbm>>
        tpu.enqueue_indirect_dma source(%dma_start3A_530 : memref<20000x128xbf16, #tpu.memory_space<hbm>>) target(%dma_start3A_524 : memref<80x128xbf16, #tpu.memory_space<vmem>>) offsets(%dma_start3A_527 : memref<80xi32, #tpu.memory_space<vmem>>) semaphore(%arg17 : memref<!tpu.dma_semaphore, #tpu.memory_space<semaphore_mem>>)
      } else {
      }
      %mul3A_419 = arith.constant 5 : i32
      %mul3A_420 = arith.muli %mul3A_419, %scan3A_354 : i32
      %add3A_421 = arith.constant 2 : i32
      %add3A_422 = arith.addi %mul3A_420, %add3A_421 : i32
      %dma_wait3A_423 = arith.constant 2 : i32
      %dma_wait3A_424 = arith.constant 0 : i32
      %dma_wait3A_425 = arith.constant 0 : i32
      %dma_wait3A_426 = tpu.memref_slice %arg10[%dma_wait3A_423, %dma_wait3A_424, %dma_wait3A_425] : memref<5x80x128xbf16, #tpu.memory_space<vmem>> -> memref<1x80x128xbf16, #tpu.memory_space<vmem>>
      %dma_wait3A_427 = tpu.memref_squeeze %dma_wait3A_426 : memref<1x80x128xbf16, #tpu.memory_space<vmem>> -> memref<80x128xbf16, #tpu.memory_space<vmem>>
      %dma_wait3A_428 = arith.constant 0 : i32
      %dma_wait3A_429 = tpu.memref_slice %arg7[%add3A_422, %dma_wait3A_428] : memref<125x80xi32, #tpu.memory_space<vmem>> -> memref<1x80xi32, #tpu.memory_space<vmem>>
      %dma_wait3A_430 = tpu.memref_squeeze %dma_wait3A_429 : memref<1x80xi32, #tpu.memory_space<vmem>> -> memref<80xi32, #tpu.memory_space<vmem>>
      %dma_wait3A_431 = arith.constant 0 : i32
      %dma_wait3A_432 = arith.constant 0 : i32
      %dma_wait3A_433 = tpu.memref_slice %arg2[%dma_wait3A_431, %dma_wait3A_432] : memref<20000x128xbf16, #tpu.memory_space<hbm>> -> memref<20000x128xbf16, #tpu.memory_space<hbm>>
      tpu.wait_indirect_dma semaphore(%arg18 : memref<!tpu.dma_semaphore, #tpu.memory_space<semaphore_mem>>) src(%dma_wait3A_433 : memref<20000x128xbf16, #tpu.memory_space<hbm>>) dst(%dma_wait3A_427 : memref<80x128xbf16, #tpu.memory_space<vmem>>)
      %run_scoped3A_434 = arith.constant 2 : i32
      "tpu.region"() ({
        %run_scoped3A_518 = tpu.sem_alloc : memref<!tpu.dma_semaphore, #tpu.memory_space<semaphore_mem>>
        %dma_start3A_519 = arith.constant 0 : i32
        %dma_start3A_520 = arith.constant 0 : i32
        %dma_start3A_521 = tpu.memref_slice %arg10[%run_scoped3A_434, %dma_start3A_519, %dma_start3A_520] : memref<5x80x128xbf16, #tpu.memory_space<vmem>> -> memref<1x80x128xbf16, #tpu.memory_space<vmem>>
        %dma_start3A_522 = tpu.memref_squeeze %dma_start3A_521 : memref<1x80x128xbf16, #tpu.memory_space<vmem>> -> memref<80x128xbf16, #tpu.memory_space<vmem>>
        %dma_start3A_523 = arith.constant 0 : i32
        %dma_start3A_524 = tpu.memref_slice %arg8[%add3A_422, %dma_start3A_523] : memref<125x80xi32, #tpu.memory_space<vmem>> -> memref<1x80xi32, #tpu.memory_space<vmem>>
        %dma_start3A_525 = tpu.memref_squeeze %dma_start3A_524 : memref<1x80xi32, #tpu.memory_space<vmem>> -> memref<80xi32, #tpu.memory_space<vmem>>
        %dma_start3A_526 = arith.constant 0 : i32
        %dma_start3A_527 = arith.constant 0 : i32
        %dma_start3A_528 = tpu.memref_slice %arg14[%dma_start3A_526, %dma_start3A_527] : memref<10000x128xbf16, #tpu.memory_space<vmem_shared>> -> memref<10000x128xbf16, #tpu.memory_space<vmem_shared>>
        tpu.enqueue_indirect_dma source(%dma_start3A_522 : memref<80x128xbf16, #tpu.memory_space<vmem>>) target(%dma_start3A_528 : memref<10000x128xbf16, #tpu.memory_space<vmem_shared>>) offsets(%dma_start3A_525 : memref<80xi32, #tpu.memory_space<vmem>>) semaphore(%run_scoped3A_518 : memref<!tpu.dma_semaphore, #tpu.memory_space<semaphore_mem>>) {add = true}
        %dma_wait3A_529 = arith.constant 0 : i32
        %dma_wait3A_530 = arith.constant 0 : i32
        %dma_wait3A_531 = tpu.memref_slice %arg10[%run_scoped3A_434, %dma_wait3A_529, %dma_wait3A_530] : memref<5x80x128xbf16, #tpu.memory_space<vmem>> -> memref<1x80x128xbf16, #tpu.memory_space<vmem>>
        %dma_wait3A_532 = tpu.memref_squeeze %dma_wait3A_531 : memref<1x80x128xbf16, #tpu.memory_space<vmem>> -> memref<80x128xbf16, #tpu.memory_space<vmem>>
        %dma_wait3A_533 = arith.constant 0 : i32
        %dma_wait3A_534 = tpu.memref_slice %arg8[%add3A_422, %dma_wait3A_533] : memref<125x80xi32, #tpu.memory_space<vmem>> -> memref<1x80xi32, #tpu.memory_space<vmem>>
        %dma_wait3A_535 = tpu.memref_squeeze %dma_wait3A_534 : memref<1x80xi32, #tpu.memory_space<vmem>> -> memref<80xi32, #tpu.memory_space<vmem>>
        %dma_wait3A_536 = arith.constant 0 : i32
        %dma_wait3A_537 = arith.constant 0 : i32
        %dma_wait3A_538 = tpu.memref_slice %arg14[%dma_wait3A_536, %dma_wait3A_537] : memref<10000x128xbf16, #tpu.memory_space<vmem_shared>> -> memref<10000x128xbf16, #tpu.memory_space<vmem_shared>>
        tpu.wait_indirect_dma semaphore(%run_scoped3A_518 : memref<!tpu.dma_semaphore, #tpu.memory_space<semaphore_mem>>) src(%dma_wait3A_532 : memref<80x128xbf16, #tpu.memory_space<vmem>>) dst(%dma_wait3A_538 : memref<10000x128xbf16, #tpu.memory_space<vmem_shared>>)
        tpu.yield
      }) : () -> ()
      %eq3A_435 = arith.constant 0 : i32
      %eq3A_436 = arith.cmpi eq, %arg0, %eq3A_435 : i32
      %lt3A_437 = arith.constant 62 : i32
      %lt3A_438 = arith.cmpi slt, %add3A_422, %lt3A_437 : i32
      %ge3A_439 = arith.constant 62 : i32
      %ge3A_440 = arith.cmpi sge, %add3A_422, %ge3A_439 : i32
      %select_n3A_441 = arith.select %eq3A_436, %lt3A_438, %ge3A_440 : i1
      %convert_element_type3A_442 = arith.extui %select_n3A_441 : i1 to i32
      %cond3A_443 = arith.constant 0 : i32
      %cond3A_444 = arith.cmpi ne, %convert_element_type3A_442, %cond3A_443 : i32
      scf.if %cond3A_444 {
        %dma_start3A_518 = arith.constant 0 : i32
        %dma_start3A_519 = tpu.memref_slice %arg11[%dma_start3A_518] : memref<112xf32, #tpu.memory_space<vmem>> -> memref<80xf32, #tpu.memory_space<vmem>>
        %dma_start3A_520 = arith.constant 0 : i32
        %dma_start3A_521 = tpu.memref_slice %arg8[%add3A_422, %dma_start3A_520] : memref<125x80xi32, #tpu.memory_space<vmem>> -> memref<1x80xi32, #tpu.memory_space<vmem>>
        %dma_start3A_522 = tpu.memref_squeeze %dma_start3A_521 : memref<1x80xi32, #tpu.memory_space<vmem>> -> memref<80xi32, #tpu.memory_space<vmem>>
        %dma_start3A_523 = arith.constant 0 : i32
        %dma_start3A_524 = tpu.memref_slice %arg15[%dma_start3A_523] : memref<10000xf32, #tpu.memory_space<vmem_shared>> -> memref<10000xf32, #tpu.memory_space<vmem_shared>>
        tpu.enqueue_indirect_dma source(%dma_start3A_519 : memref<80xf32, #tpu.memory_space<vmem>>) target(%dma_start3A_524 : memref<10000xf32, #tpu.memory_space<vmem_shared>>) offsets(%dma_start3A_522 : memref<80xi32, #tpu.memory_space<vmem>>) semaphore(%arg21 : memref<!tpu.dma_semaphore, #tpu.memory_space<semaphore_mem>>) {add = true}
      } else {
      }
      %add3A_445 = arith.constant 5 : i32
      %add3A_446 = arith.addi %add3A_422, %add3A_445 : i32
      %lt3A_447 = arith.constant 125 : i32
      %lt3A_448 = arith.cmpi slt, %add3A_446, %lt3A_447 : i32
      %convert_element_type3A_449 = arith.extui %lt3A_448 : i1 to i32
      %cond3A_450 = arith.constant 0 : i32
      %cond3A_451 = arith.cmpi ne, %convert_element_type3A_449, %cond3A_450 : i32
      scf.if %cond3A_451 {
        %add3A_518 = arith.constant 5 : i32
        %add3A_519 = arith.addi %add3A_422, %add3A_518 : i32
        %dma_start3A_520 = arith.constant 2 : i32
        %dma_start3A_521 = arith.constant 0 : i32
        %dma_start3A_522 = arith.constant 0 : i32
        %dma_start3A_523 = tpu.memref_slice %arg10[%dma_start3A_520, %dma_start3A_521, %dma_start3A_522] : memref<5x80x128xbf16, #tpu.memory_space<vmem>> -> memref<1x80x128xbf16, #tpu.memory_space<vmem>>
        %dma_start3A_524 = tpu.memref_squeeze %dma_start3A_523 : memref<1x80x128xbf16, #tpu.memory_space<vmem>> -> memref<80x128xbf16, #tpu.memory_space<vmem>>
        %dma_start3A_525 = arith.constant 0 : i32
        %dma_start3A_526 = tpu.memref_slice %arg7[%add3A_519, %dma_start3A_525] : memref<125x80xi32, #tpu.memory_space<vmem>> -> memref<1x80xi32, #tpu.memory_space<vmem>>
        %dma_start3A_527 = tpu.memref_squeeze %dma_start3A_526 : memref<1x80xi32, #tpu.memory_space<vmem>> -> memref<80xi32, #tpu.memory_space<vmem>>
        %dma_start3A_528 = arith.constant 0 : i32
        %dma_start3A_529 = arith.constant 0 : i32
        %dma_start3A_530 = tpu.memref_slice %arg2[%dma_start3A_528, %dma_start3A_529] : memref<20000x128xbf16, #tpu.memory_space<hbm>> -> memref<20000x128xbf16, #tpu.memory_space<hbm>>
        tpu.enqueue_indirect_dma source(%dma_start3A_530 : memref<20000x128xbf16, #tpu.memory_space<hbm>>) target(%dma_start3A_524 : memref<80x128xbf16, #tpu.memory_space<vmem>>) offsets(%dma_start3A_527 : memref<80xi32, #tpu.memory_space<vmem>>) semaphore(%arg18 : memref<!tpu.dma_semaphore, #tpu.memory_space<semaphore_mem>>)
      } else {
      }
      %mul3A_452 = arith.constant 5 : i32
      %mul3A_453 = arith.muli %mul3A_452, %scan3A_354 : i32
      %add3A_454 = arith.constant 3 : i32
      %add3A_455 = arith.addi %mul3A_453, %add3A_454 : i32
      %dma_wait3A_456 = arith.constant 3 : i32
      %dma_wait3A_457 = arith.constant 0 : i32
      %dma_wait3A_458 = arith.constant 0 : i32
      %dma_wait3A_459 = tpu.memref_slice %arg10[%dma_wait3A_456, %dma_wait3A_457, %dma_wait3A_458] : memref<5x80x128xbf16, #tpu.memory_space<vmem>> -> memref<1x80x128xbf16, #tpu.memory_space<vmem>>
      %dma_wait3A_460 = tpu.memref_squeeze %dma_wait3A_459 : memref<1x80x128xbf16, #tpu.memory_space<vmem>> -> memref<80x128xbf16, #tpu.memory_space<vmem>>
      %dma_wait3A_461 = arith.constant 0 : i32
      %dma_wait3A_462 = tpu.memref_slice %arg7[%add3A_455, %dma_wait3A_461] : memref<125x80xi32, #tpu.memory_space<vmem>> -> memref<1x80xi32, #tpu.memory_space<vmem>>
      %dma_wait3A_463 = tpu.memref_squeeze %dma_wait3A_462 : memref<1x80xi32, #tpu.memory_space<vmem>> -> memref<80xi32, #tpu.memory_space<vmem>>
      %dma_wait3A_464 = arith.constant 0 : i32
      %dma_wait3A_465 = arith.constant 0 : i32
      %dma_wait3A_466 = tpu.memref_slice %arg2[%dma_wait3A_464, %dma_wait3A_465] : memref<20000x128xbf16, #tpu.memory_space<hbm>> -> memref<20000x128xbf16, #tpu.memory_space<hbm>>
      tpu.wait_indirect_dma semaphore(%arg19 : memref<!tpu.dma_semaphore, #tpu.memory_space<semaphore_mem>>) src(%dma_wait3A_466 : memref<20000x128xbf16, #tpu.memory_space<hbm>>) dst(%dma_wait3A_460 : memref<80x128xbf16, #tpu.memory_space<vmem>>)
      %run_scoped3A_467 = arith.constant 3 : i32
      "tpu.region"() ({
        %run_scoped3A_518 = tpu.sem_alloc : memref<!tpu.dma_semaphore, #tpu.memory_space<semaphore_mem>>
        %dma_start3A_519 = arith.constant 0 : i32
        %dma_start3A_520 = arith.constant 0 : i32
        %dma_start3A_521 = tpu.memref_slice %arg10[%run_scoped3A_467, %dma_start3A_519, %dma_start3A_520] : memref<5x80x128xbf16, #tpu.memory_space<vmem>> -> memref<1x80x128xbf16, #tpu.memory_space<vmem>>
        %dma_start3A_522 = tpu.memref_squeeze %dma_start3A_521 : memref<1x80x128xbf16, #tpu.memory_space<vmem>> -> memref<80x128xbf16, #tpu.memory_space<vmem>>
        %dma_start3A_523 = arith.constant 0 : i32
        %dma_start3A_524 = tpu.memref_slice %arg8[%add3A_455, %dma_start3A_523] : memref<125x80xi32, #tpu.memory_space<vmem>> -> memref<1x80xi32, #tpu.memory_space<vmem>>
        %dma_start3A_525 = tpu.memref_squeeze %dma_start3A_524 : memref<1x80xi32, #tpu.memory_space<vmem>> -> memref<80xi32, #tpu.memory_space<vmem>>
        %dma_start3A_526 = arith.constant 0 : i32
        %dma_start3A_527 = arith.constant 0 : i32
        %dma_start3A_528 = tpu.memref_slice %arg14[%dma_start3A_526, %dma_start3A_527] : memref<10000x128xbf16, #tpu.memory_space<vmem_shared>> -> memref<10000x128xbf16, #tpu.memory_space<vmem_shared>>
        tpu.enqueue_indirect_dma source(%dma_start3A_522 : memref<80x128xbf16, #tpu.memory_space<vmem>>) target(%dma_start3A_528 : memref<10000x128xbf16, #tpu.memory_space<vmem_shared>>) offsets(%dma_start3A_525 : memref<80xi32, #tpu.memory_space<vmem>>) semaphore(%run_scoped3A_518 : memref<!tpu.dma_semaphore, #tpu.memory_space<semaphore_mem>>) {add = true}
        %dma_wait3A_529 = arith.constant 0 : i32
        %dma_wait3A_530 = arith.constant 0 : i32
        %dma_wait3A_531 = tpu.memref_slice %arg10[%run_scoped3A_467, %dma_wait3A_529, %dma_wait3A_530] : memref<5x80x128xbf16, #tpu.memory_space<vmem>> -> memref<1x80x128xbf16, #tpu.memory_space<vmem>>
        %dma_wait3A_532 = tpu.memref_squeeze %dma_wait3A_531 : memref<1x80x128xbf16, #tpu.memory_space<vmem>> -> memref<80x128xbf16, #tpu.memory_space<vmem>>
        %dma_wait3A_533 = arith.constant 0 : i32
        %dma_wait3A_534 = tpu.memref_slice %arg8[%add3A_455, %dma_wait3A_533] : memref<125x80xi32, #tpu.memory_space<vmem>> -> memref<1x80xi32, #tpu.memory_space<vmem>>
        %dma_wait3A_535 = tpu.memref_squeeze %dma_wait3A_534 : memref<1x80xi32, #tpu.memory_space<vmem>> -> memref<80xi32, #tpu.memory_space<vmem>>
        %dma_wait3A_536 = arith.constant 0 : i32
        %dma_wait3A_537 = arith.constant 0 : i32
        %dma_wait3A_538 = tpu.memref_slice %arg14[%dma_wait3A_536, %dma_wait3A_537] : memref<10000x128xbf16, #tpu.memory_space<vmem_shared>> -> memref<10000x128xbf16, #tpu.memory_space<vmem_shared>>
        tpu.wait_indirect_dma semaphore(%run_scoped3A_518 : memref<!tpu.dma_semaphore, #tpu.memory_space<semaphore_mem>>) src(%dma_wait3A_532 : memref<80x128xbf16, #tpu.memory_space<vmem>>) dst(%dma_wait3A_538 : memref<10000x128xbf16, #tpu.memory_space<vmem_shared>>)
        tpu.yield
      }) : () -> ()
      %eq3A_468 = arith.constant 0 : i32
      %eq3A_469 = arith.cmpi eq, %arg0, %eq3A_468 : i32
      %lt3A_470 = arith.constant 62 : i32
      %lt3A_471 = arith.cmpi slt, %add3A_455, %lt3A_470 : i32
      %ge3A_472 = arith.constant 62 : i32
      %ge3A_473 = arith.cmpi sge, %add3A_455, %ge3A_472 : i32
      %select_n3A_474 = arith.select %eq3A_469, %lt3A_471, %ge3A_473 : i1
      %convert_element_type3A_475 = arith.extui %select_n3A_474 : i1 to i32
      %cond3A_476 = arith.constant 0 : i32
      %cond3A_477 = arith.cmpi ne, %convert_element_type3A_475, %cond3A_476 : i32
      scf.if %cond3A_477 {
        %dma_start3A_518 = arith.constant 0 : i32
        %dma_start3A_519 = tpu.memref_slice %arg11[%dma_start3A_518] : memref<112xf32, #tpu.memory_space<vmem>> -> memref<80xf32, #tpu.memory_space<vmem>>
        %dma_start3A_520 = arith.constant 0 : i32
        %dma_start3A_521 = tpu.memref_slice %arg8[%add3A_455, %dma_start3A_520] : memref<125x80xi32, #tpu.memory_space<vmem>> -> memref<1x80xi32, #tpu.memory_space<vmem>>
        %dma_start3A_522 = tpu.memref_squeeze %dma_start3A_521 : memref<1x80xi32, #tpu.memory_space<vmem>> -> memref<80xi32, #tpu.memory_space<vmem>>
        %dma_start3A_523 = arith.constant 0 : i32
        %dma_start3A_524 = tpu.memref_slice %arg15[%dma_start3A_523] : memref<10000xf32, #tpu.memory_space<vmem_shared>> -> memref<10000xf32, #tpu.memory_space<vmem_shared>>
        tpu.enqueue_indirect_dma source(%dma_start3A_519 : memref<80xf32, #tpu.memory_space<vmem>>) target(%dma_start3A_524 : memref<10000xf32, #tpu.memory_space<vmem_shared>>) offsets(%dma_start3A_522 : memref<80xi32, #tpu.memory_space<vmem>>) semaphore(%arg21 : memref<!tpu.dma_semaphore, #tpu.memory_space<semaphore_mem>>) {add = true}
      } else {
      }
      %add3A_478 = arith.constant 5 : i32
      %add3A_479 = arith.addi %add3A_455, %add3A_478 : i32
      %lt3A_480 = arith.constant 125 : i32
      %lt3A_481 = arith.cmpi slt, %add3A_479, %lt3A_480 : i32
      %convert_element_type3A_482 = arith.extui %lt3A_481 : i1 to i32
      %cond3A_483 = arith.constant 0 : i32
      %cond3A_484 = arith.cmpi ne, %convert_element_type3A_482, %cond3A_483 : i32
      scf.if %cond3A_484 {
        %add3A_518 = arith.constant 5 : i32
        %add3A_519 = arith.addi %add3A_455, %add3A_518 : i32
        %dma_start3A_520 = arith.constant 3 : i32
        %dma_start3A_521 = arith.constant 0 : i32
        %dma_start3A_522 = arith.constant 0 : i32
        %dma_start3A_523 = tpu.memref_slice %arg10[%dma_start3A_520, %dma_start3A_521, %dma_start3A_522] : memref<5x80x128xbf16, #tpu.memory_space<vmem>> -> memref<1x80x128xbf16, #tpu.memory_space<vmem>>
        %dma_start3A_524 = tpu.memref_squeeze %dma_start3A_523 : memref<1x80x128xbf16, #tpu.memory_space<vmem>> -> memref<80x128xbf16, #tpu.memory_space<vmem>>
        %dma_start3A_525 = arith.constant 0 : i32
        %dma_start3A_526 = tpu.memref_slice %arg7[%add3A_519, %dma_start3A_525] : memref<125x80xi32, #tpu.memory_space<vmem>> -> memref<1x80xi32, #tpu.memory_space<vmem>>
        %dma_start3A_527 = tpu.memref_squeeze %dma_start3A_526 : memref<1x80xi32, #tpu.memory_space<vmem>> -> memref<80xi32, #tpu.memory_space<vmem>>
        %dma_start3A_528 = arith.constant 0 : i32
        %dma_start3A_529 = arith.constant 0 : i32
        %dma_start3A_530 = tpu.memref_slice %arg2[%dma_start3A_528, %dma_start3A_529] : memref<20000x128xbf16, #tpu.memory_space<hbm>> -> memref<20000x128xbf16, #tpu.memory_space<hbm>>
        tpu.enqueue_indirect_dma source(%dma_start3A_530 : memref<20000x128xbf16, #tpu.memory_space<hbm>>) target(%dma_start3A_524 : memref<80x128xbf16, #tpu.memory_space<vmem>>) offsets(%dma_start3A_527 : memref<80xi32, #tpu.memory_space<vmem>>) semaphore(%arg19 : memref<!tpu.dma_semaphore, #tpu.memory_space<semaphore_mem>>)
      } else {
      }
      %mul3A_485 = arith.constant 5 : i32
      %mul3A_486 = arith.muli %mul3A_485, %scan3A_354 : i32
      %add3A_487 = arith.constant 4 : i32
      %add3A_488 = arith.addi %mul3A_486, %add3A_487 : i32
      %dma_wait3A_489 = arith.constant 4 : i32
      %dma_wait3A_490 = arith.constant 0 : i32
      %dma_wait3A_491 = arith.constant 0 : i32
      %dma_wait3A_492 = tpu.memref_slice %arg10[%dma_wait3A_489, %dma_wait3A_490, %dma_wait3A_491] : memref<5x80x128xbf16, #tpu.memory_space<vmem>> -> memref<1x80x128xbf16, #tpu.memory_space<vmem>>
      %dma_wait3A_493 = tpu.memref_squeeze %dma_wait3A_492 : memref<1x80x128xbf16, #tpu.memory_space<vmem>> -> memref<80x128xbf16, #tpu.memory_space<vmem>>
      %dma_wait3A_494 = arith.constant 0 : i32
      %dma_wait3A_495 = tpu.memref_slice %arg7[%add3A_488, %dma_wait3A_494] : memref<125x80xi32, #tpu.memory_space<vmem>> -> memref<1x80xi32, #tpu.memory_space<vmem>>
      %dma_wait3A_496 = tpu.memref_squeeze %dma_wait3A_495 : memref<1x80xi32, #tpu.memory_space<vmem>> -> memref<80xi32, #tpu.memory_space<vmem>>
      %dma_wait3A_497 = arith.constant 0 : i32
      %dma_wait3A_498 = arith.constant 0 : i32
      %dma_wait3A_499 = tpu.memref_slice %arg2[%dma_wait3A_497, %dma_wait3A_498] : memref<20000x128xbf16, #tpu.memory_space<hbm>> -> memref<20000x128xbf16, #tpu.memory_space<hbm>>
      tpu.wait_indirect_dma semaphore(%arg20 : memref<!tpu.dma_semaphore, #tpu.memory_space<semaphore_mem>>) src(%dma_wait3A_499 : memref<20000x128xbf16, #tpu.memory_space<hbm>>) dst(%dma_wait3A_493 : memref<80x128xbf16, #tpu.memory_space<vmem>>)
      %run_scoped3A_500 = arith.constant 4 : i32
      "tpu.region"() ({
        %run_scoped3A_518 = tpu.sem_alloc : memref<!tpu.dma_semaphore, #tpu.memory_space<semaphore_mem>>
        %dma_start3A_519 = arith.constant 0 : i32
        %dma_start3A_520 = arith.constant 0 : i32
        %dma_start3A_521 = tpu.memref_slice %arg10[%run_scoped3A_500, %dma_start3A_519, %dma_start3A_520] : memref<5x80x128xbf16, #tpu.memory_space<vmem>> -> memref<1x80x128xbf16, #tpu.memory_space<vmem>>
        %dma_start3A_522 = tpu.memref_squeeze %dma_start3A_521 : memref<1x80x128xbf16, #tpu.memory_space<vmem>> -> memref<80x128xbf16, #tpu.memory_space<vmem>>
        %dma_start3A_523 = arith.constant 0 : i32
        %dma_start3A_524 = tpu.memref_slice %arg8[%add3A_488, %dma_start3A_523] : memref<125x80xi32, #tpu.memory_space<vmem>> -> memref<1x80xi32, #tpu.memory_space<vmem>>
        %dma_start3A_525 = tpu.memref_squeeze %dma_start3A_524 : memref<1x80xi32, #tpu.memory_space<vmem>> -> memref<80xi32, #tpu.memory_space<vmem>>
        %dma_start3A_526 = arith.constant 0 : i32
        %dma_start3A_527 = arith.constant 0 : i32
        %dma_start3A_528 = tpu.memref_slice %arg14[%dma_start3A_526, %dma_start3A_527] : memref<10000x128xbf16, #tpu.memory_space<vmem_shared>> -> memref<10000x128xbf16, #tpu.memory_space<vmem_shared>>
        tpu.enqueue_indirect_dma source(%dma_start3A_522 : memref<80x128xbf16, #tpu.memory_space<vmem>>) target(%dma_start3A_528 : memref<10000x128xbf16, #tpu.memory_space<vmem_shared>>) offsets(%dma_start3A_525 : memref<80xi32, #tpu.memory_space<vmem>>) semaphore(%run_scoped3A_518 : memref<!tpu.dma_semaphore, #tpu.memory_space<semaphore_mem>>) {add = true}
        %dma_wait3A_529 = arith.constant 0 : i32
        %dma_wait3A_530 = arith.constant 0 : i32
        %dma_wait3A_531 = tpu.memref_slice %arg10[%run_scoped3A_500, %dma_wait3A_529, %dma_wait3A_530] : memref<5x80x128xbf16, #tpu.memory_space<vmem>> -> memref<1x80x128xbf16, #tpu.memory_space<vmem>>
        %dma_wait3A_532 = tpu.memref_squeeze %dma_wait3A_531 : memref<1x80x128xbf16, #tpu.memory_space<vmem>> -> memref<80x128xbf16, #tpu.memory_space<vmem>>
        %dma_wait3A_533 = arith.constant 0 : i32
        %dma_wait3A_534 = tpu.memref_slice %arg8[%add3A_488, %dma_wait3A_533] : memref<125x80xi32, #tpu.memory_space<vmem>> -> memref<1x80xi32, #tpu.memory_space<vmem>>
        %dma_wait3A_535 = tpu.memref_squeeze %dma_wait3A_534 : memref<1x80xi32, #tpu.memory_space<vmem>> -> memref<80xi32, #tpu.memory_space<vmem>>
        %dma_wait3A_536 = arith.constant 0 : i32
        %dma_wait3A_537 = arith.constant 0 : i32
        %dma_wait3A_538 = tpu.memref_slice %arg14[%dma_wait3A_536, %dma_wait3A_537] : memref<10000x128xbf16, #tpu.memory_space<vmem_shared>> -> memref<10000x128xbf16, #tpu.memory_space<vmem_shared>>
        tpu.wait_indirect_dma semaphore(%run_scoped3A_518 : memref<!tpu.dma_semaphore, #tpu.memory_space<semaphore_mem>>) src(%dma_wait3A_532 : memref<80x128xbf16, #tpu.memory_space<vmem>>) dst(%dma_wait3A_538 : memref<10000x128xbf16, #tpu.memory_space<vmem_shared>>)
        tpu.yield
      }) : () -> ()
      %eq3A_501 = arith.constant 0 : i32
      %eq3A_502 = arith.cmpi eq, %arg0, %eq3A_501 : i32
      %lt3A_503 = arith.constant 62 : i32
      %lt3A_504 = arith.cmpi slt, %add3A_488, %lt3A_503 : i32
      %ge3A_505 = arith.constant 62 : i32
      %ge3A_506 = arith.cmpi sge, %add3A_488, %ge3A_505 : i32
      %select_n3A_507 = arith.select %eq3A_502, %lt3A_504, %ge3A_506 : i1
      %convert_element_type3A_508 = arith.extui %select_n3A_507 : i1 to i32
      %cond3A_509 = arith.constant 0 : i32
      %cond3A_510 = arith.cmpi ne, %convert_element_type3A_508, %cond3A_509 : i32
      scf.if %cond3A_510 {
        %dma_start3A_518 = arith.constant 0 : i32
        %dma_start3A_519 = tpu.memref_slice %arg11[%dma_start3A_518] : memref<112xf32, #tpu.memory_space<vmem>> -> memref<80xf32, #tpu.memory_space<vmem>>
        %dma_start3A_520 = arith.constant 0 : i32
        %dma_start3A_521 = tpu.memref_slice %arg8[%add3A_488, %dma_start3A_520] : memref<125x80xi32, #tpu.memory_space<vmem>> -> memref<1x80xi32, #tpu.memory_space<vmem>>
        %dma_start3A_522 = tpu.memref_squeeze %dma_start3A_521 : memref<1x80xi32, #tpu.memory_space<vmem>> -> memref<80xi32, #tpu.memory_space<vmem>>
        %dma_start3A_523 = arith.constant 0 : i32
        %dma_start3A_524 = tpu.memref_slice %arg15[%dma_start3A_523] : memref<10000xf32, #tpu.memory_space<vmem_shared>> -> memref<10000xf32, #tpu.memory_space<vmem_shared>>
        tpu.enqueue_indirect_dma source(%dma_start3A_519 : memref<80xf32, #tpu.memory_space<vmem>>) target(%dma_start3A_524 : memref<10000xf32, #tpu.memory_space<vmem_shared>>) offsets(%dma_start3A_522 : memref<80xi32, #tpu.memory_space<vmem>>) semaphore(%arg21 : memref<!tpu.dma_semaphore, #tpu.memory_space<semaphore_mem>>) {add = true}
      } else {
      }
      %add3A_511 = arith.constant 5 : i32
      %add3A_512 = arith.addi %add3A_488, %add3A_511 : i32
      %lt3A_513 = arith.constant 125 : i32
      %lt3A_514 = arith.cmpi slt, %add3A_512, %lt3A_513 : i32
      %convert_element_type3A_515 = arith.extui %lt3A_514 : i1 to i32
      %cond3A_516 = arith.constant 0 : i32
      %cond3A_517 = arith.cmpi ne, %convert_element_type3A_515, %cond3A_516 : i32
      scf.if %cond3A_517 {
        %add3A_518 = arith.constant 5 : i32
        %add3A_519 = arith.addi %add3A_488, %add3A_518 : i32
        %dma_start3A_520 = arith.constant 4 : i32
        %dma_start3A_521 = arith.constant 0 : i32
        %dma_start3A_522 = arith.constant 0 : i32
        %dma_start3A_523 = tpu.memref_slice %arg10[%dma_start3A_520, %dma_start3A_521, %dma_start3A_522] : memref<5x80x128xbf16, #tpu.memory_space<vmem>> -> memref<1x80x128xbf16, #tpu.memory_space<vmem>>
        %dma_start3A_524 = tpu.memref_squeeze %dma_start3A_523 : memref<1x80x128xbf16, #tpu.memory_space<vmem>> -> memref<80x128xbf16, #tpu.memory_space<vmem>>
        %dma_start3A_525 = arith.constant 0 : i32
        %dma_start3A_526 = tpu.memref_slice %arg7[%add3A_519, %dma_start3A_525] : memref<125x80xi32, #tpu.memory_space<vmem>> -> memref<1x80xi32, #tpu.memory_space<vmem>>
        %dma_start3A_527 = tpu.memref_squeeze %dma_start3A_526 : memref<1x80xi32, #tpu.memory_space<vmem>> -> memref<80xi32, #tpu.memory_space<vmem>>
        %dma_start3A_528 = arith.constant 0 : i32
        %dma_start3A_529 = arith.constant 0 : i32
        %dma_start3A_530 = tpu.memref_slice %arg2[%dma_start3A_528, %dma_start3A_529] : memref<20000x128xbf16, #tpu.memory_space<hbm>> -> memref<20000x128xbf16, #tpu.memory_space<hbm>>
        tpu.enqueue_indirect_dma source(%dma_start3A_530 : memref<20000x128xbf16, #tpu.memory_space<hbm>>) target(%dma_start3A_524 : memref<80x128xbf16, #tpu.memory_space<vmem>>) offsets(%dma_start3A_527 : memref<80xi32, #tpu.memory_space<vmem>>) semaphore(%arg20 : memref<!tpu.dma_semaphore, #tpu.memory_space<semaphore_mem>>)
      } else {
      }
    }
    %scan3A_271 = arith.constant 25 : i32
    %eq3A = arith.constant 0 : i32
    %eq3A_272 = arith.cmpi eq, %arg0, %eq3A : i32
    %select_n3A = arith.constant 63 : i32
    %select_n3A_273 = arith.constant 62 : i32
    %select_n3A_274 = arith.select %eq3A_272, %select_n3A_273, %select_n3A : i32
    %scan3A_275 = arith.constant 0 : i32
    %scan3A_276 = arith.constant 0 : i32
    %scan3A_277 = arith.constant 63 : i32
    %scan3A_278 = arith.addi %scan3A_276, %scan3A_277 : i32
    %scan3A_279 = arith.constant 1 : i32
    scf.for %scan3A_354 = %scan3A_276 to %scan3A_278 step %scan3A_279  : i32 {
      %lt3A_355 = arith.cmpi slt, %scan3A_354, %select_n3A_274 : i32
      %convert_element_type3A_356 = arith.extui %lt3A_355 : i1 to i32
      %cond3A_357 = arith.constant 0 : i32
      %cond3A_358 = arith.cmpi ne, %convert_element_type3A_356, %cond3A_357 : i32
      scf.if %cond3A_358 {
        %dma_wait3A = arith.constant 0 : i32
        %dma_wait3A_359 = arith.constant 0 : i32
        %dma_wait3A_360 = tpu.memref_slice %arg11[%dma_wait3A_359] : memref<112xf32, #tpu.memory_space<vmem>> -> memref<80xf32, #tpu.memory_space<vmem>>
        %dma_wait3A_361 = arith.constant 0 : i32
        %dma_wait3A_362 = tpu.memref_slice %arg8[%dma_wait3A, %dma_wait3A_361] : memref<125x80xi32, #tpu.memory_space<vmem>> -> memref<1x80xi32, #tpu.memory_space<vmem>>
        %dma_wait3A_363 = tpu.memref_squeeze %dma_wait3A_362 : memref<1x80xi32, #tpu.memory_space<vmem>> -> memref<80xi32, #tpu.memory_space<vmem>>
        %dma_wait3A_364 = arith.constant 0 : i32
        %dma_wait3A_365 = tpu.memref_slice %arg15[%dma_wait3A_364] : memref<10000xf32, #tpu.memory_space<vmem_shared>> -> memref<10000xf32, #tpu.memory_space<vmem_shared>>
        tpu.wait_indirect_dma semaphore(%arg21 : memref<!tpu.dma_semaphore, #tpu.memory_space<semaphore_mem>>) src(%dma_wait3A_360 : memref<80xf32, #tpu.memory_space<vmem>>) dst(%dma_wait3A_365 : memref<10000xf32, #tpu.memory_space<vmem_shared>>)
      } else {
      }
    }
    %scan3A_280 = arith.constant 63 : i32
    %barrier3A_281 = arith.constant 0 : index
    tpu.barrier barrier_id(%barrier3A_281)
    %mul3A_282 = arith.constant 640 : i32
    %mul3A_283 = arith.muli %arg1, %mul3A_282 : i32
    %add3A_284 = arith.constant 0 : i32
    %add3A_285 = arith.addi %mul3A_283, %add3A_284 : i32
    %lt3A_286 = arith.constant 10000 : i32
    %lt3A_287 = arith.cmpi slt, %add3A_285, %lt3A_286 : i32
    %convert_element_type3A_288 = arith.extui %lt3A_287 : i1 to i32
    %cond3A_289 = arith.constant 0 : i32
    %cond3A_290 = arith.cmpi ne, %convert_element_type3A_288, %cond3A_289 : i32
    scf.if %cond3A_290 {
      "tpu.region"() ({
        %run_scoped3A_354 = tpu.sem_alloc : memref<!tpu.dma_semaphore, #tpu.memory_space<semaphore_mem>>
        %dma_start3A_355 = arith.constant 0 : i32
        %dma_start3A_356 = tpu.memref_slice %arg4[%arg0, %add3A_285, %dma_start3A_355] : memref<2x10000x128xbf16, #tpu.memory_space<hbm>> -> memref<1x80x128xbf16, #tpu.memory_space<hbm>>
        %dma_start3A_357 = tpu.memref_squeeze %dma_start3A_356 : memref<1x80x128xbf16, #tpu.memory_space<hbm>> -> memref<80x128xbf16, #tpu.memory_space<hbm>>
        %dma_start3A_358 = arith.constant 0 : i32
        %dma_start3A_359 = tpu.memref_slice %arg14[%add3A_285, %dma_start3A_358] : memref<10000x128xbf16, #tpu.memory_space<vmem_shared>> -> memref<80x128xbf16, #tpu.memory_space<vmem_shared>>
        tpu.enqueue_dma source(%dma_start3A_359 : memref<80x128xbf16, #tpu.memory_space<vmem_shared>>) target(%dma_start3A_357 : memref<80x128xbf16, #tpu.memory_space<hbm>>) target_semaphore(%run_scoped3A_354 : memref<!tpu.dma_semaphore, #tpu.memory_space<semaphore_mem>>)
        %dma_wait3A = arith.constant 0 : i32
        %dma_wait3A_360 = tpu.memref_slice %arg4[%arg0, %add3A_285, %dma_wait3A] : memref<2x10000x128xbf16, #tpu.memory_space<hbm>> -> memref<1x80x128xbf16, #tpu.memory_space<hbm>>
        %dma_wait3A_361 = tpu.memref_squeeze %dma_wait3A_360 : memref<1x80x128xbf16, #tpu.memory_space<hbm>> -> memref<80x128xbf16, #tpu.memory_space<hbm>>
        %dma_wait3A_362 = arith.constant 0 : i32
        %dma_wait3A_363 = tpu.memref_slice %arg14[%add3A_285, %dma_wait3A_362] : memref<10000x128xbf16, #tpu.memory_space<vmem_shared>> -> memref<80x128xbf16, #tpu.memory_space<vmem_shared>>
        tpu.wait_dma2 semaphore(%run_scoped3A_354 : memref<!tpu.dma_semaphore, #tpu.memory_space<semaphore_mem>>) src(%dma_wait3A_363 : memref<80x128xbf16, #tpu.memory_space<vmem_shared>>) dst(%dma_wait3A_361 : memref<80x128xbf16, #tpu.memory_space<hbm>>)
        tpu.yield
      }) : () -> ()
      "tpu.region"() ({
        %run_scoped3A_354 = tpu.sem_alloc : memref<!tpu.dma_semaphore, #tpu.memory_space<semaphore_mem>>
        %dma_start3A_355 = tpu.memref_slice %arg5[%arg0, %add3A_285] : memref<2x10240xf32, #tpu.memory_space<hbm>> -> memref<1x80xf32, #tpu.memory_space<hbm>>
        %dma_start3A_356 = tpu.memref_squeeze %dma_start3A_355 : memref<1x80xf32, #tpu.memory_space<hbm>> -> memref<80xf32, #tpu.memory_space<hbm>>
        %dma_start3A_357 = tpu.memref_slice %arg15[%add3A_285] : memref<10000xf32, #tpu.memory_space<vmem_shared>> -> memref<80xf32, #tpu.memory_space<vmem_shared>>
        tpu.enqueue_dma source(%dma_start3A_357 : memref<80xf32, #tpu.memory_space<vmem_shared>>) target(%dma_start3A_356 : memref<80xf32, #tpu.memory_space<hbm>>) target_semaphore(%run_scoped3A_354 : memref<!tpu.dma_semaphore, #tpu.memory_space<semaphore_mem>>)
        %dma_wait3A = tpu.memref_slice %arg5[%arg0, %add3A_285] : memref<2x10240xf32, #tpu.memory_space<hbm>> -> memref<1x80xf32, #tpu.memory_space<hbm>>
        %dma_wait3A_358 = tpu.memref_squeeze %dma_wait3A : memref<1x80xf32, #tpu.memory_space<hbm>> -> memref<80xf32, #tpu.memory_space<hbm>>
        %dma_wait3A_359 = tpu.memref_slice %arg15[%add3A_285] : memref<10000xf32, #tpu.memory_space<vmem_shared>> -> memref<80xf32, #tpu.memory_space<vmem_shared>>
        tpu.wait_dma2 semaphore(%run_scoped3A_354 : memref<!tpu.dma_semaphore, #tpu.memory_space<semaphore_mem>>) src(%dma_wait3A_359 : memref<80xf32, #tpu.memory_space<vmem_shared>>) dst(%dma_wait3A_358 : memref<80xf32, #tpu.memory_space<hbm>>)
        tpu.yield
      }) : () -> ()
    } else {
    }
    %mul3A_291 = arith.constant 640 : i32
    %mul3A_292 = arith.muli %arg1, %mul3A_291 : i32
    %add3A_293 = arith.constant 80 : i32
    %add3A_294 = arith.addi %mul3A_292, %add3A_293 : i32
    %lt3A_295 = arith.constant 10000 : i32
    %lt3A_296 = arith.cmpi slt, %add3A_294, %lt3A_295 : i32
    %convert_element_type3A_297 = arith.extui %lt3A_296 : i1 to i32
    %cond3A_298 = arith.constant 0 : i32
    %cond3A_299 = arith.cmpi ne, %convert_element_type3A_297, %cond3A_298 : i32
    scf.if %cond3A_299 {
      "tpu.region"() ({
        %run_scoped3A_354 = tpu.sem_alloc : memref<!tpu.dma_semaphore, #tpu.memory_space<semaphore_mem>>
        %dma_start3A_355 = arith.constant 0 : i32
        %dma_start3A_356 = tpu.memref_slice %arg4[%arg0, %add3A_294, %dma_start3A_355] : memref<2x10000x128xbf16, #tpu.memory_space<hbm>> -> memref<1x80x128xbf16, #tpu.memory_space<hbm>>
        %dma_start3A_357 = tpu.memref_squeeze %dma_start3A_356 : memref<1x80x128xbf16, #tpu.memory_space<hbm>> -> memref<80x128xbf16, #tpu.memory_space<hbm>>
        %dma_start3A_358 = arith.constant 0 : i32
        %dma_start3A_359 = tpu.memref_slice %arg14[%add3A_294, %dma_start3A_358] : memref<10000x128xbf16, #tpu.memory_space<vmem_shared>> -> memref<80x128xbf16, #tpu.memory_space<vmem_shared>>
        tpu.enqueue_dma source(%dma_start3A_359 : memref<80x128xbf16, #tpu.memory_space<vmem_shared>>) target(%dma_start3A_357 : memref<80x128xbf16, #tpu.memory_space<hbm>>) target_semaphore(%run_scoped3A_354 : memref<!tpu.dma_semaphore, #tpu.memory_space<semaphore_mem>>)
        %dma_wait3A = arith.constant 0 : i32
        %dma_wait3A_360 = tpu.memref_slice %arg4[%arg0, %add3A_294, %dma_wait3A] : memref<2x10000x128xbf16, #tpu.memory_space<hbm>> -> memref<1x80x128xbf16, #tpu.memory_space<hbm>>
        %dma_wait3A_361 = tpu.memref_squeeze %dma_wait3A_360 : memref<1x80x128xbf16, #tpu.memory_space<hbm>> -> memref<80x128xbf16, #tpu.memory_space<hbm>>
        %dma_wait3A_362 = arith.constant 0 : i32
        %dma_wait3A_363 = tpu.memref_slice %arg14[%add3A_294, %dma_wait3A_362] : memref<10000x128xbf16, #tpu.memory_space<vmem_shared>> -> memref<80x128xbf16, #tpu.memory_space<vmem_shared>>
        tpu.wait_dma2 semaphore(%run_scoped3A_354 : memref<!tpu.dma_semaphore, #tpu.memory_space<semaphore_mem>>) src(%dma_wait3A_363 : memref<80x128xbf16, #tpu.memory_space<vmem_shared>>) dst(%dma_wait3A_361 : memref<80x128xbf16, #tpu.memory_space<hbm>>)
        tpu.yield
      }) : () -> ()
      "tpu.region"() ({
        %run_scoped3A_354 = tpu.sem_alloc : memref<!tpu.dma_semaphore, #tpu.memory_space<semaphore_mem>>
        %dma_start3A_355 = tpu.memref_slice %arg5[%arg0, %add3A_294] : memref<2x10240xf32, #tpu.memory_space<hbm>> -> memref<1x80xf32, #tpu.memory_space<hbm>>
        %dma_start3A_356 = tpu.memref_squeeze %dma_start3A_355 : memref<1x80xf32, #tpu.memory_space<hbm>> -> memref<80xf32, #tpu.memory_space<hbm>>
        %dma_start3A_357 = tpu.memref_slice %arg15[%add3A_294] : memref<10000xf32, #tpu.memory_space<vmem_shared>> -> memref<80xf32, #tpu.memory_space<vmem_shared>>
        tpu.enqueue_dma source(%dma_start3A_357 : memref<80xf32, #tpu.memory_space<vmem_shared>>) target(%dma_start3A_356 : memref<80xf32, #tpu.memory_space<hbm>>) target_semaphore(%run_scoped3A_354 : memref<!tpu.dma_semaphore, #tpu.memory_space<semaphore_mem>>)
        %dma_wait3A = tpu.memref_slice %arg5[%arg0, %add3A_294] : memref<2x10240xf32, #tpu.memory_space<hbm>> -> memref<1x80xf32, #tpu.memory_space<hbm>>
        %dma_wait3A_358 = tpu.memref_squeeze %dma_wait3A : memref<1x80xf32, #tpu.memory_space<hbm>> -> memref<80xf32, #tpu.memory_space<hbm>>
        %dma_wait3A_359 = tpu.memref_slice %arg15[%add3A_294] : memref<10000xf32, #tpu.memory_space<vmem_shared>> -> memref<80xf32, #tpu.memory_space<vmem_shared>>
        tpu.wait_dma2 semaphore(%run_scoped3A_354 : memref<!tpu.dma_semaphore, #tpu.memory_space<semaphore_mem>>) src(%dma_wait3A_359 : memref<80xf32, #tpu.memory_space<vmem_shared>>) dst(%dma_wait3A_358 : memref<80xf32, #tpu.memory_space<hbm>>)
        tpu.yield
      }) : () -> ()
    } else {
    }
    %mul3A_300 = arith.constant 640 : i32
    %mul3A_301 = arith.muli %arg1, %mul3A_300 : i32
    %add3A_302 = arith.constant 160 : i32
    %add3A_303 = arith.addi %mul3A_301, %add3A_302 : i32
    %lt3A_304 = arith.constant 10000 : i32
    %lt3A_305 = arith.cmpi slt, %add3A_303, %lt3A_304 : i32
    %convert_element_type3A_306 = arith.extui %lt3A_305 : i1 to i32
    %cond3A_307 = arith.constant 0 : i32
    %cond3A_308 = arith.cmpi ne, %convert_element_type3A_306, %cond3A_307 : i32
    scf.if %cond3A_308 {
      "tpu.region"() ({
        %run_scoped3A_354 = tpu.sem_alloc : memref<!tpu.dma_semaphore, #tpu.memory_space<semaphore_mem>>
        %dma_start3A_355 = arith.constant 0 : i32
        %dma_start3A_356 = tpu.memref_slice %arg4[%arg0, %add3A_303, %dma_start3A_355] : memref<2x10000x128xbf16, #tpu.memory_space<hbm>> -> memref<1x80x128xbf16, #tpu.memory_space<hbm>>
        %dma_start3A_357 = tpu.memref_squeeze %dma_start3A_356 : memref<1x80x128xbf16, #tpu.memory_space<hbm>> -> memref<80x128xbf16, #tpu.memory_space<hbm>>
        %dma_start3A_358 = arith.constant 0 : i32
        %dma_start3A_359 = tpu.memref_slice %arg14[%add3A_303, %dma_start3A_358] : memref<10000x128xbf16, #tpu.memory_space<vmem_shared>> -> memref<80x128xbf16, #tpu.memory_space<vmem_shared>>
        tpu.enqueue_dma source(%dma_start3A_359 : memref<80x128xbf16, #tpu.memory_space<vmem_shared>>) target(%dma_start3A_357 : memref<80x128xbf16, #tpu.memory_space<hbm>>) target_semaphore(%run_scoped3A_354 : memref<!tpu.dma_semaphore, #tpu.memory_space<semaphore_mem>>)
        %dma_wait3A = arith.constant 0 : i32
        %dma_wait3A_360 = tpu.memref_slice %arg4[%arg0, %add3A_303, %dma_wait3A] : memref<2x10000x128xbf16, #tpu.memory_space<hbm>> -> memref<1x80x128xbf16, #tpu.memory_space<hbm>>
        %dma_wait3A_361 = tpu.memref_squeeze %dma_wait3A_360 : memref<1x80x128xbf16, #tpu.memory_space<hbm>> -> memref<80x128xbf16, #tpu.memory_space<hbm>>
        %dma_wait3A_362 = arith.constant 0 : i32
        %dma_wait3A_363 = tpu.memref_slice %arg14[%add3A_303, %dma_wait3A_362] : memref<10000x128xbf16, #tpu.memory_space<vmem_shared>> -> memref<80x128xbf16, #tpu.memory_space<vmem_shared>>
        tpu.wait_dma2 semaphore(%run_scoped3A_354 : memref<!tpu.dma_semaphore, #tpu.memory_space<semaphore_mem>>) src(%dma_wait3A_363 : memref<80x128xbf16, #tpu.memory_space<vmem_shared>>) dst(%dma_wait3A_361 : memref<80x128xbf16, #tpu.memory_space<hbm>>)
        tpu.yield
      }) : () -> ()
      "tpu.region"() ({
        %run_scoped3A_354 = tpu.sem_alloc : memref<!tpu.dma_semaphore, #tpu.memory_space<semaphore_mem>>
        %dma_start3A_355 = tpu.memref_slice %arg5[%arg0, %add3A_303] : memref<2x10240xf32, #tpu.memory_space<hbm>> -> memref<1x80xf32, #tpu.memory_space<hbm>>
        %dma_start3A_356 = tpu.memref_squeeze %dma_start3A_355 : memref<1x80xf32, #tpu.memory_space<hbm>> -> memref<80xf32, #tpu.memory_space<hbm>>
        %dma_start3A_357 = tpu.memref_slice %arg15[%add3A_303] : memref<10000xf32, #tpu.memory_space<vmem_shared>> -> memref<80xf32, #tpu.memory_space<vmem_shared>>
        tpu.enqueue_dma source(%dma_start3A_357 : memref<80xf32, #tpu.memory_space<vmem_shared>>) target(%dma_start3A_356 : memref<80xf32, #tpu.memory_space<hbm>>) target_semaphore(%run_scoped3A_354 : memref<!tpu.dma_semaphore, #tpu.memory_space<semaphore_mem>>)
        %dma_wait3A = tpu.memref_slice %arg5[%arg0, %add3A_303] : memref<2x10240xf32, #tpu.memory_space<hbm>> -> memref<1x80xf32, #tpu.memory_space<hbm>>
        %dma_wait3A_358 = tpu.memref_squeeze %dma_wait3A : memref<1x80xf32, #tpu.memory_space<hbm>> -> memref<80xf32, #tpu.memory_space<hbm>>
        %dma_wait3A_359 = tpu.memref_slice %arg15[%add3A_303] : memref<10000xf32, #tpu.memory_space<vmem_shared>> -> memref<80xf32, #tpu.memory_space<vmem_shared>>
        tpu.wait_dma2 semaphore(%run_scoped3A_354 : memref<!tpu.dma_semaphore, #tpu.memory_space<semaphore_mem>>) src(%dma_wait3A_359 : memref<80xf32, #tpu.memory_space<vmem_shared>>) dst(%dma_wait3A_358 : memref<80xf32, #tpu.memory_space<hbm>>)
        tpu.yield
      }) : () -> ()
    } else {
    }
    %mul3A_309 = arith.constant 640 : i32
    %mul3A_310 = arith.muli %arg1, %mul3A_309 : i32
    %add3A_311 = arith.constant 240 : i32
    %add3A_312 = arith.addi %mul3A_310, %add3A_311 : i32
    %lt3A_313 = arith.constant 10000 : i32
    %lt3A_314 = arith.cmpi slt, %add3A_312, %lt3A_313 : i32
    %convert_element_type3A_315 = arith.extui %lt3A_314 : i1 to i32
    %cond3A_316 = arith.constant 0 : i32
    %cond3A_317 = arith.cmpi ne, %convert_element_type3A_315, %cond3A_316 : i32
    scf.if %cond3A_317 {
      "tpu.region"() ({
        %run_scoped3A_354 = tpu.sem_alloc : memref<!tpu.dma_semaphore, #tpu.memory_space<semaphore_mem>>
        %dma_start3A_355 = arith.constant 0 : i32
        %dma_start3A_356 = tpu.memref_slice %arg4[%arg0, %add3A_312, %dma_start3A_355] : memref<2x10000x128xbf16, #tpu.memory_space<hbm>> -> memref<1x80x128xbf16, #tpu.memory_space<hbm>>
        %dma_start3A_357 = tpu.memref_squeeze %dma_start3A_356 : memref<1x80x128xbf16, #tpu.memory_space<hbm>> -> memref<80x128xbf16, #tpu.memory_space<hbm>>
        %dma_start3A_358 = arith.constant 0 : i32
        %dma_start3A_359 = tpu.memref_slice %arg14[%add3A_312, %dma_start3A_358] : memref<10000x128xbf16, #tpu.memory_space<vmem_shared>> -> memref<80x128xbf16, #tpu.memory_space<vmem_shared>>
        tpu.enqueue_dma source(%dma_start3A_359 : memref<80x128xbf16, #tpu.memory_space<vmem_shared>>) target(%dma_start3A_357 : memref<80x128xbf16, #tpu.memory_space<hbm>>) target_semaphore(%run_scoped3A_354 : memref<!tpu.dma_semaphore, #tpu.memory_space<semaphore_mem>>)
        %dma_wait3A = arith.constant 0 : i32
        %dma_wait3A_360 = tpu.memref_slice %arg4[%arg0, %add3A_312, %dma_wait3A] : memref<2x10000x128xbf16, #tpu.memory_space<hbm>> -> memref<1x80x128xbf16, #tpu.memory_space<hbm>>
        %dma_wait3A_361 = tpu.memref_squeeze %dma_wait3A_360 : memref<1x80x128xbf16, #tpu.memory_space<hbm>> -> memref<80x128xbf16, #tpu.memory_space<hbm>>
        %dma_wait3A_362 = arith.constant 0 : i32
        %dma_wait3A_363 = tpu.memref_slice %arg14[%add3A_312, %dma_wait3A_362] : memref<10000x128xbf16, #tpu.memory_space<vmem_shared>> -> memref<80x128xbf16, #tpu.memory_space<vmem_shared>>
        tpu.wait_dma2 semaphore(%run_scoped3A_354 : memref<!tpu.dma_semaphore, #tpu.memory_space<semaphore_mem>>) src(%dma_wait3A_363 : memref<80x128xbf16, #tpu.memory_space<vmem_shared>>) dst(%dma_wait3A_361 : memref<80x128xbf16, #tpu.memory_space<hbm>>)
        tpu.yield
      }) : () -> ()
      "tpu.region"() ({
        %run_scoped3A_354 = tpu.sem_alloc : memref<!tpu.dma_semaphore, #tpu.memory_space<semaphore_mem>>
        %dma_start3A_355 = tpu.memref_slice %arg5[%arg0, %add3A_312] : memref<2x10240xf32, #tpu.memory_space<hbm>> -> memref<1x80xf32, #tpu.memory_space<hbm>>
        %dma_start3A_356 = tpu.memref_squeeze %dma_start3A_355 : memref<1x80xf32, #tpu.memory_space<hbm>> -> memref<80xf32, #tpu.memory_space<hbm>>
        %dma_start3A_357 = tpu.memref_slice %arg15[%add3A_312] : memref<10000xf32, #tpu.memory_space<vmem_shared>> -> memref<80xf32, #tpu.memory_space<vmem_shared>>
        tpu.enqueue_dma source(%dma_start3A_357 : memref<80xf32, #tpu.memory_space<vmem_shared>>) target(%dma_start3A_356 : memref<80xf32, #tpu.memory_space<hbm>>) target_semaphore(%run_scoped3A_354 : memref<!tpu.dma_semaphore, #tpu.memory_space<semaphore_mem>>)
        %dma_wait3A = tpu.memref_slice %arg5[%arg0, %add3A_312] : memref<2x10240xf32, #tpu.memory_space<hbm>> -> memref<1x80xf32, #tpu.memory_space<hbm>>
        %dma_wait3A_358 = tpu.memref_squeeze %dma_wait3A : memref<1x80xf32, #tpu.memory_space<hbm>> -> memref<80xf32, #tpu.memory_space<hbm>>
        %dma_wait3A_359 = tpu.memref_slice %arg15[%add3A_312] : memref<10000xf32, #tpu.memory_space<vmem_shared>> -> memref<80xf32, #tpu.memory_space<vmem_shared>>
        tpu.wait_dma2 semaphore(%run_scoped3A_354 : memref<!tpu.dma_semaphore, #tpu.memory_space<semaphore_mem>>) src(%dma_wait3A_359 : memref<80xf32, #tpu.memory_space<vmem_shared>>) dst(%dma_wait3A_358 : memref<80xf32, #tpu.memory_space<hbm>>)
        tpu.yield
      }) : () -> ()
    } else {
    }
    %mul3A_318 = arith.constant 640 : i32
    %mul3A_319 = arith.muli %arg1, %mul3A_318 : i32
    %add3A_320 = arith.constant 320 : i32
    %add3A_321 = arith.addi %mul3A_319, %add3A_320 : i32
    %lt3A_322 = arith.constant 10000 : i32
    %lt3A_323 = arith.cmpi slt, %add3A_321, %lt3A_322 : i32
    %convert_element_type3A_324 = arith.extui %lt3A_323 : i1 to i32
    %cond3A_325 = arith.constant 0 : i32
    %cond3A_326 = arith.cmpi ne, %convert_element_type3A_324, %cond3A_325 : i32
    scf.if %cond3A_326 {
      "tpu.region"() ({
        %run_scoped3A_354 = tpu.sem_alloc : memref<!tpu.dma_semaphore, #tpu.memory_space<semaphore_mem>>
        %dma_start3A_355 = arith.constant 0 : i32
        %dma_start3A_356 = tpu.memref_slice %arg4[%arg0, %add3A_321, %dma_start3A_355] : memref<2x10000x128xbf16, #tpu.memory_space<hbm>> -> memref<1x80x128xbf16, #tpu.memory_space<hbm>>
        %dma_start3A_357 = tpu.memref_squeeze %dma_start3A_356 : memref<1x80x128xbf16, #tpu.memory_space<hbm>> -> memref<80x128xbf16, #tpu.memory_space<hbm>>
        %dma_start3A_358 = arith.constant 0 : i32
        %dma_start3A_359 = tpu.memref_slice %arg14[%add3A_321, %dma_start3A_358] : memref<10000x128xbf16, #tpu.memory_space<vmem_shared>> -> memref<80x128xbf16, #tpu.memory_space<vmem_shared>>
        tpu.enqueue_dma source(%dma_start3A_359 : memref<80x128xbf16, #tpu.memory_space<vmem_shared>>) target(%dma_start3A_357 : memref<80x128xbf16, #tpu.memory_space<hbm>>) target_semaphore(%run_scoped3A_354 : memref<!tpu.dma_semaphore, #tpu.memory_space<semaphore_mem>>)
        %dma_wait3A = arith.constant 0 : i32
        %dma_wait3A_360 = tpu.memref_slice %arg4[%arg0, %add3A_321, %dma_wait3A] : memref<2x10000x128xbf16, #tpu.memory_space<hbm>> -> memref<1x80x128xbf16, #tpu.memory_space<hbm>>
        %dma_wait3A_361 = tpu.memref_squeeze %dma_wait3A_360 : memref<1x80x128xbf16, #tpu.memory_space<hbm>> -> memref<80x128xbf16, #tpu.memory_space<hbm>>
        %dma_wait3A_362 = arith.constant 0 : i32
        %dma_wait3A_363 = tpu.memref_slice %arg14[%add3A_321, %dma_wait3A_362] : memref<10000x128xbf16, #tpu.memory_space<vmem_shared>> -> memref<80x128xbf16, #tpu.memory_space<vmem_shared>>
        tpu.wait_dma2 semaphore(%run_scoped3A_354 : memref<!tpu.dma_semaphore, #tpu.memory_space<semaphore_mem>>) src(%dma_wait3A_363 : memref<80x128xbf16, #tpu.memory_space<vmem_shared>>) dst(%dma_wait3A_361 : memref<80x128xbf16, #tpu.memory_space<hbm>>)
        tpu.yield
      }) : () -> ()
      "tpu.region"() ({
        %run_scoped3A_354 = tpu.sem_alloc : memref<!tpu.dma_semaphore, #tpu.memory_space<semaphore_mem>>
        %dma_start3A_355 = tpu.memref_slice %arg5[%arg0, %add3A_321] : memref<2x10240xf32, #tpu.memory_space<hbm>> -> memref<1x80xf32, #tpu.memory_space<hbm>>
        %dma_start3A_356 = tpu.memref_squeeze %dma_start3A_355 : memref<1x80xf32, #tpu.memory_space<hbm>> -> memref<80xf32, #tpu.memory_space<hbm>>
        %dma_start3A_357 = tpu.memref_slice %arg15[%add3A_321] : memref<10000xf32, #tpu.memory_space<vmem_shared>> -> memref<80xf32, #tpu.memory_space<vmem_shared>>
        tpu.enqueue_dma source(%dma_start3A_357 : memref<80xf32, #tpu.memory_space<vmem_shared>>) target(%dma_start3A_356 : memref<80xf32, #tpu.memory_space<hbm>>) target_semaphore(%run_scoped3A_354 : memref<!tpu.dma_semaphore, #tpu.memory_space<semaphore_mem>>)
        %dma_wait3A = tpu.memref_slice %arg5[%arg0, %add3A_321] : memref<2x10240xf32, #tpu.memory_space<hbm>> -> memref<1x80xf32, #tpu.memory_space<hbm>>
        %dma_wait3A_358 = tpu.memref_squeeze %dma_wait3A : memref<1x80xf32, #tpu.memory_space<hbm>> -> memref<80xf32, #tpu.memory_space<hbm>>
        %dma_wait3A_359 = tpu.memref_slice %arg15[%add3A_321] : memref<10000xf32, #tpu.memory_space<vmem_shared>> -> memref<80xf32, #tpu.memory_space<vmem_shared>>
        tpu.wait_dma2 semaphore(%run_scoped3A_354 : memref<!tpu.dma_semaphore, #tpu.memory_space<semaphore_mem>>) src(%dma_wait3A_359 : memref<80xf32, #tpu.memory_space<vmem_shared>>) dst(%dma_wait3A_358 : memref<80xf32, #tpu.memory_space<hbm>>)
        tpu.yield
      }) : () -> ()
    } else {
    }
    %mul3A_327 = arith.constant 640 : i32
    %mul3A_328 = arith.muli %arg1, %mul3A_327 : i32
    %add3A_329 = arith.constant 400 : i32
    %add3A_330 = arith.addi %mul3A_328, %add3A_329 : i32
    %lt3A_331 = arith.constant 10000 : i32
    %lt3A_332 = arith.cmpi slt, %add3A_330, %lt3A_331 : i32
    %convert_element_type3A_333 = arith.extui %lt3A_332 : i1 to i32
    %cond3A_334 = arith.constant 0 : i32
    %cond3A_335 = arith.cmpi ne, %convert_element_type3A_333, %cond3A_334 : i32
    scf.if %cond3A_335 {
      "tpu.region"() ({
        %run_scoped3A_354 = tpu.sem_alloc : memref<!tpu.dma_semaphore, #tpu.memory_space<semaphore_mem>>
        %dma_start3A_355 = arith.constant 0 : i32
        %dma_start3A_356 = tpu.memref_slice %arg4[%arg0, %add3A_330, %dma_start3A_355] : memref<2x10000x128xbf16, #tpu.memory_space<hbm>> -> memref<1x80x128xbf16, #tpu.memory_space<hbm>>
        %dma_start3A_357 = tpu.memref_squeeze %dma_start3A_356 : memref<1x80x128xbf16, #tpu.memory_space<hbm>> -> memref<80x128xbf16, #tpu.memory_space<hbm>>
        %dma_start3A_358 = arith.constant 0 : i32
        %dma_start3A_359 = tpu.memref_slice %arg14[%add3A_330, %dma_start3A_358] : memref<10000x128xbf16, #tpu.memory_space<vmem_shared>> -> memref<80x128xbf16, #tpu.memory_space<vmem_shared>>
        tpu.enqueue_dma source(%dma_start3A_359 : memref<80x128xbf16, #tpu.memory_space<vmem_shared>>) target(%dma_start3A_357 : memref<80x128xbf16, #tpu.memory_space<hbm>>) target_semaphore(%run_scoped3A_354 : memref<!tpu.dma_semaphore, #tpu.memory_space<semaphore_mem>>)
        %dma_wait3A = arith.constant 0 : i32
        %dma_wait3A_360 = tpu.memref_slice %arg4[%arg0, %add3A_330, %dma_wait3A] : memref<2x10000x128xbf16, #tpu.memory_space<hbm>> -> memref<1x80x128xbf16, #tpu.memory_space<hbm>>
        %dma_wait3A_361 = tpu.memref_squeeze %dma_wait3A_360 : memref<1x80x128xbf16, #tpu.memory_space<hbm>> -> memref<80x128xbf16, #tpu.memory_space<hbm>>
        %dma_wait3A_362 = arith.constant 0 : i32
        %dma_wait3A_363 = tpu.memref_slice %arg14[%add3A_330, %dma_wait3A_362] : memref<10000x128xbf16, #tpu.memory_space<vmem_shared>> -> memref<80x128xbf16, #tpu.memory_space<vmem_shared>>
        tpu.wait_dma2 semaphore(%run_scoped3A_354 : memref<!tpu.dma_semaphore, #tpu.memory_space<semaphore_mem>>) src(%dma_wait3A_363 : memref<80x128xbf16, #tpu.memory_space<vmem_shared>>) dst(%dma_wait3A_361 : memref<80x128xbf16, #tpu.memory_space<hbm>>)
        tpu.yield
      }) : () -> ()
      "tpu.region"() ({
        %run_scoped3A_354 = tpu.sem_alloc : memref<!tpu.dma_semaphore, #tpu.memory_space<semaphore_mem>>
        %dma_start3A_355 = tpu.memref_slice %arg5[%arg0, %add3A_330] : memref<2x10240xf32, #tpu.memory_space<hbm>> -> memref<1x80xf32, #tpu.memory_space<hbm>>
        %dma_start3A_356 = tpu.memref_squeeze %dma_start3A_355 : memref<1x80xf32, #tpu.memory_space<hbm>> -> memref<80xf32, #tpu.memory_space<hbm>>
        %dma_start3A_357 = tpu.memref_slice %arg15[%add3A_330] : memref<10000xf32, #tpu.memory_space<vmem_shared>> -> memref<80xf32, #tpu.memory_space<vmem_shared>>
        tpu.enqueue_dma source(%dma_start3A_357 : memref<80xf32, #tpu.memory_space<vmem_shared>>) target(%dma_start3A_356 : memref<80xf32, #tpu.memory_space<hbm>>) target_semaphore(%run_scoped3A_354 : memref<!tpu.dma_semaphore, #tpu.memory_space<semaphore_mem>>)
        %dma_wait3A = tpu.memref_slice %arg5[%arg0, %add3A_330] : memref<2x10240xf32, #tpu.memory_space<hbm>> -> memref<1x80xf32, #tpu.memory_space<hbm>>
        %dma_wait3A_358 = tpu.memref_squeeze %dma_wait3A : memref<1x80xf32, #tpu.memory_space<hbm>> -> memref<80xf32, #tpu.memory_space<hbm>>
        %dma_wait3A_359 = tpu.memref_slice %arg15[%add3A_330] : memref<10000xf32, #tpu.memory_space<vmem_shared>> -> memref<80xf32, #tpu.memory_space<vmem_shared>>
        tpu.wait_dma2 semaphore(%run_scoped3A_354 : memref<!tpu.dma_semaphore, #tpu.memory_space<semaphore_mem>>) src(%dma_wait3A_359 : memref<80xf32, #tpu.memory_space<vmem_shared>>) dst(%dma_wait3A_358 : memref<80xf32, #tpu.memory_space<hbm>>)
        tpu.yield
      }) : () -> ()
    } else {
    }
    %mul3A_336 = arith.constant 640 : i32
    %mul3A_337 = arith.muli %arg1, %mul3A_336 : i32
    %add3A_338 = arith.constant 480 : i32
    %add3A_339 = arith.addi %mul3A_337, %add3A_338 : i32
    %lt3A_340 = arith.constant 10000 : i32
    %lt3A_341 = arith.cmpi slt, %add3A_339, %lt3A_340 : i32
    %convert_element_type3A_342 = arith.extui %lt3A_341 : i1 to i32
    %cond3A_343 = arith.constant 0 : i32
    %cond3A_344 = arith.cmpi ne, %convert_element_type3A_342, %cond3A_343 : i32
    scf.if %cond3A_344 {
      "tpu.region"() ({
        %run_scoped3A_354 = tpu.sem_alloc : memref<!tpu.dma_semaphore, #tpu.memory_space<semaphore_mem>>
        %dma_start3A_355 = arith.constant 0 : i32
        %dma_start3A_356 = tpu.memref_slice %arg4[%arg0, %add3A_339, %dma_start3A_355] : memref<2x10000x128xbf16, #tpu.memory_space<hbm>> -> memref<1x80x128xbf16, #tpu.memory_space<hbm>>
        %dma_start3A_357 = tpu.memref_squeeze %dma_start3A_356 : memref<1x80x128xbf16, #tpu.memory_space<hbm>> -> memref<80x128xbf16, #tpu.memory_space<hbm>>
        %dma_start3A_358 = arith.constant 0 : i32
        %dma_start3A_359 = tpu.memref_slice %arg14[%add3A_339, %dma_start3A_358] : memref<10000x128xbf16, #tpu.memory_space<vmem_shared>> -> memref<80x128xbf16, #tpu.memory_space<vmem_shared>>
        tpu.enqueue_dma source(%dma_start3A_359 : memref<80x128xbf16, #tpu.memory_space<vmem_shared>>) target(%dma_start3A_357 : memref<80x128xbf16, #tpu.memory_space<hbm>>) target_semaphore(%run_scoped3A_354 : memref<!tpu.dma_semaphore, #tpu.memory_space<semaphore_mem>>)
        %dma_wait3A = arith.constant 0 : i32
        %dma_wait3A_360 = tpu.memref_slice %arg4[%arg0, %add3A_339, %dma_wait3A] : memref<2x10000x128xbf16, #tpu.memory_space<hbm>> -> memref<1x80x128xbf16, #tpu.memory_space<hbm>>
        %dma_wait3A_361 = tpu.memref_squeeze %dma_wait3A_360 : memref<1x80x128xbf16, #tpu.memory_space<hbm>> -> memref<80x128xbf16, #tpu.memory_space<hbm>>
        %dma_wait3A_362 = arith.constant 0 : i32
        %dma_wait3A_363 = tpu.memref_slice %arg14[%add3A_339, %dma_wait3A_362] : memref<10000x128xbf16, #tpu.memory_space<vmem_shared>> -> memref<80x128xbf16, #tpu.memory_space<vmem_shared>>
        tpu.wait_dma2 semaphore(%run_scoped3A_354 : memref<!tpu.dma_semaphore, #tpu.memory_space<semaphore_mem>>) src(%dma_wait3A_363 : memref<80x128xbf16, #tpu.memory_space<vmem_shared>>) dst(%dma_wait3A_361 : memref<80x128xbf16, #tpu.memory_space<hbm>>)
        tpu.yield
      }) : () -> ()
      "tpu.region"() ({
        %run_scoped3A_354 = tpu.sem_alloc : memref<!tpu.dma_semaphore, #tpu.memory_space<semaphore_mem>>
        %dma_start3A_355 = tpu.memref_slice %arg5[%arg0, %add3A_339] : memref<2x10240xf32, #tpu.memory_space<hbm>> -> memref<1x80xf32, #tpu.memory_space<hbm>>
        %dma_start3A_356 = tpu.memref_squeeze %dma_start3A_355 : memref<1x80xf32, #tpu.memory_space<hbm>> -> memref<80xf32, #tpu.memory_space<hbm>>
        %dma_start3A_357 = tpu.memref_slice %arg15[%add3A_339] : memref<10000xf32, #tpu.memory_space<vmem_shared>> -> memref<80xf32, #tpu.memory_space<vmem_shared>>
        tpu.enqueue_dma source(%dma_start3A_357 : memref<80xf32, #tpu.memory_space<vmem_shared>>) target(%dma_start3A_356 : memref<80xf32, #tpu.memory_space<hbm>>) target_semaphore(%run_scoped3A_354 : memref<!tpu.dma_semaphore, #tpu.memory_space<semaphore_mem>>)
        %dma_wait3A = tpu.memref_slice %arg5[%arg0, %add3A_339] : memref<2x10240xf32, #tpu.memory_space<hbm>> -> memref<1x80xf32, #tpu.memory_space<hbm>>
        %dma_wait3A_358 = tpu.memref_squeeze %dma_wait3A : memref<1x80xf32, #tpu.memory_space<hbm>> -> memref<80xf32, #tpu.memory_space<hbm>>
        %dma_wait3A_359 = tpu.memref_slice %arg15[%add3A_339] : memref<10000xf32, #tpu.memory_space<vmem_shared>> -> memref<80xf32, #tpu.memory_space<vmem_shared>>
        tpu.wait_dma2 semaphore(%run_scoped3A_354 : memref<!tpu.dma_semaphore, #tpu.memory_space<semaphore_mem>>) src(%dma_wait3A_359 : memref<80xf32, #tpu.memory_space<vmem_shared>>) dst(%dma_wait3A_358 : memref<80xf32, #tpu.memory_space<hbm>>)
        tpu.yield
      }) : () -> ()
    } else {
    }
    %mul3A_345 = arith.constant 640 : i32
    %mul3A_346 = arith.muli %arg1, %mul3A_345 : i32
    %add3A_347 = arith.constant 560 : i32
    %add3A_348 = arith.addi %mul3A_346, %add3A_347 : i32
    %lt3A_349 = arith.constant 10000 : i32
    %lt3A_350 = arith.cmpi slt, %add3A_348, %lt3A_349 : i32
    %convert_element_type3A_351 = arith.extui %lt3A_350 : i1 to i32
    %cond3A_352 = arith.constant 0 : i32
    %cond3A_353 = arith.cmpi ne, %convert_element_type3A_351, %cond3A_352 : i32
    scf.if %cond3A_353 {
      "tpu.region"() ({
        %run_scoped3A_354 = tpu.sem_alloc : memref<!tpu.dma_semaphore, #tpu.memory_space<semaphore_mem>>
        %dma_start3A_355 = arith.constant 0 : i32
        %dma_start3A_356 = tpu.memref_slice %arg4[%arg0, %add3A_348, %dma_start3A_355] : memref<2x10000x128xbf16, #tpu.memory_space<hbm>> -> memref<1x80x128xbf16, #tpu.memory_space<hbm>>
        %dma_start3A_357 = tpu.memref_squeeze %dma_start3A_356 : memref<1x80x128xbf16, #tpu.memory_space<hbm>> -> memref<80x128xbf16, #tpu.memory_space<hbm>>
        %dma_start3A_358 = arith.constant 0 : i32
        %dma_start3A_359 = tpu.memref_slice %arg14[%add3A_348, %dma_start3A_358] : memref<10000x128xbf16, #tpu.memory_space<vmem_shared>> -> memref<80x128xbf16, #tpu.memory_space<vmem_shared>>
        tpu.enqueue_dma source(%dma_start3A_359 : memref<80x128xbf16, #tpu.memory_space<vmem_shared>>) target(%dma_start3A_357 : memref<80x128xbf16, #tpu.memory_space<hbm>>) target_semaphore(%run_scoped3A_354 : memref<!tpu.dma_semaphore, #tpu.memory_space<semaphore_mem>>)
        %dma_wait3A = arith.constant 0 : i32
        %dma_wait3A_360 = tpu.memref_slice %arg4[%arg0, %add3A_348, %dma_wait3A] : memref<2x10000x128xbf16, #tpu.memory_space<hbm>> -> memref<1x80x128xbf16, #tpu.memory_space<hbm>>
        %dma_wait3A_361 = tpu.memref_squeeze %dma_wait3A_360 : memref<1x80x128xbf16, #tpu.memory_space<hbm>> -> memref<80x128xbf16, #tpu.memory_space<hbm>>
        %dma_wait3A_362 = arith.constant 0 : i32
        %dma_wait3A_363 = tpu.memref_slice %arg14[%add3A_348, %dma_wait3A_362] : memref<10000x128xbf16, #tpu.memory_space<vmem_shared>> -> memref<80x128xbf16, #tpu.memory_space<vmem_shared>>
        tpu.wait_dma2 semaphore(%run_scoped3A_354 : memref<!tpu.dma_semaphore, #tpu.memory_space<semaphore_mem>>) src(%dma_wait3A_363 : memref<80x128xbf16, #tpu.memory_space<vmem_shared>>) dst(%dma_wait3A_361 : memref<80x128xbf16, #tpu.memory_space<hbm>>)
        tpu.yield
      }) : () -> ()
      "tpu.region"() ({
        %run_scoped3A_354 = tpu.sem_alloc : memref<!tpu.dma_semaphore, #tpu.memory_space<semaphore_mem>>
        %dma_start3A_355 = tpu.memref_slice %arg5[%arg0, %add3A_348] : memref<2x10240xf32, #tpu.memory_space<hbm>> -> memref<1x80xf32, #tpu.memory_space<hbm>>
        %dma_start3A_356 = tpu.memref_squeeze %dma_start3A_355 : memref<1x80xf32, #tpu.memory_space<hbm>> -> memref<80xf32, #tpu.memory_space<hbm>>
        %dma_start3A_357 = tpu.memref_slice %arg15[%add3A_348] : memref<10000xf32, #tpu.memory_space<vmem_shared>> -> memref<80xf32, #tpu.memory_space<vmem_shared>>
        tpu.enqueue_dma source(%dma_start3A_357 : memref<80xf32, #tpu.memory_space<vmem_shared>>) target(%dma_start3A_356 : memref<80xf32, #tpu.memory_space<hbm>>) target_semaphore(%run_scoped3A_354 : memref<!tpu.dma_semaphore, #tpu.memory_space<semaphore_mem>>)
        %dma_wait3A = tpu.memref_slice %arg5[%arg0, %add3A_348] : memref<2x10240xf32, #tpu.memory_space<hbm>> -> memref<1x80xf32, #tpu.memory_space<hbm>>
        %dma_wait3A_358 = tpu.memref_squeeze %dma_wait3A : memref<1x80xf32, #tpu.memory_space<hbm>> -> memref<80xf32, #tpu.memory_space<hbm>>
        %dma_wait3A_359 = tpu.memref_slice %arg15[%add3A_348] : memref<10000xf32, #tpu.memory_space<vmem_shared>> -> memref<80xf32, #tpu.memory_space<vmem_shared>>
        tpu.wait_dma2 semaphore(%run_scoped3A_354 : memref<!tpu.dma_semaphore, #tpu.memory_space<semaphore_mem>>) src(%dma_wait3A_359 : memref<80xf32, #tpu.memory_space<vmem_shared>>) dst(%dma_wait3A_358 : memref<80xf32, #tpu.memory_space<hbm>>)
        tpu.yield
      }) : () -> ()
    } else {
    }
    return
  }
}

</mosaic_0001>

<sc_bundles>
// kernel: _sc_aggregate.3.cloned.1.call-start
scs
__scs_entry_jumppad:
0x0: {  	(pc) =	sbr.rel $0x88, $3  }
0x1: {  	(tag) =	ssettag $0x0;
	lr =	simm.s32 $0x1  }
0x2: {  	[smem:$0x3F9F] =	sst lr;
	_ =	strace $0xD0000000  }
0x3: {  	_ = 	snop  }
0x4: {  	_ = 	snop  }
0x5: {  	_ = 	snop  }
0x6: {  	_ = 	snop  }
0x7: {  	_ = 	snop  }
__scs_overlays_trampoline_lowered:
0x8: {  	[smem:$0x3FAE] =	sst s0  }
0x9: {  	[smem:$0x3FAF] =	sst s1  }
0xa: {  	[smem:$0x3FB0] =	sst s2  }
0xb: {  	[smem:$0x3FB1] =	sst s3  }
0xc: {  	[smem:$0x3FB2] =	sst s4  }
0xd: {  	[smem:$0x3FB3] =	sst s5  }
0xe: {  	[smem:$0x3FB4] =	sst s6  }
0xf: {  	[smem:$0x3FB5] =	sst s7  }
0x10: {  	[smem:$0x3FB6] =	sst s8  }
0x11: {  	[smem:$0x3FB7] =	sst s9;
	s0 =	simm.s32 @!p0 $0x0  }
0x12: {  	s1 =	sld [smem:$0x3F9D];
	s0 =	simm.s32 @p0 $0x1  }
0x13: {  	[smem:$0x3FB8] =	sst s0;
	s0 =	simm.s32 @!p1 $0x0  }
0x14: {  	s2 =	sld [smem:$0x3F9C];
	s0 =	simm.s32 @p1 $0x1  }
0x15: {  	[smem:$0x3FB9] =	sst s0;
	s0 =	simm.s32 @!p2 $0x0  }
0x16: {  	s3 =	sld [smem:$0x3FDB];
	s0 =	simm.s32 @p2 $0x1  }
0x17: {  	s4 =	simm.s32 $0x1BF5;
	[smem:$0x3FBB] =	sst s0  }
0x18: {  	s0 =	sld [smem:$0x3F9E];
	_ =	swait.ge [sflag:s4], $0x0  }
0x19: {  	s7 =	sld [smem:$0x3F9F]  }
0x1a: {  	s8 =	sadd.s32 $0xFFFFE003, lr  }
0x1b: {  	s9 =	sadd.s32 $0xFFFFFEF7, lr;
	s5 =	simm.s32 $0xFFFFFFFF;
	p2 =	slt.u32 s8, $0xFFFFF086  }
0x1c: {  	p1 =	slt.u32 s9, $0xF7A;
	s5 =	simm.s32 @!p2 $0x0  }
0x1d: {  	s5 =	simm.s32 @p1 $0x1;
	p0 =	seq.s32 s7, s2  }
0x1e: {  	s7 =	smul.u32 @!p0 $0xF7A, s2;
	p2 =	seq.s32 @!p0 s5, $0x0  }
0x1f: {  	s9 =	smul.u32 $0xF7A, s1;
	s8 =	simm.s32 @!p0 $0x1BF5;
	p2 =	por !p2, p0  }
0x20: {  	[sflag:s8] =	ssyncset.s32 @!p0 $0xFFFFF086;
	s6 =	sadd.s32 @!p0 s3, s7;
	s7 =	simm.s32 @!p0 $0x108  }
0x21: {  	s3 =	sadd.s32 s3, s9;
	s6 =	sadd.s32 @!p0 $0x88, s6;
	s7 =	simm.s32 @p2 $0x1082  }
0x22: {  	[simem:s7], [sflag:s8] =	dma.local @!p0 [hbm:s6], $0xF7A  }
0x23: {  	s9 =	sor.u32 $0xD0000000, s2;
	s6 =	simm.s32 $0x108;
	_ =	swait.ge @!p0 [sflag:s8], $0x0  }
0x24: {  	s3 =	sadd.s32 $0x88, s3;
	s6 =	simm.s32 @!p1 $0x1082;
	[sflag:s4] =	ssyncset.s32 $0xFFFFF086  }
0x25: {  	[simem:s6], [sflag:s4] =	dma.local [hbm:s3], $0xF7A  }
0x26: {  	[smem:$0x3F9F] =	sst s1;
	(tag) =	ssettag s2;
	_ =	strace s9  }
0x27: {  	s1 =	sld [smem:$0x3FAF]  }
0x28: {  	s2 =	sld [smem:$0x3FB0]  }
0x29: {  	s4 =	sld [smem:$0x3FB2]  }
0x2a: {  	p0 =	seq.s32 s5, $0x0;
	s5 =	sld [smem:$0x3FB3]  }
0x2b: {  	s6 =	sld [smem:$0x3FB4]  }
0x2c: {  	s7 =	sld [smem:$0x3FB5]  }
0x2d: {  	s3 =	simm.s32 $0x108;
	s8 =	sld [smem:$0x3FB6]  }
0x2e: {  	s3 =	simm.s32 @!p0 $0x1082;
	s9 =	sld [smem:$0x3FB7]  }
0x2f: {  	lr =	sadd.s32 s0, s3;
	s0 =	sld [smem:$0x3FAE]  }
0x30: {  	s3 =	sld [smem:$0x3FB1]  }
0x31: {  	[smem:$0x3FBA] =	sst s10  }
0x32: {  	s10 =	sld [smem:$0x3FB8];
	_ =	sdelay $0x3  }
0x33: {  	p0 =	seq.s32 s10, $0x1;
	s10 =	sld [smem:$0x3FBA];
	_ =	sdelay $0x3  }
0x34: {  	[smem:$0x3FBA] =	sst s10  }
0x35: {  	s10 =	sld [smem:$0x3FB9];
	_ =	sdelay $0x3  }
0x36: {  	p1 =	seq.s32 s10, $0x1;
	s10 =	sld [smem:$0x3FBA];
	_ =	sdelay $0x3  }
0x37: {  	[smem:$0x3FBA] =	sst s10  }
0x38: {  	s10 =	sld [smem:$0x3FBB]  }
0x39: {  	_ = 	snop;
	(pc) =	sbr.ind lr, $3  }
0x3a: {  	_ = 	snop  }
0x3b: {  	_ = 	snop  }
0x3c: {  	p2 =	seq.s32 s10, $0x1;
	s10 =	sld [smem:$0x3FBA]  }
0x3d: {  	_ =	shalt  }
0x3e: {  	_ =	shalt  }
0x3f: {  	_ =	shalt  }
0x40: {  	_ =	shalt  }
0x41: {  	_ =	shalt  }
0x42: {  	_ =	shalt  }
0x43: {  	_ =	shalt  }
0x44: {  	_ =	shalt  }
0x45: {  	_ =	shalt  }
0x46: {  	_ =	shalt  }
0x47: {  	_ =	shalt  }
0x48: {  	_ =	shalt  }
0x49: {  	_ =	shalt  }
0x4a: {  	_ =	shalt  }
0x4b: {  	_ =	shalt  }
0x4c: {  	_ =	shalt  }
0x4d: {  	_ =	shalt  }
0x4e: {  	_ =	shalt  }
0x4f: {  	_ =	shalt  }
0x50: {  	_ =	shalt  }
0x51: {  	_ =	shalt  }
0x52: {  	_ =	shalt  }
0x53: {  	_ =	shalt  }
0x54: {  	_ =	shalt  }
0x55: {  	_ =	shalt  }
0x56: {  	_ =	shalt  }
0x57: {  	_ =	shalt  }
0x58: {  	_ =	shalt  }
0x59: {  	_ =	shalt  }
0x5a: {  	_ =	shalt  }
0x5b: {  	_ =	shalt  }
0x5c: {  	_ =	shalt  }
0x5d: {  	_ =	shalt  }
0x5e: {  	_ =	shalt  }
0x5f: {  	_ =	shalt  }
0x60: {  	_ =	shalt  }
0x61: {  	_ =	shalt  }
0x62: {  	_ =	shalt  }
0x63: {  	_ =	shalt  }
0x64: {  	_ =	shalt  }
0x65: {  	_ =	shalt  }
0x66: {  	_ =	shalt  }
0x67: {  	_ =	shalt  }
0x68: {  	_ =	shalt  }
0x69: {  	_ =	shalt  }
0x6a: {  	_ =	shalt  }
0x6b: {  	_ =	shalt  }
0x6c: {  	_ =	shalt  }
0x6d: {  	_ =	shalt  }
0x6e: {  	_ =	shalt  }
0x6f: {  	_ =	shalt  }
0x70: {  	_ =	shalt  }
0x71: {  	_ =	shalt  }
0x72: {  	_ =	shalt  }
0x73: {  	_ =	shalt  }
0x74: {  	_ =	shalt  }
0x75: {  	_ =	shalt  }
0x76: {  	_ =	shalt  }
0x77: {  	_ =	shalt  }
0x78: {  	_ =	shalt  }
0x79: {  	_ =	shalt  }
0x7a: {  	_ =	shalt  }
0x7b: {  	_ =	shalt  }
0x7c: {  	_ =	shalt  }
0x7d: {  	_ =	shalt  }
0x7e: {  	_ =	shalt  }
0x7f: {  	_ =	shalt  }
0x80: {  	_ =	shalt  }
0x81: {  	_ =	shalt  }
0x82: {  	_ =	shalt  }
0x83: {  	_ =	shalt  }
0x84: {  	_ =	shalt  }
0x85: {  	_ =	shalt  }
0x86: {  	_ =	shalt  }
0x87: {  	_ =	shalt  }
.Lfunc_end0:
.L_simem_size_0:
called_computation_lowered:
.L_overlay_start_0:
0x88: {  	s2 =	sld [smem:$0x3FD9]  }
0x89: {  	s3 =	sld [smem:$0x3FFE];
	_ =	sdelay $0x1  }
0x8a: {  	s1 =	srdreg.scid  }
0x8b: {  	s0 =	sand.u32 $0x1, s1  }
0x8c: {  	s14 =	sshll.u32 s0, $0xA;
	s2 =	sadd.s32 s3, s2  }
0x8d: {  	s2 =	sadd.s32 s2, s14  }
0x8e: {  	[smem:$0x3FC6] =	sst s2  }
0x8f: {  	_ = 	snop  }
0x90: {  	s2 =	sld [smem:$0x3FD0];
	_ =	sdelay $0x2  }
0x91: {  	s15 =	simm.s32 $0xA;
	s4 =	simm.s32 $0x10  }
0x92: {  	[smem:s4], [sflag:s15] =	dma.local [hbm:s2], $0x1  }
0x93: {  	_ =	swait.eq [sflag:s15], $0x1  }
0x94: {  	[sflag:s15] =	ssyncset.done $0x0  }
0x95: {  	s16 =	sld [smem:$0x10];
	[sflag:s15] =	ssyncadd.s32 $0xFFFFFFFF  }
0x96: {  	s17 =	sld [smem:$0x11];
	(tm) =	ssettm $0x1  }
0x97: {  	s18 =	sld [smem:$0x3FFB];
	_ =	sdelay $0x3  }
0x98: {  	_ =	strace s18  }
0x99: {  	s4 =	sld [smem:$0x3FFC];
	_ =	sdelay $0x3  }
0x9a: {  	_ =	strace s4  }
0x9b: {  	s4 =	sld [smem:$0x3FFD];
	_ =	sdelay $0x3  }
0x9c: {  	_ =	strace s4  }
0x9d: {  	_ =	strace $0x8FFFFFFF  }
0x9e: {  	s19 =	sld [smem:$0x3FDB];
	_ =	sdelay $0x1  }
0x9f: {  	s5 =	simm.s32 $_scs_section_size  }
0xa0: {  	s6 =	simm.s32 $_size__tile_overlayer_lowered;
	s7 =	simm.s32 $_tile_overlayer_lowered  }
0xa1: {  	s22 =	simm.s32 $0x1BFF;
	s21 =	sshll.u32 s7, $0x1;
	s4 =	sadd.s32 s5, s19  }
0xa2: {  	s8 =	simm.s32 $0x0;
	s20 =	sshll.u32 s6, $0x1;
	s6 =	sadd.s32 s21, s4  }
0xa3: {  	[timem:s8], [sflag:s22] =	dma.local [hbm:s6], s20  }
0xa4: {  	_ =	swait.ge [sflag:s22], s20  }
0xa5: {  	s5 =	ssub.s32 $0x0, s20;
	[sflag:s22] =	ssyncset.done $0x0  }
0xa6: {  	[sflag:s22] =	ssyncadd.s32 s5;
	_ =	sdelay $0x1  }
0xa7: {  	s23 =	simm.s32 $0x1B8B  }
0xa8: {  	_ =	swait.ge [sflag:s23], $0x1  }
0xa9: {  	[sflag:s23] =	ssyncset.done $0x0  }
0xaa: {  	s25 =	simm.s32 $0x1B8E;
	s24 =	sld [smem:$0x3FFE];
	[sflag:s23] =	ssyncadd.s32 $0xFFFFFFFF  }
0xab: {  	s26 =	simm.s32 $execute0_lowered;
	[smem:$0x3FD2] =	sst s25  }
0xac: {  	s6 =	sshll.u32 s26, $0x1;
	_ =	strace $0x80000046;
	[dreg:$0x1] =	wrdreg $0xFFFFFFFF  }
0xad: {  	s28 =	simm.s32 $_size_execute0_lowered;
	s4 =	sadd.s32 s4, s6;
	[dreg:$0x0] =	wrdreg $0x0  }
0xae: {  	s6 =	sshll.u32 s28, $0x1;
	[dreg:$0x2] =	wrdreg s4  }
0xaf: {  	[dreg:$0x3] =	wrdreg s6  }
0xb0: {  	[dreg:$0x4] =	wrdreg $0xC0  }
0xb1: {  	_ =	task [dreg:s8], $0x5FFFF  }
0xb2: {  	[dreg:$0x1] =	wrdreg $0xFFFFFFFF  }
0xb3: {  	[dreg:$0x0] =	wrdreg $0x60  }
0xb4: {  	[dreg:$0x2] =	wrdreg s16  }
0xb5: {  	[dreg:$0x3] =	wrdreg s24  }
0xb6: {  	[dreg:$0x4] =	wrdreg s17  }
0xb7: {  	[dreg:$0x5] =	wrdreg $0x105000  }
0xb8: {  	[dreg:$0x6] =	wrdreg $0x1A1400  }
0xb9: {  	[dreg:$0x7] =	wrdreg $0x9  }
0xba: {  	_ =	task.clear_ibuf [dreg:s8], $0x8FFFF;
	_ =	strace $0x90000046  }
0xbb: {  	s29 =	simm.s32 $0x9;
	_ =	strace $0x80000048  }
0xbc: {  	_ =	swait.ge [sflag:s29], $0x1  }
0xbd: {  	[sflag:s29] =	ssyncadd.s32 $0xFFFFFFFF  }
0xbe: {  	_ =	strace $0x90000048  }
0xbf: {  	_ =	sfence  }
0xc0: {  	s30 =	sld [smem:$0x0];
	_ =	sdelay $0x2  }
0xc1: {  	s31 =	sshll.u32 s1, $0xD;
	s1 =	sshrl.u32 s1, $0x2  }
0xc2: {  	s3 =	sand.u32 $0x4000, s31;
	s1 =	sadd.s32 s1, s30  }
0xc3: {  	s0 =	sor.u32 s3, s0;
	s1 =	sshll.u32 s1, $0x11  }
0xc4: {  	s0 =	sor.u32 s1, s0  }
0xc5: {  	s0 =	sadd.s32 $0x8F2B, s0  }
0xc6: {  	[sflag:s0] =	ssyncadd.remote.s32 $0x1  }
0xc7: {  	_ =	sfence.sel $0xFFFF  }
0xc8: {  	[dreg:$0x0] =	wrdreg $0xFFFFFFFF;
	(pc) =	sbr.abs _section_cstart, $3  }
0xc9: {  	[dreg:$0x1] =	wrdreg $0xFFFFFFFF  }
0xca: {  	_ =	task.clear_ibuf [dreg:s8], $0x2FFFF;
	_ =	strace $0x9FFFFFFF  }
0xcb: {  	(tm) =	ssettm $0x7FFFFFFF  }
tec
execute0_lowered:
.L_overlay_start_1:
0x0: {  	(tag) =	ssettag $0x1  }
0x1: {  	s1 =	rddreg [dreg:$0x0]  }
0x2: {  	s0 =	rddreg [dreg:$0x1]  }
0x3: {  	s7 =	rddreg [dreg:$0x2]  }
0x4: {  	s3 =	rddreg [dreg:$0x3];
	s19 =	stileid.u32  }
0x5: {  	s5 =	rddreg [dreg:$0x4];
	s4 =	smul.u32 $0x2710, s19  }
0x6: {  	s2 =	simm.s32 $0x0;
	s26 =	srdreg.scid;
	s6 =	smul.u32 $0x280, s19  }
0x7: {  	[smem:$0x7FF] =	sst s2;
	s9 =	smul.u32 $0x28000, s19  }
0x8: {  	s2 =	sand.u32 $0x1, s26;
	s21 =	sadd.s32 $0xA800, s0;
	s17 =	smul.u32 $0x14000, s19  }
0x9: {  	p0 =	seq.s32 s19, $0xF;
	_ =	strace $0x80000047;
	s8 =	ssub.s32 $0x2, s2  }
0xa: {  	[dreg:$0x6] =	wrdreg s21;
	s4 =	sshrl.u32 s4, $0x3;
	s11 =	sshrl.u32 s9, $0x2  }
0xb: {  	s9 =	sadd.s32 $0xA0, s6;
	s24 =	sadd.s32 $0x230, s6;
	s30 =	sadd.s32 s6, s5  }
0xc: {  	s10 =	sadd.s32 s4, s0;
	s4 =	sshrl.u32 s8, $0x1;
	s19 =	sadd.s32 s24, s5  }
0xd: {  	s18 =	sshll.u32 s24, $0x6;
	s24 =	simm.s32 @p0 $0x27B0;
	[smem:$0x7D4] =	sst s19  }
0xe: {  	s22 =	sadd.s32 s11, s3;
	s13 =	sshll.u32 s9, $0x6;
	[dreg:$0x1c] =	wrdreg s24  }
0xf: {  	s11 =	sadd.s32 $0xF0, s6;
	s18 =	sadd.s32 s18, s3;
	[dreg:$0x7] =	wrdreg s22  }
0x10: {  	s0 =	ssub.s32 s8, s4;
	s23 =	sadd.s32 $0xA00, s10;
	[dreg:$0xe] =	wrdreg s18  }
0x11: {  	s8 =	sor.u32 $0x50, s6;
	s10 =	sadd.s32 $0x5820, s10;
	[dreg:$0xf] =	wrdreg s23  }
0x12: {  	s14 =	sshll.u32 s11, $0x6;
	s19 =	sadd.s32 $0x3400, s22;
	[dreg:$0x10] =	wrdreg s10  }
0x13: {  	s12 =	sshll.u32 s8, $0x6;
	s0 =	smax.u32 s0, $0x1;
	[smem:$0x7E7] =	sst s19  }
0x14: {  	s26 =	sshll.u32 s8, $0x7;
	s4 =	sadd.s32 s12, s3;
	[smem:$0x7D5] =	sst s0  }
0x15: {  	s12 =	sadd.s32 $0x140, s6;
	[dreg:$0x8] =	wrdreg s4;
	s4 =	sadd.s32 s13, s3  }
0x16: {  	s13 =	sshll.u32 s12, $0x6;
	[dreg:$0x9] =	wrdreg s4;
	s4 =	sadd.s32 s14, s3  }
0x17: {  	s19 =	sadd.s32 $0x8800, s22;
	s13 =	sadd.s32 s13, s3;
	[dreg:$0xa] =	wrdreg s4  }
0x18: {  	s4 =	sadd.s32 $0x190, s6;
	[dreg:$0xb] =	wrdreg s13;
	s13 =	smul.u32 $0x138800, s2  }
0x19: {  	[smem:$0x7F8] =	sst s19;
	s14 =	sadd.s32 $0x1E0, s6;
	s16 =	sshll.u32 s4, $0x6  }
0x1a: {  	s15 =	sshll.u32 s14, $0x6;
	s16 =	sadd.s32 s16, s3;
	[dreg:$0x12] =	wrdreg s13  }
0x1b: {  	s20 =	sadd.s32 s17, s13;
	[dreg:$0xc] =	wrdreg s16;
	s16 =	sadd.s32 s15, s3  }
0x1c: {  	s23 =	sadd.s32 s8, s5;
	[dreg:$0xd] =	wrdreg s16;
	s16 =	sshrl.u32 s20, $0x4  }
0x1d: {  	s15 =	sadd.s32 s13, s26;
	s20 =	smul.u32 $0x2800, s2;
	s25 =	sadd.s32 s21, s16  }
0x1e: {  	s10 =	sshrl.u32 s26, $0x1;
	s16 =	sshrl.u32 s15, $0x4;
	[dreg:$0x11] =	wrdreg s25  }
0x1f: {  	s6 =	sadd.s32 s6, s20;
	s16 =	sadd.s32 s21, s16;
	s18 =	sadd.s32 s20, s8  }
0x20: {  	s25 =	sshll.u32 s9, $0x7;
	s8 =	sshll.u32 s11, $0x7;
	[dreg:$0x15] =	wrdreg s20  }
0x21: {  	s6 =	sshrl.u32 s6, $0x3;
	[dreg:$0x14] =	wrdreg s16;
	s26 =	sadd.s32 s13, s25  }
0x22: {  	s16 =	sshrl.u32 s25, $0x1;
	s25 =	sadd.s32 s13, s8;
	s6 =	sadd.s32 s7, s6  }
0x23: {  	s15 =	sshrl.u32 s26, $0x4;
	s26 =	sadd.s32 s9, s5;
	s9 =	sadd.s32 s20, s9  }
0x24: {  	[dreg:$0x13] =	wrdreg s6;
	s6 =	sshrl.u32 s18, $0x3;
	s18 =	sadd.s32 s10, s3  }
0x25: {  	s9 =	sshrl.u32 s9, $0x3;
	[dreg:$0x18] =	wrdreg s26;
	s6 =	sadd.s32 s7, s6  }
0x26: {  	s10 =	sshrl.u32 s25, $0x4;
	s9 =	sadd.s32 s7, s9;
	[dreg:$0x16] =	wrdreg s6  }
0x27: {  	s10 =	sadd.s32 s21, s10;
	[dreg:$0x1a] =	wrdreg s9  }
0x28: {  	s24 =	sshrl.u32 s18, $0x3;
	[dreg:$0x1b] =	wrdreg s10  }
0x29: {  	s18 =	sadd.s32 $0x3000, s22;
	[smem:$0x7D8] =	sst s24  }
0x2a: {  	s6 =	sadd.s32 s21, s15;
	s9 =	sshll.u32 s12, $0x7;
	[smem:$0x7E6] =	sst s18  }
0x2b: {  	s15 =	sadd.s32 s11, s5;
	s24 =	sadd.s32 $0x4400, s22;
	[dreg:$0x17] =	wrdreg s6  }
0x2c: {  	s18 =	sadd.s32 $0x8400, s22;
	s6 =	sadd.s32 s16, s3;
	[smem:$0x7D1] =	sst s15  }
0x2d: {  	s16 =	sadd.s32 s20, s11;
	s25 =	sadd.s32 s13, s9;
	[smem:$0x7EA] =	sst s24  }
0x2e: {  	[smem:$0x7F7] =	sst s18;
	s24 =	sadd.s32 $0x9800, s22;
	s10 =	sshrl.u32 s16, $0x3  }
0x2f: {  	s11 =	sshrl.u32 s25, $0x4;
	[smem:$0x7FB] =	sst s24;
	s10 =	sadd.s32 s7, s10  }
0x30: {  	s16 =	sadd.s32 s20, s12;
	s15 =	sadd.s32 s21, s11;
	[dreg:$0x1d] =	wrdreg s10  }
0x31: {  	s11 =	sshrl.u32 s16, $0x3;
	s16 =	sadd.s32 $0x2400, s22;
	[dreg:$0x1e] =	wrdreg s15  }
0x32: {  	s15 =	sadd.s32 s12, s5;
	s12 =	sshll.u32 s4, $0x7;
	s10 =	sadd.s32 s4, s5  }
0x33: {  	s4 =	sadd.s32 s20, s4;
	s20 =	sadd.s32 s14, s5;
	[smem:$0x7E4] =	sst s16  }
0x34: {  	s14 =	simm.s32 @p0 $0x2760;
	[smem:$0x7D6] =	sst s20  }
0x35: {  	s16 =	sadd.s32 $0x7C00, s22;
	[dreg:$0x19] =	wrdreg s14  }
0x36: {  	[smem:$0x7F5] =	sst s16  }
0x37: {  	s25 =	sadd.s32 s13, s12;
	s13 =	sadd.s32 s7, s11;
	[smem:$0x7FD] =	sst s10  }
0x38: {  	s14 =	sadd.s32 $0x2000, s22;
	[dreg:$0x1f] =	wrdreg s13  }
0x39: {  	s4 =	sshrl.u32 s4, $0x3;
	s20 =	sadd.s32 $0x3800, s22;
	[smem:$0x7E3] =	sst s14  }
0x3a: {  	s4 =	sadd.s32 s7, s4;
	[smem:$0x7E8] =	sst s20  }
0x3b: {  	s17 =	sshrl.u32 s17, $0x1;
	s7 =	sadd.s32 $0x400, s22;
	[smem:$0x7D3] =	sst s4  }
0x3c: {  	s13 =	sshrl.u32 s12, $0x1;
	s12 =	sadd.s32 $0x1800, s22;
	[smem:$0x7DD] =	sst s7  }
0x3d: {  	s17 =	sadd.s32 s17, s3;
	s14 =	sadd.s32 $0x7400, s22;
	[smem:$0x7E1] =	sst s12  }
0x3e: {  	s25 =	sshrl.u32 s25, $0x4;
	s20 =	sadd.s32 $0x9000, s22;
	[smem:$0x7F4] =	sst s14  }
0x3f: {  	s8 =	sshrl.u32 s8, $0x1;
	s11 =	sadd.s32 s21, s25;
	[smem:$0x7F9] =	sst s20  }
0x40: {  	s8 =	sadd.s32 s8, s3;
	s21 =	sshrl.u32 s17, $0x3;
	[smem:$0x7D2] =	sst s11  }
0x41: {  	s9 =	sshrl.u32 s9, $0x1;
	s25 =	sshrl.u32 s6, $0x3;
	[smem:$0x7D7] =	sst s21  }
0x42: {  	s9 =	sadd.s32 s9, s3;
	s4 =	sshrl.u32 s8, $0x3;
	[smem:$0x7D9] =	sst s25  }
0x43: {  	s6 =	sshrl.u32 s9, $0x3;
	[smem:$0x7DA] =	sst s4  }
0x44: {  	s8 =	sadd.s32 $0x800, s22;
	[smem:$0x7DB] =	sst s6  }
0x45: {  	s9 =	sadd.s32 $0xC00, s22;
	[smem:$0x7DE] =	sst s8  }
0x46: {  	s17 =	sadd.s32 $0x2C00, s22;
	[smem:$0x7DF] =	sst s9  }
0x47: {  	s7 =	sadd.s32 $0x5800, s22;
	[smem:$0x7E5] =	sst s17  }
0x48: {  	s28 =	simm.s32 $0x3;
	s12 =	sadd.s32 $0x6C00, s22;
	[smem:$0x7EE] =	sst s7  }
0x49: {  	s11 =	sadd.s32 s13, s3;
	s13 =	sadd.s32 $0x1C00, s22;
	[smem:$0x7F2] =	sst s12  }
0x4a: {  	s29 =	simm.s32 $0x4;
	s21 =	sadd.s32 $0x4000, s22;
	[smem:$0x7E2] =	sst s13  }
0x4b: {  	p1 =	seq.s32 s2, $0x0;
	s25 =	sadd.s32 $0x4800, s22;
	[smem:$0x7E9] =	sst s21  }
0x4c: {  	s31 =	sor.u32 $0x3E, s2;
	s4 =	sadd.s32 $0x4C00, s22;
	[smem:$0x7EB] =	sst s25  }
0x4d: {  	s19 =	simm.s32 $0xC440;
	s6 =	sadd.s32 $0x5400, s22;
	[smem:$0x7EC] =	sst s4  }
0x4e: {  	v0 =	vmov s2;
	s2 =	simm.s32 $0x5;
	s8 =	sadd.s32 $0x5C00, s22;
	[smem:$0x7ED] =	sst s6  }
0x4f: {  	s18 =	simm.s32 $0xB040;
	s9 =	sadd.s32 $0x6000, s22;
	[smem:$0x7EF] =	sst s8  }
0x50: {  	s24 =	simm.s32 $0x1;
	s17 =	sadd.s32 $0x8000, s22;
	[smem:$0x7F0] =	sst s9  }
0x51: {  	s16 =	simm.s32 $0x50;
	s0 =	sshrl.u32 @!p0 s11, $0x3;
	[smem:$0x7F6] =	sst s17  }
0x52: {  	s11 =	sadd.s32 $0x1000, s22;
	s13 =	sadd.s32 $0x7000, s22;
	[smem:$0x7DC] =	sst s0  }
0x53: {  	s21 =	sadd.s32 $0x9400, s22;
	s25 =	sadd.s32 $0x9C00, s22;
	[smem:$0x7E0] =	sst s11  }
0x54: {  	s9 =	simm.s32 $0x7;
	s17 =	simm.s32 $0x9C40;
	[smem:$0x7F3] =	sst s13  }
0x55: {  	s4 =	simm.s32 $0x0;
	s11 =	sadd.s32 $0x6800, s22;
	[smem:$0x7FA] =	sst s21  }
0x56: {  	[smem:$0x7FC] =	sst s25;
	s21 =	simm.s32 $0xD840;
	s22 =	simm.s32 $0xEC40  }
0x57: {  	v1 =	vimm.bf16 $0.0e+00;
	v2 =	vimm.f32 $1.000000000e+00;
	v3 =	vimm.f32 $0.0e+00;
	s25 =	simm.s32 $0x2;
	[smem:$0x7F1] =	sst s11;
	s11 =	simm.s32 $0x8  }
.LBB2_1:
0x58: {  	[tilespmem:$0x100B0] =	vst v1  }
0x59: {  	[tilespmem:$0x100C0] =	vst v1  }
0x5a: {  	[tilespmem:$0x100D0] =	vst v1  }
0x5b: {  	[tilespmem:$0x100E0] =	vst v1  }
0x5c: {  	[tilespmem:$0x100F0] =	vst v1  }
0x5d: {  	[tilespmem:$0x10100] =	vst v1  }
0x5e: {  	[tilespmem:$0x10110] =	vst v1  }
0x5f: {  	[tilespmem:$0x10120] =	vst v1  }
0x60: {  	[tilespmem:$0x10130] =	vst v1  }
0x61: {  	[tilespmem:$0x10140] =	vst v1  }
0x62: {  	[tilespmem:$0x10150] =	vst v1  }
0x63: {  	[tilespmem:$0x10160] =	vst v1  }
0x64: {  	[tilespmem:$0x10170] =	vst v1  }
0x65: {  	[tilespmem:$0x10180] =	vst v1  }
0x66: {  	[tilespmem:$0x10190] =	vst v1  }
0x67: {  	[tilespmem:$0x101A0] =	vst v1  }
0x68: {  	[tilespmem:$0x101B0] =	vst v1  }
0x69: {  	[tilespmem:$0x101C0] =	vst v1  }
0x6a: {  	[tilespmem:$0x101D0] =	vst v1  }
0x6b: {  	[tilespmem:$0x101E0] =	vst v1  }
0x6c: {  	[tilespmem:$0x101F0] =	vst v1  }
0x6d: {  	[tilespmem:$0x10200] =	vst v1  }
0x6e: {  	[tilespmem:$0x10210] =	vst v1  }
0x6f: {  	[tilespmem:$0x10220] =	vst v1  }
0x70: {  	[tilespmem:$0x10230] =	vst v1  }
0x71: {  	[tilespmem:$0x10240] =	vst v1  }
0x72: {  	[tilespmem:$0x10250] =	vst v1  }
0x73: {  	[tilespmem:$0x10260] =	vst v1  }
0x74: {  	[tilespmem:$0x10270] =	vst v1  }
0x75: {  	[tilespmem:$0x10280] =	vst v1  }
0x76: {  	[tilespmem:$0x10290] =	vst v1  }
0x77: {  	[tilespmem:$0x102A0] =	vst v1  }
0x78: {  	[tilespmem:$0x102B0] =	vst v1  }
0x79: {  	[tilespmem:$0x102C0] =	vst v1  }
0x7a: {  	[tilespmem:$0x102D0] =	vst v1  }
0x7b: {  	[tilespmem:$0x102E0] =	vst v1  }
0x7c: {  	[tilespmem:$0x102F0] =	vst v1  }
0x7d: {  	[tilespmem:$0x10300] =	vst v1  }
0x7e: {  	[tilespmem:$0x10310] =	vst v1  }
0x7f: {  	[tilespmem:$0x10320] =	vst v1  }
0x80: {  	[tilespmem:$0x10330] =	vst v1  }
0x81: {  	[tilespmem:$0x10340] =	vst v1  }
0x82: {  	[tilespmem:$0x10350] =	vst v1  }
0x83: {  	[tilespmem:$0x10360] =	vst v1  }
0x84: {  	[tilespmem:$0x10370] =	vst v1  }
0x85: {  	[tilespmem:$0x10380] =	vst v1  }
0x86: {  	[tilespmem:$0x10390] =	vst v1  }
0x87: {  	[tilespmem:$0x103A0] =	vst v1  }
0x88: {  	[tilespmem:$0x103B0] =	vst v1  }
0x89: {  	[tilespmem:$0x103C0] =	vst v1  }
0x8a: {  	[tilespmem:$0x103D0] =	vst v1  }
0x8b: {  	[tilespmem:$0x103E0] =	vst v1  }
0x8c: {  	[tilespmem:$0x103F0] =	vst v1  }
0x8d: {  	[tilespmem:$0x10400] =	vst v1  }
0x8e: {  	[tilespmem:$0x10410] =	vst v1  }
0x8f: {  	[tilespmem:$0x10420] =	vst v1  }
0x90: {  	[tilespmem:$0x10430] =	vst v1  }
0x91: {  	[tilespmem:$0x10440] =	vst v1  }
0x92: {  	[tilespmem:$0x10450] =	vst v1  }
0x93: {  	[tilespmem:$0x10460] =	vst v1  }
0x94: {  	[tilespmem:$0x10470] =	vst v1  }
0x95: {  	[tilespmem:$0x10480] =	vst v1  }
0x96: {  	[tilespmem:$0x10490] =	vst v1  }
0x97: {  	[tilespmem:$0x104A0] =	vst v1  }
0x98: {  	[tilespmem:$0x10040] =	vst v2  }
0x99: {  	[tilespmem:$0x10050] =	vst v2  }
0x9a: {  	[tilespmem:$0x10060] =	vst v2  }
0x9b: {  	[tilespmem:$0x10070] =	vst v2  }
0x9c: {  	[tilespmem:$0x10080] =	vst v2  }
0x9d: {  	[tilespmem:$0x10090] =	vst v2  }
0x9e: {  	[tilespmem:$0x100A0] =	vst v2  }
0x9f: {  	[tilespmem:$0x104B0] =	vst v3  }
0xa0: {  	[tilespmem:$0x104C0] =	vst v3  }
0xa1: {  	[tilespmem:$0x104D0] =	vst v3  }
0xa2: {  	[tilespmem:$0x104E0] =	vst v3  }
0xa3: {  	[tilespmem:$0x104F0] =	vst v3;
	s0 =	rddreg [dreg:$0x7];
	s7 =	simm.s32 $0x100B0  }
0xa4: {  	[spmem:s0] =	stream.linear.scatter [tilespmem:s7], [sflag:$0x7], $0x400, $0x38;
	[tilespmem:$0x1A3B8] =	vst v63  }
0xa5: {  	s0 =	sld [smem:$0x7DD]  }
0xa6: {  	[smem:$0x7D0] =	sst s4  }
0xa7: {  	s4 =	sld [smem:$0x7DE]  }
0xa8: {  	[spmem:s0] =	stream.linear.scatter [tilespmem:s7], [sflag:$0x7], $0x400, $0x38;
	[tilespmem:$0x1A3B8] =	vst v63  }
0xa9: {  	s6 =	sld [smem:$0x7DF]  }
0xaa: {  	[spmem:s4] =	stream.linear.scatter [tilespmem:s7], [sflag:$0x7], $0x400, $0x38;
	[tilespmem:$0x1A3B8] =	vst v63  }
0xab: {  	s8 =	sld [smem:$0x7E0]  }
0xac: {  	[spmem:s6] =	stream.linear.scatter [tilespmem:s7], [sflag:$0x7], $0x400, $0x38;
	[tilespmem:$0x1A3B8] =	vst v63  }
0xad: {  	_ = 	snop  }
0xae: {  	[spmem:s8] =	stream.linear.scatter [tilespmem:s7], [sflag:$0x7], $0x400, $0x38;
	[tilespmem:$0x1A3B8] =	vst v63  }
0xaf: {  	s12 =	rddreg [dreg:$0x8];
	s6 =	simm.s32 $0x104B0  }
0xb0: {  	[spmem:s30] =	stream.linear.scatter [tilespmem:s6], [sflag:$0x7], $0x50, $0x38;
	[tilespmem:$0x1A3B8] =	vst v63  }
0xb1: {  	s14 =	sld [smem:$0x7E1]  }
0xb2: {  	[spmem:s12] =	stream.linear.scatter [tilespmem:s7], [sflag:$0x7], $0x400, $0x38;
	[tilespmem:$0x1A3B8] =	vst v63  }
0xb3: {  	s20 =	sld [smem:$0x7E2]  }
0xb4: {  	[spmem:s14] =	stream.linear.scatter [tilespmem:s7], [sflag:$0x7], $0x400, $0x38;
	[tilespmem:$0x1A3B8] =	vst v63  }
0xb5: {  	s13 =	smov.u32 s30;
	s30 =	sld [smem:$0x7E3]  }
0xb6: {  	[spmem:s20] =	stream.linear.scatter [tilespmem:s7], [sflag:$0x7], $0x400, $0x38;
	[tilespmem:$0x1A3B8] =	vst v63  }
0xb7: {  	s4 =	sld [smem:$0x7E4]  }
0xb8: {  	[spmem:s30] =	stream.linear.scatter [tilespmem:s7], [sflag:$0x7], $0x400, $0x38;
	[tilespmem:$0x1A3B8] =	vst v63  }
0xb9: {  	_ = 	snop  }
0xba: {  	[spmem:s4] =	stream.linear.scatter [tilespmem:s7], [sflag:$0x7], $0x400, $0x38;
	[tilespmem:$0x1A3B8] =	vst v63  }
0xbb: {  	s8 =	rddreg [dreg:$0x9]  }
0xbc: {  	[spmem:s23] =	stream.linear.scatter [tilespmem:s6], [sflag:$0x7], $0x50, $0x38;
	[tilespmem:$0x1A3B8] =	vst v63  }
0xbd: {  	s12 =	sld [smem:$0x7E5]  }
0xbe: {  	[spmem:s8] =	stream.linear.scatter [tilespmem:s7], [sflag:$0x7], $0x400, $0x38;
	[tilespmem:$0x1A3B8] =	vst v63  }
0xbf: {  	s14 =	sld [smem:$0x7E6]  }
0xc0: {  	[spmem:s12] =	stream.linear.scatter [tilespmem:s7], [sflag:$0x7], $0x400, $0x38;
	[tilespmem:$0x1A3B8] =	vst v63  }
0xc1: {  	s20 =	smov.u32 s23;
	s23 =	sld [smem:$0x7E7]  }
0xc2: {  	[spmem:s14] =	stream.linear.scatter [tilespmem:s7], [sflag:$0x7], $0x400, $0x38;
	[tilespmem:$0x1A3B8] =	vst v63  }
0xc3: {  	s30 =	sld [smem:$0x7E8]  }
0xc4: {  	[spmem:s23] =	stream.linear.scatter [tilespmem:s7], [sflag:$0x7], $0x400, $0x38;
	[tilespmem:$0x1A3B8] =	vst v63  }
0xc5: {  	_ = 	snop  }
0xc6: {  	[spmem:s30] =	stream.linear.scatter [tilespmem:s7], [sflag:$0x7], $0x400, $0x38;
	[tilespmem:$0x1A3B8] =	vst v63  }
0xc7: {  	s0 =	rddreg [dreg:$0xa]  }
0xc8: {  	[spmem:s26] =	stream.linear.scatter [tilespmem:s6], [sflag:$0x7], $0x50, $0x38;
	[tilespmem:$0x1A3B8] =	vst v63  }
0xc9: {  	s4 =	sld [smem:$0x7E9]  }
0xca: {  	[spmem:s0] =	stream.linear.scatter [tilespmem:s7], [sflag:$0x7], $0x400, $0x38;
	[tilespmem:$0x1A3B8] =	vst v63  }
0xcb: {  	s8 =	sld [smem:$0x7EA]  }
0xcc: {  	[spmem:s4] =	stream.linear.scatter [tilespmem:s7], [sflag:$0x7], $0x400, $0x38;
	[tilespmem:$0x1A3B8] =	vst v63  }
0xcd: {  	s12 =	sld [smem:$0x7EB]  }
0xce: {  	[spmem:s8] =	stream.linear.scatter [tilespmem:s7], [sflag:$0x7], $0x400, $0x38;
	[tilespmem:$0x1A3B8] =	vst v63  }
0xcf: {  	s14 =	sld [smem:$0x7EC]  }
0xd0: {  	[spmem:s12] =	stream.linear.scatter [tilespmem:s7], [sflag:$0x7], $0x400, $0x38;
	[tilespmem:$0x1A3B8] =	vst v63  }
0xd1: {  	s8 =	sld [smem:$0x7D1]  }
0xd2: {  	[spmem:s14] =	stream.linear.scatter [tilespmem:s7], [sflag:$0x7], $0x400, $0x38;
	[tilespmem:$0x1A3B8] =	vst v63  }
0xd3: {  	s23 =	rddreg [dreg:$0xb]  }
0xd4: {  	[spmem:s8] =	stream.linear.scatter [tilespmem:s6], [sflag:$0x7], $0x50, $0x38;
	[tilespmem:$0x1A3B8] =	vst v63  }
0xd5: {  	s26 =	sld [smem:$0x7ED]  }
0xd6: {  	[spmem:s23] =	stream.linear.scatter [tilespmem:s7], [sflag:$0x7], $0x400, $0x38;
	[tilespmem:$0x1A3B8] =	vst v63  }
0xd7: {  	s30 =	sld [smem:$0x7EE]  }
0xd8: {  	[spmem:s26] =	stream.linear.scatter [tilespmem:s7], [sflag:$0x7], $0x400, $0x38;
	[tilespmem:$0x1A3B8] =	vst v63  }
0xd9: {  	s4 =	sld [smem:$0x7EF]  }
0xda: {  	[spmem:s30] =	stream.linear.scatter [tilespmem:s7], [sflag:$0x7], $0x400, $0x38;
	[tilespmem:$0x1A3B8] =	vst v63  }
0xdb: {  	s12 =	sld [smem:$0x7F0]  }
0xdc: {  	[spmem:s4] =	stream.linear.scatter [tilespmem:s7], [sflag:$0x7], $0x400, $0x38;
	[tilespmem:$0x1A3B8] =	vst v63  }
0xdd: {  	_ = 	snop  }
0xde: {  	[spmem:s12] =	stream.linear.scatter [tilespmem:s7], [sflag:$0x7], $0x400, $0x38;
	[tilespmem:$0x1A3B8] =	vst v63  }
0xdf: {  	s0 =	sld [smem:$0x7F1]  }
0xe0: {  	[spmem:s15] =	stream.linear.scatter [tilespmem:s6], [sflag:$0x7], $0x50, $0x38;
	[tilespmem:$0x1A3B8] =	vst v63  }
0xe1: {  	s4 =	simm.s32 @!p0 $0x100B0;
	s7 =	rddreg [dreg:$0xc]  }
0xe2: {  	[spmem:s7] =	stream.linear.scatter @!p0 [tilespmem:s4], [sflag:$0x7], $0x400, $0x38;
	[tilespmem:$0x1A3B8] =	vst v63  }
0xe3: {  	_ = 	snop  }
0xe4: {  	[spmem:s0] =	stream.linear.scatter @!p0 [tilespmem:s4], [sflag:$0x7], $0x400, $0x38;
	[tilespmem:$0x1A3B8] =	vst v63  }
0xe5: {  	s0 =	sld [smem:$0x7F2];
	_ =	sdelay $0x2  }
0xe6: {  	[spmem:s0] =	stream.linear.scatter @!p0 [tilespmem:s4], [sflag:$0x7], $0x400, $0x38;
	[tilespmem:$0x1A3B8] =	vst v63  }
0xe7: {  	s0 =	sld [smem:$0x7F3];
	_ =	sdelay $0x2  }
0xe8: {  	[spmem:s0] =	stream.linear.scatter @!p0 [tilespmem:s4], [sflag:$0x7], $0x400, $0x38;
	[tilespmem:$0x1A3B8] =	vst v63  }
0xe9: {  	s0 =	sld [smem:$0x7F4];
	_ =	sdelay $0x2  }
0xea: {  	[spmem:s0] =	stream.linear.scatter @!p0 [tilespmem:s4], [sflag:$0x7], $0x400, $0x38;
	[tilespmem:$0x1A3B8] =	vst v63  }
0xeb: {  	s23 =	simm.s32 @!p0 $0x104B0;
	s7 =	rddreg [dreg:$0xd]  }
0xec: {  	[spmem:s10] =	stream.linear.scatter @!p0 [tilespmem:s23], [sflag:$0x7], $0x50, $0x38;
	[tilespmem:$0x1A3B8] =	vst v63  }
0xed: {  	s0 =	sld [smem:$0x7F5]  }
0xee: {  	[spmem:s7] =	stream.linear.scatter @!p0 [tilespmem:s4], [sflag:$0x7], $0x400, $0x38;
	[tilespmem:$0x1A3B8] =	vst v63  }
0xef: {  	_ = 	snop  }
0xf0: {  	[spmem:s0] =	stream.linear.scatter @!p0 [tilespmem:s4], [sflag:$0x7], $0x400, $0x38;
	[tilespmem:$0x1A3B8] =	vst v63  }
0xf1: {  	s0 =	sld [smem:$0x7F6];
	_ =	sdelay $0x2  }
0xf2: {  	[spmem:s0] =	stream.linear.scatter @!p0 [tilespmem:s4], [sflag:$0x7], $0x400, $0x38;
	[tilespmem:$0x1A3B8] =	vst v63  }
0xf3: {  	s0 =	sld [smem:$0x7F7];
	_ =	sdelay $0x2  }
0xf4: {  	[spmem:s0] =	stream.linear.scatter @!p0 [tilespmem:s4], [sflag:$0x7], $0x400, $0x38;
	[tilespmem:$0x1A3B8] =	vst v63  }
0xf5: {  	s0 =	sld [smem:$0x7F8];
	_ =	sdelay $0x2  }
0xf6: {  	[spmem:s0] =	stream.linear.scatter @!p0 [tilespmem:s4], [sflag:$0x7], $0x400, $0x38;
	[tilespmem:$0x1A3B8] =	vst v63  }
0xf7: {  	s0 =	sld [smem:$0x7D6];
	_ =	sdelay $0x1  }
0xf8: {  	s7 =	rddreg [dreg:$0xe]  }
0xf9: {  	[spmem:s0] =	stream.linear.scatter @!p0 [tilespmem:s23], [sflag:$0x7], $0x50, $0x38;
	[tilespmem:$0x1A3B8] =	vst v63  }
0xfa: {  	s0 =	sld [smem:$0x7F9]  }
0xfb: {  	[spmem:s7] =	stream.linear.scatter @!p0 [tilespmem:s4], [sflag:$0x7], $0x400, $0x38;
	[tilespmem:$0x1A3B8] =	vst v63  }
0xfc: {  	_ = 	snop  }
0xfd: {  	[spmem:s0] =	stream.linear.scatter @!p0 [tilespmem:s4], [sflag:$0x7], $0x400, $0x38;
	[tilespmem:$0x1A3B8] =	vst v63  }
0xfe: {  	s0 =	sld [smem:$0x7FA];
	_ =	sdelay $0x2  }
0xff: {  	[spmem:s0] =	stream.linear.scatter @!p0 [tilespmem:s4], [sflag:$0x7], $0x400, $0x38;
	[tilespmem:$0x1A3B8] =	vst v63  }
0x100: {  	s0 =	sld [smem:$0x7FB];
	_ =	sdelay $0x2  }
0x101: {  	[spmem:s0] =	stream.linear.scatter @!p0 [tilespmem:s4], [sflag:$0x7], $0x400, $0x38;
	[tilespmem:$0x1A3B8] =	vst v63  }
0x102: {  	s0 =	sld [smem:$0x7FC];
	_ =	sdelay $0x2  }
0x103: {  	[spmem:s0] =	stream.linear.scatter @!p0 [tilespmem:s4], [sflag:$0x7], $0x400, $0x38;
	[tilespmem:$0x1A3B8] =	vst v63  }
0x104: {  	s0 =	sld [smem:$0x7D4];
	_ =	sdelay $0x2  }
0x105: {  	[spmem:s0] =	stream.linear.scatter @!p0 [tilespmem:s23], [sflag:$0x7], $0x50, $0x38;
	[tilespmem:$0x1A3B8] =	vst v63  }
0x106: {  	_ =	swait.ge [sflag:s9], $0x400  }
0x107: {  	[sflag:s9] =	ssyncset.done $0x0  }
0x108: {  	[sflag:s9] =	ssyncadd.s32 $0xFFFFFC00  }
0x109: {  	_ =	swait.ge [sflag:s9], $0x400  }
0x10a: {  	[sflag:s9] =	ssyncset.done $0x0  }
0x10b: {  	[sflag:s9] =	ssyncadd.s32 $0xFFFFFC00  }
0x10c: {  	_ =	swait.ge [sflag:s9], $0x400  }
0x10d: {  	[sflag:s9] =	ssyncset.done $0x0  }
0x10e: {  	[sflag:s9] =	ssyncadd.s32 $0xFFFFFC00  }
0x10f: {  	_ =	swait.ge [sflag:s9], $0x400  }
0x110: {  	[sflag:s9] =	ssyncset.done $0x0  }
0x111: {  	[sflag:s9] =	ssyncadd.s32 $0xFFFFFC00  }
0x112: {  	_ =	swait.ge [sflag:s9], $0x400  }
0x113: {  	[sflag:s9] =	ssyncset.done $0x0  }
0x114: {  	[sflag:s9] =	ssyncadd.s32 $0xFFFFFC00  }
0x115: {  	_ =	swait.ge [sflag:s9], $0x50  }
0x116: {  	[sflag:s9] =	ssyncset.done $0x0  }
0x117: {  	[sflag:s9] =	ssyncadd.s32 $0xFFFFFFB0  }
0x118: {  	_ =	swait.ge [sflag:s9], $0x400  }
0x119: {  	[sflag:s9] =	ssyncset.done $0x0  }
0x11a: {  	[sflag:s9] =	ssyncadd.s32 $0xFFFFFC00  }
0x11b: {  	_ =	swait.ge [sflag:s9], $0x400  }
0x11c: {  	[sflag:s9] =	ssyncset.done $0x0  }
0x11d: {  	[sflag:s9] =	ssyncadd.s32 $0xFFFFFC00  }
0x11e: {  	_ =	swait.ge [sflag:s9], $0x400  }
0x11f: {  	[sflag:s9] =	ssyncset.done $0x0  }
0x120: {  	[sflag:s9] =	ssyncadd.s32 $0xFFFFFC00  }
0x121: {  	_ =	swait.ge [sflag:s9], $0x400  }
0x122: {  	[sflag:s9] =	ssyncset.done $0x0  }
0x123: {  	[sflag:s9] =	ssyncadd.s32 $0xFFFFFC00  }
0x124: {  	_ =	swait.ge [sflag:s9], $0x400  }
0x125: {  	[sflag:s9] =	ssyncset.done $0x0  }
0x126: {  	[sflag:s9] =	ssyncadd.s32 $0xFFFFFC00  }
0x127: {  	_ =	swait.ge [sflag:s9], $0x50  }
0x128: {  	[sflag:s9] =	ssyncset.done $0x0  }
0x129: {  	[sflag:s9] =	ssyncadd.s32 $0xFFFFFFB0  }
0x12a: {  	_ =	swait.ge [sflag:s9], $0x400  }
0x12b: {  	[sflag:s9] =	ssyncset.done $0x0  }
0x12c: {  	[sflag:s9] =	ssyncadd.s32 $0xFFFFFC00  }
0x12d: {  	_ =	swait.ge [sflag:s9], $0x400  }
0x12e: {  	[sflag:s9] =	ssyncset.done $0x0  }
0x12f: {  	[sflag:s9] =	ssyncadd.s32 $0xFFFFFC00  }
0x130: {  	_ =	swait.ge [sflag:s9], $0x400  }
0x131: {  	[sflag:s9] =	ssyncset.done $0x0  }
0x132: {  	[sflag:s9] =	ssyncadd.s32 $0xFFFFFC00  }
0x133: {  	_ =	swait.ge [sflag:s9], $0x400  }
0x134: {  	[sflag:s9] =	ssyncset.done $0x0  }
0x135: {  	[sflag:s9] =	ssyncadd.s32 $0xFFFFFC00  }
0x136: {  	_ =	swait.ge [sflag:s9], $0x400  }
0x137: {  	[sflag:s9] =	ssyncset.done $0x0  }
0x138: {  	[sflag:s9] =	ssyncadd.s32 $0xFFFFFC00  }
0x139: {  	_ =	swait.ge [sflag:s9], $0x50  }
0x13a: {  	[sflag:s9] =	ssyncset.done $0x0  }
0x13b: {  	[sflag:s9] =	ssyncadd.s32 $0xFFFFFFB0  }
0x13c: {  	_ =	swait.ge [sflag:s9], $0x400  }
0x13d: {  	[sflag:s9] =	ssyncset.done $0x0  }
0x13e: {  	[sflag:s9] =	ssyncadd.s32 $0xFFFFFC00  }
0x13f: {  	_ =	swait.ge [sflag:s9], $0x400  }
0x140: {  	[sflag:s9] =	ssyncset.done $0x0  }
0x141: {  	[sflag:s9] =	ssyncadd.s32 $0xFFFFFC00  }
0x142: {  	_ =	swait.ge [sflag:s9], $0x400  }
0x143: {  	[sflag:s9] =	ssyncset.done $0x0  }
0x144: {  	[sflag:s9] =	ssyncadd.s32 $0xFFFFFC00  }
0x145: {  	_ =	swait.ge [sflag:s9], $0x400  }
0x146: {  	[sflag:s9] =	ssyncset.done $0x0  }
0x147: {  	[sflag:s9] =	ssyncadd.s32 $0xFFFFFC00  }
0x148: {  	_ =	swait.ge [sflag:s9], $0x400  }
0x149: {  	[sflag:s9] =	ssyncset.done $0x0  }
0x14a: {  	[sflag:s9] =	ssyncadd.s32 $0xFFFFFC00  }
0x14b: {  	_ =	swait.ge [sflag:s9], $0x50  }
0x14c: {  	[sflag:s9] =	ssyncset.done $0x0  }
0x14d: {  	[sflag:s9] =	ssyncadd.s32 $0xFFFFFFB0  }
0x14e: {  	_ =	swait.ge [sflag:s9], $0x400  }
0x14f: {  	[sflag:s9] =	ssyncset.done $0x0  }
0x150: {  	[sflag:s9] =	ssyncadd.s32 $0xFFFFFC00  }
0x151: {  	_ =	swait.ge [sflag:s9], $0x400  }
0x152: {  	[sflag:s9] =	ssyncset.done $0x0  }
0x153: {  	[sflag:s9] =	ssyncadd.s32 $0xFFFFFC00  }
0x154: {  	_ =	swait.ge [sflag:s9], $0x400  }
0x155: {  	[sflag:s9] =	ssyncset.done $0x0  }
0x156: {  	[sflag:s9] =	ssyncadd.s32 $0xFFFFFC00  }
0x157: {  	_ =	swait.ge [sflag:s9], $0x400  }
0x158: {  	[sflag:s9] =	ssyncset.done $0x0  }
0x159: {  	[sflag:s9] =	ssyncadd.s32 $0xFFFFFC00  }
0x15a: {  	_ =	swait.ge [sflag:s9], $0x400  }
0x15b: {  	[sflag:s9] =	ssyncset.done $0x0  }
0x15c: {  	[sflag:s9] =	ssyncadd.s32 $0xFFFFFC00  }
0x15d: {  	_ =	swait.ge [sflag:s9], $0x50  }
0x15e: {  	[sflag:s9] =	ssyncset.done $0x0  }
0x15f: {  	s4 =	simm.s32 @!p0 $0x7;
	[sflag:s9] =	ssyncadd.s32 $0xFFFFFFB0  }
0x160: {  	_ =	swait.ge @!p0 [sflag:s4], $0x400  }
0x161: {  	[sflag:s4] =	ssyncset.done @!p0 $0x0  }
0x162: {  	[sflag:s4] =	ssyncadd.s32 @!p0 $0xFFFFFC00  }
0x163: {  	_ =	swait.ge @!p0 [sflag:s4], $0x400  }
0x164: {  	[sflag:s4] =	ssyncset.done @!p0 $0x0  }
0x165: {  	[sflag:s4] =	ssyncadd.s32 @!p0 $0xFFFFFC00  }
0x166: {  	_ =	swait.ge @!p0 [sflag:s4], $0x400  }
0x167: {  	[sflag:s4] =	ssyncset.done @!p0 $0x0  }
0x168: {  	[sflag:s4] =	ssyncadd.s32 @!p0 $0xFFFFFC00  }
0x169: {  	_ =	swait.ge @!p0 [sflag:s4], $0x400  }
0x16a: {  	[sflag:s4] =	ssyncset.done @!p0 $0x0  }
0x16b: {  	[sflag:s4] =	ssyncadd.s32 @!p0 $0xFFFFFC00  }
0x16c: {  	_ =	swait.ge @!p0 [sflag:s4], $0x400  }
0x16d: {  	[sflag:s4] =	ssyncset.done @!p0 $0x0  }
0x16e: {  	[sflag:s4] =	ssyncadd.s32 @!p0 $0xFFFFFC00  }
0x16f: {  	_ =	swait.ge @!p0 [sflag:s4], $0x50  }
0x170: {  	[sflag:s4] =	ssyncset.done @!p0 $0x0  }
0x171: {  	[sflag:s4] =	ssyncadd.s32 @!p0 $0xFFFFFFB0  }
0x172: {  	_ =	swait.ge @!p0 [sflag:s4], $0x400  }
0x173: {  	[sflag:s4] =	ssyncset.done @!p0 $0x0  }
0x174: {  	[sflag:s4] =	ssyncadd.s32 @!p0 $0xFFFFFC00  }
0x175: {  	_ =	swait.ge @!p0 [sflag:s4], $0x400  }
0x176: {  	[sflag:s4] =	ssyncset.done @!p0 $0x0  }
0x177: {  	[sflag:s4] =	ssyncadd.s32 @!p0 $0xFFFFFC00  }
0x178: {  	_ =	swait.ge @!p0 [sflag:s4], $0x400  }
0x179: {  	[sflag:s4] =	ssyncset.done @!p0 $0x0  }
0x17a: {  	[sflag:s4] =	ssyncadd.s32 @!p0 $0xFFFFFC00  }
0x17b: {  	_ =	swait.ge @!p0 [sflag:s4], $0x400  }
0x17c: {  	[sflag:s4] =	ssyncset.done @!p0 $0x0  }
0x17d: {  	[sflag:s4] =	ssyncadd.s32 @!p0 $0xFFFFFC00  }
0x17e: {  	_ =	swait.ge @!p0 [sflag:s4], $0x400  }
0x17f: {  	[sflag:s4] =	ssyncset.done @!p0 $0x0  }
0x180: {  	[sflag:s4] =	ssyncadd.s32 @!p0 $0xFFFFFC00  }
0x181: {  	_ =	swait.ge @!p0 [sflag:s4], $0x50  }
0x182: {  	[sflag:s4] =	ssyncset.done @!p0 $0x0  }
0x183: {  	[sflag:s4] =	ssyncadd.s32 @!p0 $0xFFFFFFB0  }
0x184: {  	_ =	swait.ge @!p0 [sflag:s4], $0x400  }
0x185: {  	[sflag:s4] =	ssyncset.done @!p0 $0x0  }
0x186: {  	[sflag:s4] =	ssyncadd.s32 @!p0 $0xFFFFFC00  }
0x187: {  	_ =	swait.ge @!p0 [sflag:s4], $0x400  }
0x188: {  	[sflag:s4] =	ssyncset.done @!p0 $0x0  }
0x189: {  	[sflag:s4] =	ssyncadd.s32 @!p0 $0xFFFFFC00  }
0x18a: {  	_ =	swait.ge @!p0 [sflag:s4], $0x400  }
0x18b: {  	[sflag:s4] =	ssyncset.done @!p0 $0x0  }
0x18c: {  	[sflag:s4] =	ssyncadd.s32 @!p0 $0xFFFFFC00  }
0x18d: {  	_ =	swait.ge @!p0 [sflag:s4], $0x400  }
0x18e: {  	[sflag:s4] =	ssyncset.done @!p0 $0x0  }
0x18f: {  	[sflag:s4] =	ssyncadd.s32 @!p0 $0xFFFFFC00  }
0x190: {  	_ =	swait.ge @!p0 [sflag:s4], $0x400  }
0x191: {  	[sflag:s4] =	ssyncset.done @!p0 $0x0  }
0x192: {  	[sflag:s4] =	ssyncadd.s32 @!p0 $0xFFFFFC00  }
0x193: {  	_ =	swait.ge @!p0 [sflag:s4], $0x50  }
0x194: {  	[sflag:s4] =	ssyncset.done @!p0 $0x0  }
0x195: {  	[sflag:s4] =	ssyncadd.s32 @!p0 $0xFFFFFFB0  }
0x196: {  	[bflag:$0x0] =	sbarrier.arrive $0xFFFF  }
0x197: {  	s14 =	simm.s32 $0x0;
	s23 =	rddreg [dreg:$0xf]  }
0x198: {  	[tilespmem:s14], [sflag:$0x8] =	stream.linear.gather [hbm4b:s23+s14], $0x2710, $0x38;
	[tilespmem:$0x1A3B8] =	vst v63  }
0x199: {  	_ =	swait.ge [sflag:s11], $0x2710  }
0x19a: {  	[sflag:s11] =	ssyncset.done $0x0  }
0x19b: {  	s30 =	simm.s32 $0x7530;
	s26 =	rddreg [dreg:$0x10];
	[sflag:s11] =	ssyncadd.s32 $0xFFFFD8F0  }
0x19c: {  	[tilespmem:s30], [sflag:$0x8] =	stream.linear.gather [hbm4b:s26+s14], $0x2710, $0x38;
	[tilespmem:$0x1A3B8] =	vst v63  }
0x19d: {  	_ =	swait.ge [sflag:s11], $0x2710  }
0x19e: {  	[sflag:s11] =	ssyncset.done $0x0  }
0x19f: {  	s4 =	simm.s32 $0x0;
	[sflag:s11] =	ssyncadd.s32 $0xFFFFD8F0  }
0x1a0: {  	v5 =	vld [tilespmem:s4+$0x40]  }
0x1a1: {  	v6 =	vld [tilespmem:s4+$0x0]  }
0x1a2: {  	v7 =	vld [tilespmem:s4+$0x10]  }
0x1a3: {  	v8 =	vld [tilespmem:s4+$0x20]  }
0x1a4: {  	v10 =	vld [tilespmem:s4+$0x30]  }
0x1a5: {  	v4 =	vld [tilespmem:s4+$0x7530];
	v9 =	vshll.u32 v5, $0x1  }
0x1a6: {  	v5 =	vld [tilespmem:s4+$0x7540];
	v11 =	vshll.u32 v6, $0x1;
	v9 =	vor.u32 v0, v9  }
0x1a7: {  	v6 =	vld [tilespmem:s4+$0x7550];
	v7 =	vshll.u32 v7, $0x1;
	v11 =	vor.u32 v0, v11;
	[tilespmem:s4+$0x2750] =	vst v9  }
0x1a8: {  	v8 =	vshll.u32 v8, $0x1;
	[tilespmem:s4+$0x2710] =	vst v11;
	v9 =	vor.u32 v0, v7;
	v7 =	vld [tilespmem:s4+$0x7560]  }
0x1a9: {  	s0 =	smov.u32 s8;
	s23 =	simm.s32 $0x50;
	s26 =	simm.s32 $0x280;
	v10 =	vshll.u32 v10, $0x1;
	[tilespmem:s4+$0x2720] =	vst v9;
	v9 =	vor.u32 v0, v8;
	v8 =	vld [tilespmem:s4+$0x7570]  }
.LBB2_2:
0x1aa: {  	p2 =	sne.s32 s26, $0x9B00;
	v11 =	vld [tilespmem:s23+$0x40];
	[tilespmem:s4+$0x2730] =	vst v9;
	v9 =	vor.u32 v0, v10  }
0x1ab: {  	v10 =	vld [tilespmem:s23+$0x0];
	[tilespmem:s4+$0x2740] =	vst v9  }
0x1ac: {  	v9 =	vld [tilespmem:s23+$0x10];
	[tilespmem:s4+$0x4E20] =	vst v4  }
0x1ad: {  	v12 =	vld [tilespmem:s23+$0x20];
	[tilespmem:s4+$0x4E30] =	vst v5  }
0x1ae: {  	v13 =	vld [tilespmem:s23+$0x30];
	[tilespmem:s4+$0x4E40] =	vst v6  }
.Ltmp0:
0x1af: {  	v4 =	vld [tilespmem:s23+$0x7530];
	v6 =	vshll.u32 v11, $0x1;
	[tilespmem:s4+$0x4E50] =	vst v7;
	(pc) =	sbr.rel @p2 .LBB2_2-.Ltmp0, $4  }
0x1b0: {  	v7 =	vshll.u32 v10, $0x1;
	v5 =	vld [tilespmem:s23+$0x7540];
	v10 =	vor.u32 v0, v6;
	[tilespmem:s4+$0x4E60] =	vst v8;
	s4 =	smov.u32 s23  }
0x1b1: {  	v7 =	vor.u32 v0, v7;
	v8 =	vshll.u32 v9, $0x1;
	v6 =	vld [tilespmem:s4+$0x7550];
	[tilespmem:s4+$0x2750] =	vst v10  }
0x1b2: {  	[tilespmem:s4+$0x2710] =	vst v7;
	v8 =	vor.u32 v0, v8;
	v9 =	vshll.u32 v12, $0x1;
	v7 =	vld [tilespmem:s4+$0x7560]  }
0x1b3: {  	s23 =	sshra.s32 s26, $0x2;
	s26 =	sadd.s32 $0x140, s26;
	[tilespmem:s4+$0x2720] =	vst v8;
	v9 =	vor.u32 v0, v9;
	v10 =	vshll.u32 v13, $0x1;
	v8 =	vld [tilespmem:s4+$0x7570]  }
0x1b4: {  	v11 =	vld [tilespmem:s23+$0x40];
	[tilespmem:s4+$0x2730] =	vst v9;
	v56 =	vor.u32 v0, v10  }
0x1b5: {  	v57 =	vld [tilespmem:s23+$0x0];
	[tilespmem:s4+$0x2740] =	vst v56  }
0x1b6: {  	v9 =	vld [tilespmem:s23+$0x10];
	[tilespmem:s4+$0x4E20] =	vst v4  }
0x1b7: {  	v4 =	vld [tilespmem:s23+$0x20];
	[tilespmem:s4+$0x4E30] =	vst v5  }
0x1b8: {  	v5 =	vld [tilespmem:s23+$0x30];
	[tilespmem:s4+$0x4E40] =	vst v6  }
0x1b9: {  	v6 =	vld [tilespmem:s23+$0x7530];
	[tilespmem:s4+$0x4E50] =	vst v7;
	v11 =	vshll.u32 v11, $0x1  }
0x1ba: {  	v7 =	vld [tilespmem:s23+$0x7540];
	[tilespmem:s4+$0x4E60] =	vst v8;
	v58 =	vshll.u32 v57, $0x1;
	v59 =	vor.u32 v0, v11  }
0x1bb: {  	v8 =	vor.u32 v0, v58;
	[tilespmem:s23+$0x2750] =	vst v59;
	v9 =	vshll.u32 v9, $0x1  }
0x1bc: {  	[tilespmem:s23+$0x2710] =	vst v8;
	v61 =	vor.u32 v0, v9;
	v4 =	vshll.u32 v4, $0x1  }
0x1bd: {  	v60 =	vld [tilespmem:s23+$0x7550];
	[tilespmem:s23+$0x2720] =	vst v61;
	v4 =	vor.u32 v0, v4  }
0x1be: {  	v62 =	vld [tilespmem:s23+$0x7560];
	v5 =	vshll.u32 v5, $0x1;
	[tilespmem:s23+$0x2730] =	vst v4  }
0x1bf: {  	v63 =	vld [tilespmem:s23+$0x7570];
	v4 =	vor.u32 v0, v5;
	[tilespmem:s23+$0x4E20] =	vst v6  }
0x1c0: {  	[tilespmem:s23+$0x2740] =	vst v4  }
0x1c1: {  	[tilespmem:s23+$0x4E30] =	vst v7  }
0x1c2: {  	[tilespmem:s23+$0x4E40] =	vst v60  }
0x1c3: {  	[tilespmem:s23+$0x4E50] =	vst v62  }
0x1c4: {  	s14 =	simm.s32 $0x2710;
	[tilespmem:s23+$0x4E60] =	vst v63  }
0x1c5: {  	[tilespmem:s17], [sflag:$0x1] =	stream.indirect.gather [hbm4b:s1+s16], $0x40, s14, s16, $0xb8;
	[tilespmem:$0x1A3B8] =	vst v63  }
0x1c6: {  	s23 =	simm.s32 $0x2760  }
0x1c7: {  	[tilespmem:s18], [sflag:$0x2] =	stream.indirect.gather [hbm4b:s1+s16], $0x40, s23, s16, $0xb8;
	[tilespmem:$0x1A3B8] =	vst v63  }
0x1c8: {  	s26 =	simm.s32 $0x27B0  }
0x1c9: {  	[tilespmem:s19], [sflag:$0x3] =	stream.indirect.gather [hbm4b:s1+s16], $0x40, s26, s16, $0xb8;
	[tilespmem:$0x1A3B8] =	vst v63  }
0x1ca: {  	s6 =	simm.s32 $0x2800  }
0x1cb: {  	[tilespmem:s21], [sflag:$0x4] =	stream.indirect.gather [hbm4b:s1+s16], $0x40, s6, s16, $0xb8;
	[tilespmem:$0x1A3B8] =	vst v63  }
0x1cc: {  	s7 =	simm.s32 $0x2850  }
0x1cd: {  	[tilespmem:s22], [sflag:$0x5] =	stream.indirect.gather [hbm4b:s1+s16], $0x40, s7, s16, $0xb8;
	[tilespmem:$0x1A3B8] =	vst v63  }
0x1ce: {  	_ =	swait.ge [sflag:s24], $0x1400  }
0x1cf: {  	p2 =	por $0x0, $0x0;
	s4 =	simm.s32 $0x4E20;
	[sflag:s24] =	ssyncset.done $0x0  }
0x1d0: {  	s23 =	simm.s32 $0x1;
	s26 =	simm.s32 $0x1;
	[sflag:s24] =	ssyncadd.s32 $0xFFFFEC00  }
0x1d1: {  	[spmem:s3] =	stream.indirect.scatter.add.bf16 [tilespmem:s17], [sflag:$0x8], $0x40, s4, s16, $0xb8;
	[tilespmem:$0x1A3B8] =	vst v63  }
0x1d2: {  	s23 =	simm.s32 @!p1 $0x0;
	s26 =	simm.s32 @!p2 $0x0;
	_ =	swait.ge [sflag:s11], $0x1400  }
0x1d3: {  	p3 =	seq.s32 s23, s26;
	[sflag:s11] =	ssyncset.done $0x0  }
0x1d4: {  	s26 =	simm.s32 @!p3 $0x50;
	s30 =	simm.s32 @!p3 $0x10040;
	[sflag:s11] =	ssyncadd.s32 $0xFFFFEC00  }
0x1d5: {  	[spmem:s5] =	stream.indirect.scatter.add.f32 @!p3 [tilespmem:s30], [sflag:$0x6], $0x1, s4, s26, $0xb8;
	[tilespmem:$0x1A3B8] =	vst v63  }
0x1d6: {  	s8 =	simm.s32 $0x28A0  }
0x1d7: {  	[tilespmem:s17], [sflag:$0x1] =	stream.indirect.gather [hbm4b:s1+s16], $0x40, s8, s16, $0xb8;
	[tilespmem:$0x1A3B8] =	vst v63  }
0x1d8: {  	_ =	swait.ge [sflag:s25], $0x1400  }
0x1d9: {  	[sflag:s25] =	ssyncset.done $0x0  }
0x1da: {  	s4 =	simm.s32 $0x4E70;
	[sflag:s25] =	ssyncadd.s32 $0xFFFFEC00  }
0x1db: {  	[spmem:s3] =	stream.indirect.scatter.add.bf16 [tilespmem:s18], [sflag:$0x8], $0x40, s4, s16, $0xb8;
	[tilespmem:$0x1A3B8] =	vst v63  }
0x1dc: {  	p3 =	por !p2, !p2;
	_ =	swait.ge [sflag:s11], $0x1400  }
0x1dd: {  	p3 =	por @!p1 p2, p2;
	[sflag:s11] =	ssyncset.done $0x0  }
0x1de: {  	s26 =	simm.s32 @p3 $0x50;
	s30 =	simm.s32 @p3 $0x10040;
	[sflag:s11] =	ssyncadd.s32 $0xFFFFEC00  }
0x1df: {  	[spmem:s5] =	stream.indirect.scatter.add.f32 @p3 [tilespmem:s30], [sflag:$0x6], $0x1, s4, s26, $0xb8;
	[tilespmem:$0x1A3B8] =	vst v63  }
0x1e0: {  	s10 =	simm.s32 $0x28F0  }
0x1e1: {  	[tilespmem:s18], [sflag:$0x2] =	stream.indirect.gather [hbm4b:s1+s16], $0x40, s10, s16, $0xb8;
	[tilespmem:$0x1A3B8] =	vst v63  }
0x1e2: {  	_ =	swait.ge [sflag:s28], $0x1400  }
0x1e3: {  	p2 =	por $0x0, $0x0;
	[sflag:s28] =	ssyncset.done $0x0  }
0x1e4: {  	s4 =	simm.s32 $0x4EC0;
	s26 =	simm.s32 $0x1;
	[sflag:s28] =	ssyncadd.s32 $0xFFFFEC00  }
0x1e5: {  	[spmem:s3] =	stream.indirect.scatter.add.bf16 [tilespmem:s19], [sflag:$0x8], $0x40, s4, s16, $0xb8;
	[tilespmem:$0x1A3B8] =	vst v63  }
0x1e6: {  	s26 =	simm.s32 @!p2 $0x0;
	_ =	swait.ge [sflag:s11], $0x1400  }
0x1e7: {  	p3 =	seq.s32 s23, s26;
	[sflag:s11] =	ssyncset.done $0x0  }
0x1e8: {  	s26 =	simm.s32 @!p3 $0x50;
	s30 =	simm.s32 @!p3 $0x10040;
	[sflag:s11] =	ssyncadd.s32 $0xFFFFEC00  }
0x1e9: {  	[spmem:s5] =	stream.indirect.scatter.add.f32 @!p3 [tilespmem:s30], [sflag:$0x6], $0x1, s4, s26, $0xb8;
	[tilespmem:$0x1A3B8] =	vst v63  }
0x1ea: {  	s12 =	simm.s32 $0x2940  }
0x1eb: {  	[tilespmem:s19], [sflag:$0x3] =	stream.indirect.gather [hbm4b:s1+s16], $0x40, s12, s16, $0xb8;
	[tilespmem:$0x1A3B8] =	vst v63  }
0x1ec: {  	_ =	swait.ge [sflag:s29], $0x1400  }
0x1ed: {  	[sflag:s29] =	ssyncset.done $0x0  }
0x1ee: {  	s4 =	simm.s32 $0x4F10;
	[sflag:s29] =	ssyncadd.s32 $0xFFFFEC00  }
0x1ef: {  	[spmem:s3] =	stream.indirect.scatter.add.bf16 [tilespmem:s21], [sflag:$0x8], $0x40, s4, s16, $0xb8;
	[tilespmem:$0x1A3B8] =	vst v63  }
0x1f0: {  	p3 =	por !p2, !p2;
	_ =	swait.ge [sflag:s11], $0x1400  }
0x1f1: {  	p3 =	por @!p1 p2, p2;
	[sflag:s11] =	ssyncset.done $0x0  }
0x1f2: {  	s26 =	simm.s32 @p3 $0x50;
	s30 =	simm.s32 @p3 $0x10040;
	[sflag:s11] =	ssyncadd.s32 $0xFFFFEC00  }
0x1f3: {  	[spmem:s5] =	stream.indirect.scatter.add.f32 @p3 [tilespmem:s30], [sflag:$0x6], $0x1, s4, s26, $0xb8;
	[tilespmem:$0x1A3B8] =	vst v63  }
0x1f4: {  	s14 =	simm.s32 $0x2990  }
0x1f5: {  	[tilespmem:s21], [sflag:$0x4] =	stream.indirect.gather [hbm4b:s1+s16], $0x40, s14, s16, $0xb8;
	[tilespmem:$0x1A3B8] =	vst v63  }
0x1f6: {  	_ =	swait.ge [sflag:s2], $0x1400  }
0x1f7: {  	[sflag:s2] =	ssyncset.done $0x0  }
0x1f8: {  	s4 =	simm.s32 $0x4F60;
	[sflag:s2] =	ssyncadd.s32 $0xFFFFEC00  }
0x1f9: {  	[spmem:s3] =	stream.indirect.scatter.add.bf16 [tilespmem:s22], [sflag:$0x8], $0x40, s4, s16, $0xb8;
	[tilespmem:$0x1A3B8] =	vst v63  }
0x1fa: {  	_ =	swait.ge [sflag:s11], $0x1400  }
0x1fb: {  	[sflag:s11] =	ssyncset.done $0x0  }
0x1fc: {  	[sflag:s11] =	ssyncadd.s32 $0xFFFFEC00  }
0x1fd: {  	[spmem:s5] =	stream.indirect.scatter.add.f32 @p3 [tilespmem:s30], [sflag:$0x6], $0x1, s4, s26, $0xb8;
	[tilespmem:$0x1A3B8] =	vst v63  }
0x1fe: {  	s26 =	simm.s32 $0x640;
	s4 =	simm.s32 $0x29E0;
	s30 =	simm.s32 $0x1  }
.LBB2_4:
0x1ff: {  	[tilespmem:s22], [sflag:$0x5] =	stream.indirect.gather [hbm4b:s1+s16], $0x40, s4, s16, $0xb8;
	[tilespmem:$0x1A3B8] =	vst v63  }
0x200: {  	s4 =	smov.u32 s26  }
0x201: {  	s26 =	sadd.s32 $0x640, s26;
	p3 =	sgt.u32 s30, $0xC;
	_ =	swait.ge [sflag:s24], $0x1400  }
0x202: {  	s4 =	sshra.s32 s4, $0x2;
	p2 =	sne.s32 s26, $0x9600;
	[sflag:s24] =	ssyncset.done $0x0  }
0x203: {  	s12 =	simm.s32 $0x1;
	s10 =	sadd.s32 $0x4E20, s4;
	[sflag:s24] =	ssyncadd.s32 $0xFFFFEC00  }
0x204: {  	[spmem:s3] =	stream.indirect.scatter.add.bf16 [tilespmem:s17], [sflag:$0x8], $0x40, s10, s16, $0xb8;
	[tilespmem:$0x1A3B8] =	vst v63  }
0x205: {  	s12 =	simm.s32 @!p3 $0x0;
	_ =	swait.ge [sflag:s11], $0x1400  }
0x206: {  	p4 =	por !p3, !p3;
	p5 =	seq.s32 s23, s12;
	[sflag:s11] =	ssyncset.done $0x0  }
0x207: {  	s12 =	simm.s32 @!p5 $0x50;
	s7 =	simm.s32 @!p5 $0x10040;
	[sflag:s11] =	ssyncadd.s32 $0xFFFFEC00  }
0x208: {  	[spmem:s5] =	stream.indirect.scatter.add.f32 @!p5 [tilespmem:s7], [sflag:$0x6], $0x1, s10, s12, $0xb8;
	[tilespmem:$0x1A3B8] =	vst v63  }
0x209: {  	s7 =	sadd.s32 $0x28A0, s4  }
0x20a: {  	[tilespmem:s17], [sflag:$0x1] =	stream.indirect.gather [hbm4b:s1+s16], $0x40, s7, s16, $0xb8;
	[tilespmem:$0x1A3B8] =	vst v63  }
0x20b: {  	_ =	swait.ge [sflag:s25], $0x1400  }
0x20c: {  	[sflag:s25] =	ssyncset.done $0x0  }
0x20d: {  	s7 =	sadd.s32 $0x4E70, s4;
	[sflag:s25] =	ssyncadd.s32 $0xFFFFEC00  }
0x20e: {  	[spmem:s3] =	stream.indirect.scatter.add.bf16 [tilespmem:s18], [sflag:$0x8], $0x40, s7, s16, $0xb8;
	[tilespmem:$0x1A3B8] =	vst v63  }
0x20f: {  	_ =	swait.ge [sflag:s11], $0x1400  }
0x210: {  	p4 =	por @!p1 p3, p3;
	[sflag:s11] =	ssyncset.done $0x0  }
0x211: {  	s10 =	simm.s32 @p4 $0x50;
	s12 =	simm.s32 @p4 $0x10040;
	[sflag:s11] =	ssyncadd.s32 $0xFFFFEC00  }
0x212: {  	[spmem:s5] =	stream.indirect.scatter.add.f32 @p4 [tilespmem:s12], [sflag:$0x6], $0x1, s7, s10, $0xb8;
	[tilespmem:$0x1A3B8] =	vst v63  }
0x213: {  	s7 =	sadd.s32 $0x28F0, s4  }
0x214: {  	[tilespmem:s18], [sflag:$0x2] =	stream.indirect.gather [hbm4b:s1+s16], $0x40, s7, s16, $0xb8;
	[tilespmem:$0x1A3B8] =	vst v63  }
0x215: {  	_ =	swait.ge [sflag:s28], $0x1400  }
0x216: {  	p4 =	sgt.u32 s30, $0xB;
	[sflag:s28] =	ssyncset.done $0x0  }
0x217: {  	s10 =	simm.s32 $0x1;
	s7 =	sadd.s32 $0x4EC0, s4;
	[sflag:s28] =	ssyncadd.s32 $0xFFFFEC00  }
0x218: {  	[spmem:s3] =	stream.indirect.scatter.add.bf16 [tilespmem:s19], [sflag:$0x8], $0x40, s7, s16, $0xb8;
	[tilespmem:$0x1A3B8] =	vst v63  }
0x219: {  	p3 =	por !p4, !p4;
	s10 =	simm.s32 @!p4 $0x0;
	_ =	swait.ge [sflag:s11], $0x1400  }
0x21a: {  	p5 =	seq.s32 s23, s10;
	[sflag:s11] =	ssyncset.done $0x0  }
0x21b: {  	s10 =	simm.s32 @!p5 $0x50;
	s12 =	simm.s32 @!p5 $0x10040;
	[sflag:s11] =	ssyncadd.s32 $0xFFFFEC00  }
0x21c: {  	[spmem:s5] =	stream.indirect.scatter.add.f32 @!p5 [tilespmem:s12], [sflag:$0x6], $0x1, s7, s10, $0xb8;
	[tilespmem:$0x1A3B8] =	vst v63  }
0x21d: {  	s7 =	sadd.s32 $0x2940, s4  }
0x21e: {  	[tilespmem:s19], [sflag:$0x3] =	stream.indirect.gather [hbm4b:s1+s16], $0x40, s7, s16, $0xb8;
	[tilespmem:$0x1A3B8] =	vst v63  }
0x21f: {  	_ =	swait.ge [sflag:s29], $0x1400  }
0x220: {  	[sflag:s29] =	ssyncset.done $0x0  }
0x221: {  	s7 =	sadd.s32 $0x4F10, s4;
	[sflag:s29] =	ssyncadd.s32 $0xFFFFEC00  }
0x222: {  	[spmem:s3] =	stream.indirect.scatter.add.bf16 [tilespmem:s21], [sflag:$0x8], $0x40, s7, s16, $0xb8;
	[tilespmem:$0x1A3B8] =	vst v63  }
0x223: {  	_ =	swait.ge [sflag:s11], $0x1400  }
0x224: {  	p3 =	por @!p1 p4, p4;
	[sflag:s11] =	ssyncset.done $0x0  }
0x225: {  	s10 =	simm.s32 @p3 $0x50;
	s12 =	simm.s32 @p3 $0x10040;
	[sflag:s11] =	ssyncadd.s32 $0xFFFFEC00  }
0x226: {  	[spmem:s5] =	stream.indirect.scatter.add.f32 @p3 [tilespmem:s12], [sflag:$0x6], $0x1, s7, s10, $0xb8;
	[tilespmem:$0x1A3B8] =	vst v63  }
0x227: {  	s7 =	sadd.s32 $0x2990, s4  }
0x228: {  	[tilespmem:s21], [sflag:$0x4] =	stream.indirect.gather [hbm4b:s1+s16], $0x40, s7, s16, $0xb8;
	[tilespmem:$0x1A3B8] =	vst v63  }
0x229: {  	_ =	swait.ge [sflag:s2], $0x1400  }
0x22a: {  	[sflag:s2] =	ssyncset.done $0x0  }
0x22b: {  	s7 =	sadd.s32 $0x4F60, s4;
	[sflag:s2] =	ssyncadd.s32 $0xFFFFEC00  }
0x22c: {  	[spmem:s3] =	stream.indirect.scatter.add.bf16 [tilespmem:s22], [sflag:$0x8], $0x40, s7, s16, $0xb8;
	[tilespmem:$0x1A3B8] =	vst v63  }
.Ltmp1:
0x22d: {  	_ =	swait.ge [sflag:s11], $0x1400;
	(pc) =	sbr.rel @p2 .LBB2_4-.Ltmp1, $4  }
0x22e: {  	[sflag:s11] =	ssyncset.done $0x0  }
0x22f: {  	[sflag:s11] =	ssyncadd.s32 $0xFFFFEC00  }
0x230: {  	[spmem:s5] =	stream.indirect.scatter.add.f32 @p3 [tilespmem:s12], [sflag:$0x6], $0x1, s7, s10, $0xb8;
	[tilespmem:$0x1A3B8] =	vst v63  }
0x231: {  	s30 =	sadd.s32 $0x1, s30;
	s4 =	sadd.s32 $0x29E0, s4  }
0x232: {  	[tilespmem:s22], [sflag:$0x5] =	stream.indirect.gather [hbm4b:s1+s16], $0x40, s4, s16, $0xb8;
	[tilespmem:$0x1A3B8] =	vst v63  }
0x233: {  	_ =	swait.ge [sflag:s24], $0x1400  }
0x234: {  	[sflag:s24] =	ssyncset.done $0x0  }
0x235: {  	s26 =	simm.s32 $0x73A0;
	[sflag:s24] =	ssyncadd.s32 $0xFFFFEC00  }
0x236: {  	[spmem:s3] =	stream.indirect.scatter.add.bf16 [tilespmem:s17], [sflag:$0x8], $0x40, s26, s16, $0xb8;
	[tilespmem:$0x1A3B8] =	vst v63  }
0x237: {  	_ =	swait.ge [sflag:s11], $0x1400  }
0x238: {  	[sflag:s11] =	ssyncset.done $0x0  }
0x239: {  	s4 =	simm.s32 @p1 $0x2;
	[sflag:s11] =	ssyncadd.s32 $0xFFFFEC00  }
0x23a: {  	_ =	swait.ge @p1 [sflag:s4], $0x1400  }
0x23b: {  	s7 =	simm.s32 @p1 $0x73F0;
	[sflag:s4] =	ssyncset.done @p1 $0x0  }
0x23c: {  	s10 =	simm.s32 @p1 $0xB040;
	[sflag:s4] =	ssyncadd.s32 @p1 $0xFFFFEC00;
	s4 =	simm.s32 @p1 $0x50  }
0x23d: {  	[spmem:s3] =	stream.indirect.scatter.add.bf16 @p1 [tilespmem:s10], [sflag:$0x8], $0x40, s7, s4, $0xb8;
	[tilespmem:$0x1A3B8] =	vst v63  }
0x23e: {  	s7 =	simm.s32 @p1 $0x8  }
0x23f: {  	_ =	swait.ge @p1 [sflag:s7], $0x1400  }
0x240: {  	s12 =	simm.s32 @!p1 $0x73A0;
	[sflag:s7] =	ssyncset.done @p1 $0x0  }
0x241: {  	s23 =	simm.s32 @!p1 $0x10040;
	s10 =	simm.s32 @!p1 $0x50;
	[sflag:s7] =	ssyncadd.s32 @p1 $0xFFFFEC00  }
0x242: {  	[spmem:s5] =	stream.indirect.scatter.add.f32 @!p1 [tilespmem:s23], [sflag:$0x6], $0x1, s12, s10, $0xb8;
	[tilespmem:$0x1A3B8] =	vst v63  }
0x243: {  	s12 =	simm.s32 @!p1 $0x2  }
0x244: {  	_ =	swait.ge @!p1 [sflag:s12], $0x1400  }
0x245: {  	[sflag:s12] =	ssyncset.done @!p1 $0x0  }
0x246: {  	s26 =	simm.s32 @!p1 $0xB040;
	[sflag:s12] =	ssyncadd.s32 @!p1 $0xFFFFEC00;
	s12 =	simm.s32 @!p1 $0x73F0  }
0x247: {  	[spmem:s3] =	stream.indirect.scatter.add.bf16 @!p1 [tilespmem:s26], [sflag:$0x8], $0x40, s12, s10, $0xb8;
	[tilespmem:$0x1A3B8] =	vst v63  }
0x248: {  	s26 =	simm.s32 @!p1 $0x8  }
0x249: {  	_ =	swait.ge @!p1 [sflag:s26], $0x1400  }
0x24a: {  	[sflag:s26] =	ssyncset.done @!p1 $0x0  }
0x24b: {  	[sflag:s26] =	ssyncadd.s32 @!p1 $0xFFFFEC00  }
0x24c: {  	[spmem:s5] =	stream.indirect.scatter.add.f32 @!p1 [tilespmem:s23], [sflag:$0x6], $0x1, s12, s10, $0xb8;
	[tilespmem:$0x1A3B8] =	vst v63  }
0x24d: {  	_ =	swait.ge [sflag:s28], $0x1400  }
0x24e: {  	[sflag:s28] =	ssyncset.done $0x0  }
0x24f: {  	s6 =	simm.s32 $0x7440;
	[sflag:s28] =	ssyncadd.s32 $0xFFFFEC00  }
0x250: {  	[spmem:s3] =	stream.indirect.scatter.add.bf16 [tilespmem:s19], [sflag:$0x8], $0x40, s6, s16, $0xb8;
	[tilespmem:$0x1A3B8] =	vst v63  }
0x251: {  	_ =	swait.ge [sflag:s11], $0x1400  }
0x252: {  	[sflag:s11] =	ssyncset.done $0x0  }
0x253: {  	s12 =	simm.s32 @p1 $0x4;
	[sflag:s11] =	ssyncadd.s32 $0xFFFFEC00  }
0x254: {  	_ =	swait.ge @p1 [sflag:s12], $0x1400  }
0x255: {  	[sflag:s12] =	ssyncset.done @p1 $0x0  }
0x256: {  	s30 =	simm.s32 @p1 $0xD840;
	[sflag:s12] =	ssyncadd.s32 @p1 $0xFFFFEC00;
	s12 =	simm.s32 @p1 $0x7490  }
0x257: {  	[spmem:s3] =	stream.indirect.scatter.add.bf16 @p1 [tilespmem:s30], [sflag:$0x8], $0x40, s12, s4, $0xb8;
	[tilespmem:$0x1A3B8] =	vst v63  }
0x258: {  	_ =	swait.ge @p1 [sflag:s7], $0x1400  }
0x259: {  	[sflag:s7] =	ssyncset.done @p1 $0x0  }
0x25a: {  	s4 =	simm.s32 @!p1 $0x7440;
	[sflag:s7] =	ssyncadd.s32 @p1 $0xFFFFEC00  }
0x25b: {  	[spmem:s5] =	stream.indirect.scatter.add.f32 @!p1 [tilespmem:s23], [sflag:$0x6], $0x1, s4, s10, $0xb8;
	[tilespmem:$0x1A3B8] =	vst v63  }
0x25c: {  	s4 =	simm.s32 @!p1 $0x4  }
0x25d: {  	_ =	swait.ge @!p1 [sflag:s4], $0x1400  }
0x25e: {  	[sflag:s4] =	ssyncset.done @!p1 $0x0  }
0x25f: {  	s7 =	simm.s32 @!p1 $0xD840;
	[sflag:s4] =	ssyncadd.s32 @!p1 $0xFFFFEC00;
	s4 =	simm.s32 @!p1 $0x7490  }
0x260: {  	[spmem:s3] =	stream.indirect.scatter.add.bf16 @!p1 [tilespmem:s7], [sflag:$0x8], $0x40, s4, s10, $0xb8;
	[tilespmem:$0x1A3B8] =	vst v63  }
0x261: {  	_ =	swait.ge @!p1 [sflag:s26], $0x1400  }
0x262: {  	[sflag:s26] =	ssyncset.done @!p1 $0x0  }
0x263: {  	[sflag:s26] =	ssyncadd.s32 @!p1 $0xFFFFEC00  }
0x264: {  	[spmem:s5] =	stream.indirect.scatter.add.f32 @!p1 [tilespmem:s23], [sflag:$0x6], $0x1, s4, s10, $0xb8;
	[tilespmem:$0x1A3B8] =	vst v63  }
0x265: {  	_ =	swait.ge [sflag:s2], $0x1400  }
0x266: {  	[sflag:s2] =	ssyncset.done $0x0  }
0x267: {  	s30 =	simm.s32 $0x74E0;
	[sflag:s2] =	ssyncadd.s32 $0xFFFFEC00  }
0x268: {  	[spmem:s3] =	stream.indirect.scatter.add.bf16 [tilespmem:s22], [sflag:$0x8], $0x40, s30, s16, $0xb8;
	[tilespmem:$0x1A3B8] =	vst v63  }
0x269: {  	_ =	swait.ge [sflag:s11], $0x1400  }
0x26a: {  	[sflag:s11] =	ssyncset.done $0x0  }
0x26b: {  	p2 =	sle.u32 s31, $0x0;
	s4 =	simm.s32 @!p1 $0x74E0;
	[sflag:s11] =	ssyncadd.s32 $0xFFFFEC00  }
0x26c: {  	[spmem:s5] =	stream.indirect.scatter.add.f32 @!p1 [tilespmem:s23], [sflag:$0x6], $0x1, s4, s10, $0xb8;
	[tilespmem:$0x1A3B8] =	vst v63  }
0x26d: {  	s23 =	simm.s32 @!p2 $0x6  }
0x26e: {  	_ =	swait.ge @!p2 [sflag:s23], $0x50  }
0x26f: {  	s4 =	simm.s32 $0x1;
	[sflag:s23] =	ssyncset.done @!p2 $0x0  }
.LBB2_6:
0x270: {  	s7 =	smov.u32 s4;
	s4 =	sadd.s32 $0x1, s4  }
0x271: {  	[sflag:s23] =	ssyncadd.s32 @!p2 $0xFFFFFFB0;
	p3 =	sne.s32 s4, $0x3F  }
.Ltmp2:
0x272: {  	(pc) =	sbr.rel @p3 .LBB2_6-.Ltmp2, $4  }
0x273: {  	p2 =	sge.u32 s7, s31  }
0x274: {  	s23 =	simm.s32 @!p2 $0x6  }
0x275: {  	_ =	swait.ge @!p2 [sflag:s23], $0x50  }
0x276: {  	[sflag:s23] =	ssyncset.done @!p2 $0x0  }
0x277: {  	[sflag:s23] =	ssyncadd.s32 @!p2 $0xFFFFFFB0  }
0x278: {  	[bflag:$0x0] =	sbarrier.arrive $0xFFFF  }
0x279: {  	s4 =	stileid.u32;
	s6 =	sld [smem:$0x7D7]  }
0x27a: {  	s4 =	sshll.u32 s4, $0x6  }
0x27b: {  	s4 =	sor.u32 $0x1C08, s4;
	s7 =	rddreg [dreg:$0x11]  }
0x27c: {  	[hbm:s7], [sflag:s4] =	dma.local [spmem:s6], $0x280  }
0x27d: {  	_ =	swait.ge [sflag:s11], $0x280  }
0x27e: {  	[sflag:s11] =	ssyncset.done $0x0  }
0x27f: {  	s12 =	sshrl.u32 s13, $0x3;
	s10 =	rddreg [dreg:$0x13];
	[sflag:s11] =	ssyncadd.s32 $0xFFFFFD80  }
0x280: {  	[hbm:s10], [sflag:s4] =	dma.local [spmem:s12], $0xA  }
0x281: {  	_ =	swait.ge [sflag:s11], $0xA  }
0x282: {  	s14 =	sld [smem:$0x7D8]  }
0x283: {  	[sflag:s11] =	ssyncset.done $0x0  }
0x284: {  	s30 =	smov.u32 s13;
	s13 =	rddreg [dreg:$0x14];
	[sflag:s11] =	ssyncadd.s32 $0xFFFFFFF6  }
0x285: {  	[hbm:s13], [sflag:s4] =	dma.local [spmem:s14], $0x280  }
0x286: {  	_ =	swait.ge [sflag:s11], $0x280  }
0x287: {  	[sflag:s11] =	ssyncset.done $0x0  }
0x288: {  	s23 =	sshrl.u32 s20, $0x3;
	s26 =	rddreg [dreg:$0x16];
	[sflag:s11] =	ssyncadd.s32 $0xFFFFFD80  }
0x289: {  	[hbm:s26], [sflag:s4] =	dma.local [spmem:s23], $0xA  }
0x28a: {  	_ =	swait.ge [sflag:s11], $0xA  }
0x28b: {  	s8 =	sld [smem:$0x7D9]  }
0x28c: {  	[sflag:s11] =	ssyncset.done $0x0  }
0x28d: {  	s7 =	rddreg [dreg:$0x17];
	[sflag:s11] =	ssyncadd.s32 $0xFFFFFFF6  }
0x28e: {  	[hbm:s7], [sflag:s4] =	dma.local [spmem:s8], $0x280  }
0x28f: {  	_ =	swait.ge [sflag:s11], $0x280  }
0x290: {  	[sflag:s11] =	ssyncset.done $0x0;
	s14 =	rddreg [dreg:$0x18]  }
0x291: {  	s12 =	rddreg [dreg:$0x1a];
	[sflag:s11] =	ssyncadd.s32 $0xFFFFFD80;
	s10 =	sshrl.u32 s14, $0x3  }
0x292: {  	[hbm:s12], [sflag:s4] =	dma.local [spmem:s10], $0xA  }
0x293: {  	_ =	swait.ge [sflag:s11], $0xA  }
0x294: {  	s23 =	sld [smem:$0x7DA]  }
0x295: {  	[sflag:s11] =	ssyncset.done $0x0  }
0x296: {  	s13 =	rddreg [dreg:$0x1b];
	[sflag:s11] =	ssyncadd.s32 $0xFFFFFFF6  }
0x297: {  	[hbm:s13], [sflag:s4] =	dma.local [spmem:s23], $0x280  }
0x298: {  	_ =	swait.ge [sflag:s11], $0x280  }
0x299: {  	[sflag:s11] =	ssyncset.done $0x0  }
0x29a: {  	s26 =	sshrl.u32 s0, $0x3;
	s0 =	rddreg [dreg:$0x1d];
	[sflag:s11] =	ssyncadd.s32 $0xFFFFFD80  }
0x29b: {  	[hbm:s0], [sflag:s4] =	dma.local [spmem:s26], $0xA  }
0x29c: {  	_ =	swait.ge [sflag:s11], $0xA  }
0x29d: {  	s10 =	sld [smem:$0x7DB]  }
0x29e: {  	[sflag:s11] =	ssyncset.done $0x0  }
0x29f: {  	s8 =	rddreg [dreg:$0x1e];
	[sflag:s11] =	ssyncadd.s32 $0xFFFFFFF6  }
0x2a0: {  	[hbm:s8], [sflag:s4] =	dma.local [spmem:s10], $0x280  }
0x2a1: {  	_ =	swait.ge [sflag:s11], $0x280  }
0x2a2: {  	[sflag:s11] =	ssyncset.done $0x0  }
0x2a3: {  	s12 =	sshrl.u32 s15, $0x3;
	s13 =	rddreg [dreg:$0x1f];
	[sflag:s11] =	ssyncadd.s32 $0xFFFFFD80  }
0x2a4: {  	[hbm:s13], [sflag:s4] =	dma.local [spmem:s12], $0xA  }
0x2a5: {  	_ =	swait.ge [sflag:s11], $0xA  }
0x2a6: {  	s0 =	sld [smem:$0x7D2]  }
0x2a7: {  	s6 =	sld [smem:$0x7DC]  }
0x2a8: {  	[sflag:s11] =	ssyncset.done $0x0  }
0x2a9: {  	s7 =	simm.s32 @!p0 $0x8;
	[sflag:s11] =	ssyncadd.s32 $0xFFFFFFF6  }
0x2aa: {  	[hbm:s0], [sflag:s4] =	dma.local @!p0 [spmem:s6], $0x280  }
0x2ab: {  	_ =	swait.ge @!p0 [sflag:s7], $0x280  }
0x2ac: {  	s0 =	sld [smem:$0x7FD]  }
0x2ad: {  	s6 =	sld [smem:$0x7D3]  }
0x2ae: {  	[sflag:s7] =	ssyncset.done @!p0 $0x0  }
0x2af: {  	[sflag:s7] =	ssyncadd.s32 @!p0 $0xFFFFFD80;
	s10 =	sshrl.u32 @!p0 s0, $0x3  }
0x2b0: {  	[hbm:s6], [sflag:s4] =	dma.local @!p0 [spmem:s10], $0xA  }
0x2b1: {  	s23 =	rddreg [dreg:$0x19];
	_ =	swait.ge @!p0 [sflag:s7], $0xA  }
0x2b2: {  	s10 =	sshll.u32 @!p0 s23, $0x7;
	s13 =	rddreg [dreg:$0x12]  }
0x2b3: {  	[sflag:s7] =	ssyncset.done @!p0 $0x0;
	s12 =	sadd.s32 @!p0 s13, s10;
	s10 =	sshrl.u32 @!p0 s10, $0x1  }
0x2b4: {  	s26 =	rddreg [dreg:$0x6];
	s12 =	sshrl.u32 @!p0 s12, $0x4;
	s10 =	sadd.s32 @!p0 s10, s3  }
0x2b5: {  	[sflag:s7] =	ssyncadd.s32 @!p0 $0xFFFFFFF6;
	s12 =	sadd.s32 @!p0 s26, s12;
	s10 =	sshrl.u32 @!p0 s10, $0x3  }
0x2b6: {  	[hbm:s12], [sflag:s4] =	dma.local @!p0 [spmem:s10], $0x280  }
0x2b7: {  	_ =	swait.ge @!p0 [sflag:s7], $0x280  }
0x2b8: {  	s6 =	rddreg [dreg:$0x15];
	[sflag:s7] =	ssyncset.done @!p0 $0x0  }
0x2b9: {  	s10 =	sadd.s32 @!p0 s6, s23;
	[sflag:s7] =	ssyncadd.s32 @!p0 $0xFFFFFD80  }
0x2ba: {  	s12 =	sadd.s32 @!p0 s23, s5;
	s10 =	sshrl.u32 @!p0 s10, $0x3;
	s23 =	rddreg [dreg:$0x2]  }
0x2bb: {  	s12 =	sshrl.u32 @!p0 s12, $0x3;
	s10 =	sadd.s32 @!p0 s23, s10  }
0x2bc: {  	[hbm:s10], [sflag:s4] =	dma.local @!p0 [spmem:s12], $0xA  }
0x2bd: {  	s8 =	rddreg [dreg:$0x1c]  }
0x2be: {  	s10 =	sshll.u32 @!p0 s8, $0x7  }
0x2bf: {  	_ =	swait.ge @!p0 [sflag:s7], $0xA;
	s12 =	sadd.s32 @!p0 s13, s10;
	s10 =	sshrl.u32 @!p0 s10, $0x1  }
0x2c0: {  	[sflag:s7] =	ssyncset.done @!p0 $0x0;
	s12 =	sshrl.u32 @!p0 s12, $0x4;
	s10 =	sadd.s32 @!p0 s10, s3  }
0x2c1: {  	[sflag:s7] =	ssyncadd.s32 @!p0 $0xFFFFFFF6;
	s12 =	sadd.s32 @!p0 s26, s12;
	s10 =	sshrl.u32 @!p0 s10, $0x3  }
0x2c2: {  	[hbm:s12], [sflag:s4] =	dma.local @!p0 [spmem:s10], $0x280  }
0x2c3: {  	s10 =	sadd.s32 @!p0 s6, s8;
	_ =	swait.ge @!p0 [sflag:s7], $0x280  }
0x2c4: {  	s12 =	sadd.s32 @!p0 s8, s5;
	s10 =	sshrl.u32 @!p0 s10, $0x3;
	[sflag:s7] =	ssyncset.done @!p0 $0x0  }
0x2c5: {  	s12 =	sshrl.u32 @!p0 s12, $0x3;
	s10 =	sadd.s32 @!p0 s23, s10;
	[sflag:s7] =	ssyncadd.s32 @!p0 $0xFFFFFD80  }
0x2c6: {  	[hbm:s10], [sflag:s4] =	dma.local @!p0 [spmem:s12], $0xA  }
0x2c7: {  	_ =	swait.ge @!p0 [sflag:s7], $0xA  }
0x2c8: {  	s26 =	smov.u32 s14;
	s14 =	sld [smem:$0x7D0]  }
0x2c9: {  	s23 =	smov.u32 s20;
	s20 =	sld [smem:$0x7D5];
	_ =	sdelay $0x1  }
0x2ca: {  	s4 =	sadd.s32 $0x1, s14  }
0x2cb: {  	p2 =	sne.s32 s4, s20  }
.Ltmp3:
0x2cc: {  	_ = 	snop;
	(pc) =	sbr.rel @p2 .LBB2_1-.Ltmp3, $3  }
0x2cd: {  	_ =	sdelay $0x1  }
0x2ce: {  	[sflag:s7] =	ssyncset.done @!p0 $0x0  }
0x2cf: {  	s10 =	smov.u32 s0;
	[sflag:s7] =	ssyncadd.s32 @!p0 $0xFFFFFFF6  }
0x2d0: {  	_ =	sfence.sel $0x180000  }
0x2d1: {  	[bflag:$0x0] =	sbarrier.arrive $0xFFFF  }
0x2d2: {  	_ =	strace $0x90000047  }
0x2d3: {  	s0 =	stileid.u32;
	[bflag:$0x2] =	sbarrier.arrive $0xFFFF  }
0x2d4: {  	p0 =	sne.s32 s0, $0x0;
	s0 =	rddreg [dreg:$0x5]  }
0x2d5: {  	s0 =	sadd.s32 @!p0 $0x100000, s0  }
0x2d6: {  	[sflag:s0] =	ssyncadd.tile.s32 @!p0 $0x1;
	_ =	shalt  }
.Lfunc_end2:
_tile_overlayer_lowered:
.L_overlay_start_2:
0x2d7: {  	(tag) =	ssettag $0x2  }
0x2d8: {  	s0 =	rddreg [dreg:$0x0];
	s2 =	stileid.u32  }
0x2d9: {  	s1 =	rddreg [dreg:$0x1];
	p0 =	sne.s32 s2, $0x0  }
0x2da: {  	s3 =	rddreg [dreg:$0x2];
	[bflag:$0x3] =	sbarrier.arrive $0xFFFF;
	s2 =	simm.s32 @!p0 $0x1C08  }
0x2db: {  	[timem:s3], [sflag:s2] =	dma.local @!p0 [hbm:s0], s1  }
0x2dc: {  	s0 =	simm.s32 @!p0 $0x8  }
0x2dd: {  	_ =	swait.ge @!p0 [sflag:s0], s1  }
0x2de: {  	s1 =	ssub.s32 @!p0 $0x0, s1;
	[sflag:s0] =	ssyncset.done @!p0 $0x0  }
0x2df: {  	[sflag:s0] =	ssyncadd.s32 @!p0 s1  }
0x2e0: {  	[bflag:$0x3] =	sbarrier.arrive $0xFFFF  }
0x2e1: {  	_ =	shalt  }

</sc_bundles>
